<compile_context>
chip_gen: v7x
topology: tpu7x:2x2x1
jax: 0.10.2.dev20260603
libtpu: 0.0.44.dev20260713+nightly
codegen_flags: <defaults>
</compile_context>

<pallas_src>
import jax
import jax.numpy as jnp
from jax.experimental import pallas as pl
from jax.experimental.pallas import tpu as pltpu
from jax.experimental.pallas import tpu_sc as plsc

_N = 20000
_NPAD = 20480
_ROWS = _NPAD // 128
_K = 6000
_OUT = 1000
_IOU_T = 0.7
_DEAD = -3.0e38

_CN = 6144
_CROWS = _CN // 128
_CPAD = 6400


def _select_body(s_ref, sw_ref):
    s = s_ref[...]
    sm = jnp.where(s > 0.0, s, -jnp.inf)
    sbits = jax.lax.bitcast_convert_type(sm, jnp.int32)

    ir = jax.lax.broadcasted_iota(jnp.int32, (_ROWS, 128), 0)
    ic = jax.lax.broadcasted_iota(jnp.int32, (_ROWS, 128), 1)
    iota = ir * 128 + ic

    def bs1(_, c):
        lo, hi = c
        mid = lo + (hi - lo) // 2
        cnt = jnp.sum(jnp.where(sbits >= mid, 1.0, 0.0))
        ge = cnt >= float(_K)
        return (jnp.where(ge, mid, lo), jnp.where(ge, hi, mid))

    lo, _ = jax.lax.fori_loop(0, 31, bs1, (jnp.int32(0), jnp.int32(0x7F800000)))

    cnt_gt = jnp.sum(jnp.where(sbits > lo, 1.0, 0.0))
    need = float(_K) - cnt_gt
    eq = sbits == lo

    def bs2(_, c):
        l2, h2 = c
        mid = l2 + (h2 - l2) // 2
        cc = jnp.sum(jnp.where(eq & (iota <= mid), 1.0, 0.0))
        ge = cc >= need
        return (jnp.where(ge, l2, mid), jnp.where(ge, mid, h2))

    _, tie_hi = jax.lax.fori_loop(
        0, 15, bs2, (jnp.int32(-1), jnp.int32(_NPAD - 1)))

    keep = (sbits > lo) | (eq & (iota <= tie_hi))
    sw_ref[...] = jnp.where(keep, sm, -jnp.inf)


_HCHUNK = _NPAD // 2


def _sc_compact_body(sw_hbm, x1_hbm, y1_hbm, x2_hbm, y2_hbm,
                     outs_hbm, ox1_hbm, oy1_hbm, ox2_hbm, oy2_hbm,
                     sbuf, b0, b1, b2, b3, cs, c0, c1, c2, c3):
    cid = jax.lax.axis_index("c")
    wid = jax.lax.axis_index("s")

    @pl.when((cid == 0) & (wid == 0))
    def _run():
        ninf = jnp.full((16,), _DEAD, jnp.float32)
        for i in range(_CPAD // 16):
            cs[pl.ds(i * 16, 16)] = ninf

        off = jnp.zeros((16,), jnp.int32)
        for half in range(2):
            e0 = half * _HCHUNK
            pltpu.sync_copy(sw_hbm.at[pl.ds(e0, _HCHUNK)], sbuf)
            pltpu.sync_copy(x1_hbm.at[pl.ds(e0, _HCHUNK)], b0)
            pltpu.sync_copy(y1_hbm.at[pl.ds(e0, _HCHUNK)], b1)
            pltpu.sync_copy(x2_hbm.at[pl.ds(e0, _HCHUNK)], b2)
            pltpu.sync_copy(y2_hbm.at[pl.ds(e0, _HCHUNK)], b3)

            def gbody(g, o):
                s = sbuf[pl.ds(g * 16, 16)]
                mask = s > 0.0
                mf = jnp.where(mask, 1.0, 0.0)
                incf = plsc.cumsum(mf)
                pos = o + (incf - mf).astype(jnp.int32)
                plsc.store_scatter(cs, [pos], s, mask=mask)
                plsc.store_scatter(c0, [pos], b0[pl.ds(g * 16, 16)], mask=mask)
                plsc.store_scatter(c1, [pos], b1[pl.ds(g * 16, 16)], mask=mask)
                plsc.store_scatter(c2, [pos], b2[pl.ds(g * 16, 16)], mask=mask)
                plsc.store_scatter(c3, [pos], b3[pl.ds(g * 16, 16)], mask=mask)
                return o + plsc.all_reduce_population_count(mask)

            off = jax.lax.fori_loop(0, _HCHUNK // 16, gbody, off)

        pltpu.sync_copy(cs, outs_hbm)
        pltpu.sync_copy(c0, ox1_hbm)
        pltpu.sync_copy(c1, oy1_hbm)
        pltpu.sync_copy(c2, ox2_hbm)
        pltpu.sync_copy(c3, oy2_hbm)


def _sc_compact(sw2d, x1f, y1f, x2f, y2f):
    mesh = plsc.VectorSubcoreMesh(core_axis_name="c", subcore_axis_name="s")
    f = pl.kernel(
        _sc_compact_body,
        out_type=tuple(
            jax.ShapeDtypeStruct((_CPAD,), jnp.float32) for _ in range(5)),
        mesh=mesh,
        compiler_params=pltpu.CompilerParams(needs_layout_passes=False),
        scratch_types=(
            pltpu.VMEM((_HCHUNK,), jnp.float32),
            pltpu.VMEM((_HCHUNK,), jnp.float32),
            pltpu.VMEM((_HCHUNK,), jnp.float32),
            pltpu.VMEM((_HCHUNK,), jnp.float32),
            pltpu.VMEM((_HCHUNK,), jnp.float32),
            pltpu.VMEM((_CPAD,), jnp.float32),
            pltpu.VMEM((_CPAD,), jnp.float32),
            pltpu.VMEM((_CPAD,), jnp.float32),
            pltpu.VMEM((_CPAD,), jnp.float32),
            pltpu.VMEM((_CPAD,), jnp.float32),
        ),
    )
    return f(sw2d, x1f, y1f, x2f, y2f)


def _combine(av, ai, bv, bi):
    cond = (av > bv) | ((av == bv) & (ai <= bi))
    return jnp.where(cond, av, bv), jnp.where(cond, ai, bi)


def _tree_combine(cands):
    while len(cands) > 1:
        nxt = [(_combine(*cands[i], *cands[i + 1]))
               for i in range(0, len(cands) - 1, 2)]
        if len(cands) % 2:
            nxt.append(cands[-1])
        cands = nxt
    return cands[0]


def _argmax_splat(v, ix):
    v01, i01 = _combine(v[0:8], ix[0:8], v[8:16], ix[8:16])
    v23, i23 = _combine(v[16:24], ix[16:24], v[24:32], ix[24:32])
    v45, i45 = _combine(v[32:40], ix[32:40], v[40:48], ix[40:48])
    va, ia = _combine(v01, i01, v23, i23)
    vb, ib = _combine(va, ia, v45, i45)
    cands = [(vb, ib)] + [(pltpu.roll(vb, k, 0), pltpu.roll(ib, k, 0))
                          for k in range(1, 8)]
    vb, ib = _tree_combine(cands)
    cands = [(vb, ib)] + [(pltpu.roll(vb, k, 1), pltpu.roll(ib, k, 1))
                          for k in range(1, 16)]
    vb, ib = _tree_combine(cands)
    cands = [(vb, ib)] + [(pltpu.roll(vb, k, 1), pltpu.roll(ib, k, 1))
                          for k in range(16, 128, 16)]
    vb, ib = _tree_combine(cands)
    return vb[0:1], ib[0:1]


def _nms_body(cols_ref, s_ref, xb1_ref, yb1_ref, xb2_ref, yb2_ref,
              out_ref, sw_ref, a2_ref, iota_ref):
    sw_ref[...] = s_ref[...]

    ir = jax.lax.broadcasted_iota(jnp.int32, (_CROWS, 128), 0)
    ic = jax.lax.broadcasted_iota(jnp.int32, (_CROWS, 128), 1)
    iota_ref[...] = (ir * 128 + ic).astype(jnp.float32)

    x1 = cols_ref[0]
    y1 = cols_ref[1]
    x2 = cols_ref[2]
    y2 = cols_ref[3]
    a2_ref[...] = (x2 - x1) * (y2 - y1)

    li = jax.lax.broadcasted_iota(jnp.int32, (1, 8), 1)

    def step(i, _):
        sw = sw_ref[...]
        m, ixm = _argmax_splat(sw, iota_ref[...])
        idx = ixm[0, 0].astype(jnp.int32)
        bx1 = xb1_ref[pl.ds(idx, 1), :]
        by1 = yb1_ref[pl.ds(idx, 1), :]
        bx2 = xb2_ref[pl.ds(idx, 1), :]
        by2 = yb2_ref[pl.ds(idx, 1), :]
        alive = m > 0.0
        area1 = (bx2 - bx1) * (by2 - by1)
        ltx = jnp.maximum(bx1, cols_ref[0])
        lty = jnp.maximum(by1, cols_ref[1])
        rbx = jnp.minimum(bx2, cols_ref[2])
        rby = jnp.minimum(by2, cols_ref[3])
        iw = jnp.maximum(rbx - ltx, 0.0)
        ih = jnp.maximum(rby - lty, 0.0)
        inter = iw * ih
        iou = inter / (area1 + a2_ref[...] - inter + 1e-9)
        sw_ref[...] = jnp.where(iou > _IOU_T, _DEAD, sw)
        a8 = alive[:, 0:8]
        row = (jnp.where((li == 0) & a8, bx1[:, 0:8], 0.0)
               + jnp.where((li == 1) & a8, by1[:, 0:8], 0.0)
               + jnp.where((li == 2) & a8, bx2[:, 0:8], 0.0)
               + jnp.where((li == 3) & a8, by2[:, 0:8], 0.0)
               + jnp.where((li == 4) & a8, m[:, 0:8], 0.0))
        out_ref[pl.ds(i, 1), :] = row
        return 0

    jax.lax.fori_loop(0, _OUT, step, 0)


def kernel(boxes, scores):
    boxes_r = jnp.pad(boxes, ((0, _NPAD - _N), (0, 0)))
    colsT = boxes_r.T.reshape(4, _ROWS, 128)
    s2d = jnp.pad(scores, (0, _NPAD - _N)).reshape(_ROWS, 128)

    sw2d = pl.pallas_call(
        _select_body,
        out_shape=jax.ShapeDtypeStruct((_ROWS, 128), jnp.float32),
    )(s2d)

    outs, ox1, oy1, ox2, oy2 = _sc_compact(
        sw2d.reshape(-1), colsT[0].reshape(-1), colsT[1].reshape(-1),
        colsT[2].reshape(-1), colsT[3].reshape(-1))

    csc = outs[:_CN].reshape(_CROWS, 128)
    ccols = jnp.stack([ox1[:_CN], oy1[:_CN], ox2[:_CN], oy2[:_CN]],
                      axis=0).reshape(4, _CROWS, 128)
    xb1 = jnp.broadcast_to(ox1[:_CN, None], (_CN, 128))
    yb1 = jnp.broadcast_to(oy1[:_CN, None], (_CN, 128))
    xb2 = jnp.broadcast_to(ox2[:_CN, None], (_CN, 128))
    yb2 = jnp.broadcast_to(oy2[:_CN, None], (_CN, 128))

    out = pl.pallas_call(
        _nms_body,
        out_shape=jax.ShapeDtypeStruct((1024, 8), jnp.float32),
        scratch_shapes=[
            pltpu.VMEM((_CROWS, 128), jnp.float32),
            pltpu.VMEM((_CROWS, 128), jnp.float32),
            pltpu.VMEM((_CROWS, 128), jnp.float32),
        ],
    )(ccols, csc, xb1, yb1, xb2, yb2)
    return out[:_OUT, :5]

# --- scband reference (transcript-rebuilt; emitter-appended) ---
"""Pipeline reference for scband-region-proposal-network-2104533975262 (READ-ONLY COPY).

The authoritative reference and input builder live on the scoring server;
editing this copy changes nothing except your own understanding.
"""

import jax, jax.numpy as jnp
import numpy as np

IOU_THRESH = 0.7
PRE_NMS_TOPK = 6000
POST_NMS_TOPK = 1000
SCORE_THRESH = 0.0
N_BOXES = 20000


def _box_iou_one_to_many(box, boxes):
    # box: [4], boxes: [M, 4] in (x1, y1, x2, y2)
    area1 = (box[2] - box[0]) * (box[3] - box[1])
    area2 = (boxes[:, 2] - boxes[:, 0]) * (boxes[:, 3] - boxes[:, 1])
    lt = jnp.maximum(box[:2], boxes[:, :2])
    rb = jnp.minimum(box[2:], boxes[:, 2:])
    wh = jnp.clip(rb - lt, 0.0)
    inter = wh[:, 0] * wh[:, 1]
    return inter / (area1 + area2 - inter + 1e-9)


def setup_inputs(seed: int = 0) -> dict:
    key = jax.random.key(seed)
    k1, k2, k3 = jax.random.split(key, 3)
    xy = jax.random.uniform(k1, (N_BOXES, 2), dtype=jnp.float32) * 1000.0
    wh = jax.random.uniform(k2, (N_BOXES, 2), dtype=jnp.float32) * 120.0 + 4.0
    boxes = jnp.concatenate([xy, xy + wh], axis=1)  # valid x1y1x2y2 boxes
    scores = jax.random.normal(k3, (N_BOXES,), dtype=jnp.float32)
    return {"boxes": boxes, "scores": scores}


def reference(boxes, scores):
    # RPN proposal filtering: score threshold -> pre-NMS top-k -> greedy NMS -> post-NMS top-k.
    scores_m = jnp.where(scores > SCORE_THRESH, scores, -jnp.inf)
    top_scores, top_idx = jax.lax.top_k(scores_m, PRE_NMS_TOPK)
    top_boxes = jnp.take(boxes, top_idx, axis=0)  # [PRE_NMS_TOPK, 4]

    def step(scores_w, _):
        best = jnp.argmax(scores_w)
        alive = scores_w[best] > -jnp.inf
        w = jnp.where(alive, 1.0, 0.0)
        best_box = top_boxes[best]
        best_score = jnp.where(alive, top_scores[best], 0.0)
        ious = _box_iou_one_to_many(best_box, top_boxes)
        # suppress overlapping boxes (includes self, since IoU(self)=1 > thresh)
        new_scores = jnp.where(ious > IOU_THRESH, -jnp.inf, scores_w)
        out_row = jnp.concatenate([best_box * w, best_score[None]])
        return new_scores, out_row

    _, out = jax.lax.scan(step, top_scores, None, length=POST_NMS_TOPK)
    return out  # [POST_NMS_TOPK, 5]: (x1, y1, x2, y2, score), zero-padded if exhausted

if __name__ == "__main__":
    import jax
    _d = setup_inputs()
    print(jax.jit(kernel)(*tuple(_d.values())))

</pallas_src>

<mosaic_0001>
#map = affine_map<(d0, d1) -> (0)>
module attributes {stable_mosaic.version = 14 : i64} {
  func.func @_sc_compact_body(%arg0: i32, %arg1: i32, %arg2: memref<20480xf32, #tpu.memory_space<hbm>>, %arg3: memref<20480xf32, #tpu.memory_space<hbm>>, %arg4: memref<20480xf32, #tpu.memory_space<hbm>>, %arg5: memref<20480xf32, #tpu.memory_space<hbm>>, %arg6: memref<20480xf32, #tpu.memory_space<hbm>>, %arg7: memref<6400xf32, #tpu.memory_space<hbm>>, %arg8: memref<6400xf32, #tpu.memory_space<hbm>>, %arg9: memref<6400xf32, #tpu.memory_space<hbm>>, %arg10: memref<6400xf32, #tpu.memory_space<hbm>>, %arg11: memref<6400xf32, #tpu.memory_space<hbm>>, %arg12: memref<10240xf32, #tpu.memory_space<vmem>>, %arg13: memref<10240xf32, #tpu.memory_space<vmem>>, %arg14: memref<10240xf32, #tpu.memory_space<vmem>>, %arg15: memref<10240xf32, #tpu.memory_space<vmem>>, %arg16: memref<10240xf32, #tpu.memory_space<vmem>>, %arg17: memref<6400xf32, #tpu.memory_space<vmem>>, %arg18: memref<6400xf32, #tpu.memory_space<vmem>>, %arg19: memref<6400xf32, #tpu.memory_space<vmem>>, %arg20: memref<6400xf32, #tpu.memory_space<vmem>>, %arg21: memref<6400xf32, #tpu.memory_space<vmem>>) attributes {dimension_semantics = [#tpu.dimension_semantics<core_parallel>, #tpu.dimension_semantics<subcore_parallel>], iteration_bounds = array<i64: 2, 16>, scalar_prefetch = 0 : i64, scratch_operands = 10 : i64, tpu.core_type = #tpu.core_type<sc_vector_subcore>, window_params = [{transform_indices = #map}, {transform_indices = #map}, {transform_indices = #map}, {transform_indices = #map}, {transform_indices = #map}, {transform_indices = #map}, {transform_indices = #map}, {transform_indices = #map}, {transform_indices = #map}, {transform_indices = #map}]} {
    %eq3A = arith.constant 0 : i32
    %eq3A_0 = arith.cmpi eq, %arg0, %eq3A : i32
    %eq3A_1 = arith.constant 0 : i32
    %eq3A_2 = arith.cmpi eq, %arg1, %eq3A_1 : i32
    %and3A = arith.andi %eq3A_0, %eq3A_2 : i1
    %convert_element_type3A = arith.extui %and3A : i1 to i32
    %cond3A = arith.constant 0 : i32
    %cond3A_3 = arith.cmpi ne, %convert_element_type3A, %cond3A : i32
    scf.if %cond3A_3 {
      %broadcast_in_dim3A = arith.constant -3.000000e+38 : f32
      %broadcast_in_dim3A_4 = vector.broadcast %broadcast_in_dim3A : f32 to vector<16xf32>
      %swap3A = arith.constant 0 : index
      %swap3A_5 = tpu.vector_load %arg17[%swap3A] {strides = array<i32>} : memref<6400xf32, #tpu.memory_space<vmem>>, vector<16xf32>,
      tpu.vector_store %arg17[%swap3A], %broadcast_in_dim3A_4 {strides = array<i32>} : memref<6400xf32, #tpu.memory_space<vmem>>, vector<16xf32>,
      %swap3A_6 = arith.constant 16 : index
      %swap3A_7 = tpu.vector_load %arg17[%swap3A_6] {strides = array<i32>} : memref<6400xf32, #tpu.memory_space<vmem>>, vector<16xf32>,
      tpu.vector_store %arg17[%swap3A_6], %broadcast_in_dim3A_4 {strides = array<i32>} : memref<6400xf32, #tpu.memory_space<vmem>>, vector<16xf32>,
      %swap3A_8 = arith.constant 32 : index
      %swap3A_9 = tpu.vector_load %arg17[%swap3A_8] {strides = array<i32>} : memref<6400xf32, #tpu.memory_space<vmem>>, vector<16xf32>,
      tpu.vector_store %arg17[%swap3A_8], %broadcast_in_dim3A_4 {strides = array<i32>} : memref<6400xf32, #tpu.memory_space<vmem>>, vector<16xf32>,
      %swap3A_10 = arith.constant 48 : index
      %swap3A_11 = tpu.vector_load %arg17[%swap3A_10] {strides = array<i32>} : memref<6400xf32, #tpu.memory_space<vmem>>, vector<16xf32>,
      tpu.vector_store %arg17[%swap3A_10], %broadcast_in_dim3A_4 {strides = array<i32>} : memref<6400xf32, #tpu.memory_space<vmem>>, vector<16xf32>,
      %swap3A_12 = arith.constant 64 : index
      %swap3A_13 = tpu.vector_load %arg17[%swap3A_12] {strides = array<i32>} : memref<6400xf32, #tpu.memory_space<vmem>>, vector<16xf32>,
      tpu.vector_store %arg17[%swap3A_12], %broadcast_in_dim3A_4 {strides = array<i32>} : memref<6400xf32, #tpu.memory_space<vmem>>, vector<16xf32>,
      %swap3A_14 = arith.constant 80 : index
      %swap3A_15 = tpu.vector_load %arg17[%swap3A_14] {strides = array<i32>} : memref<6400xf32, #tpu.memory_space<vmem>>, vector<16xf32>,
      tpu.vector_store %arg17[%swap3A_14], %broadcast_in_dim3A_4 {strides = array<i32>} : memref<6400xf32, #tpu.memory_space<vmem>>, vector<16xf32>,
      %swap3A_16 = arith.constant 96 : index
      %swap3A_17 = tpu.vector_load %arg17[%swap3A_16] {strides = array<i32>} : memref<6400xf32, #tpu.memory_space<vmem>>, vector<16xf32>,
      tpu.vector_store %arg17[%swap3A_16], %broadcast_in_dim3A_4 {strides = array<i32>} : memref<6400xf32, #tpu.memory_space<vmem>>, vector<16xf32>,
      %swap3A_18 = arith.constant 112 : index
      %swap3A_19 = tpu.vector_load %arg17[%swap3A_18] {strides = array<i32>} : memref<6400xf32, #tpu.memory_space<vmem>>, vector<16xf32>,
      tpu.vector_store %arg17[%swap3A_18], %broadcast_in_dim3A_4 {strides = array<i32>} : memref<6400xf32, #tpu.memory_space<vmem>>, vector<16xf32>,
      %swap3A_20 = arith.constant 128 : index
      %swap3A_21 = tpu.vector_load %arg17[%swap3A_20] {strides = array<i32>} : memref<6400xf32, #tpu.memory_space<vmem>>, vector<16xf32>,
      tpu.vector_store %arg17[%swap3A_20], %broadcast_in_dim3A_4 {strides = array<i32>} : memref<6400xf32, #tpu.memory_space<vmem>>, vector<16xf32>,
      %swap3A_22 = arith.constant 144 : index
      %swap3A_23 = tpu.vector_load %arg17[%swap3A_22] {strides = array<i32>} : memref<6400xf32, #tpu.memory_space<vmem>>, vector<16xf32>,
      tpu.vector_store %arg17[%swap3A_22], %broadcast_in_dim3A_4 {strides = array<i32>} : memref<6400xf32, #tpu.memory_space<vmem>>, vector<16xf32>,
      %swap3A_24 = arith.constant 160 : index
      %swap3A_25 = tpu.vector_load %arg17[%swap3A_24] {strides = array<i32>} : memref<6400xf32, #tpu.memory_space<vmem>>, vector<16xf32>,
      tpu.vector_store %arg17[%swap3A_24], %broadcast_in_dim3A_4 {strides = array<i32>} : memref<6400xf32, #tpu.memory_space<vmem>>, vector<16xf32>,
      %swap3A_26 = arith.constant 176 : index
      %swap3A_27 = tpu.vector_load %arg17[%swap3A_26] {strides = array<i32>} : memref<6400xf32, #tpu.memory_space<vmem>>, vector<16xf32>,
      tpu.vector_store %arg17[%swap3A_26], %broadcast_in_dim3A_4 {strides = array<i32>} : memref<6400xf32, #tpu.memory_space<vmem>>, vector<16xf32>,
      %swap3A_28 = arith.constant 192 : index
      %swap3A_29 = tpu.vector_load %arg17[%swap3A_28] {strides = array<i32>} : memref<6400xf32, #tpu.memory_space<vmem>>, vector<16xf32>,
      tpu.vector_store %arg17[%swap3A_28], %broadcast_in_dim3A_4 {strides = array<i32>} : memref<6400xf32, #tpu.memory_space<vmem>>, vector<16xf32>,
      %swap3A_30 = arith.constant 208 : index
      %swap3A_31 = tpu.vector_load %arg17[%swap3A_30] {strides = array<i32>} : memref<6400xf32, #tpu.memory_space<vmem>>, vector<16xf32>,
      tpu.vector_store %arg17[%swap3A_30], %broadcast_in_dim3A_4 {strides = array<i32>} : memref<6400xf32, #tpu.memory_space<vmem>>, vector<16xf32>,
      %swap3A_32 = arith.constant 224 : index
      %swap3A_33 = tpu.vector_load %arg17[%swap3A_32] {strides = array<i32>} : memref<6400xf32, #tpu.memory_space<vmem>>, vector<16xf32>,
      tpu.vector_store %arg17[%swap3A_32], %broadcast_in_dim3A_4 {strides = array<i32>} : memref<6400xf32, #tpu.memory_space<vmem>>, vector<16xf32>,
      %swap3A_34 = arith.constant 240 : index
      %swap3A_35 = tpu.vector_load %arg17[%swap3A_34] {strides = array<i32>} : memref<6400xf32, #tpu.memory_space<vmem>>, vector<16xf32>,
      tpu.vector_store %arg17[%swap3A_34], %broadcast_in_dim3A_4 {strides = array<i32>} : memref<6400xf32, #tpu.memory_space<vmem>>, vector<16xf32>,
      %swap3A_36 = arith.constant 256 : index
      %swap3A_37 = tpu.vector_load %arg17[%swap3A_36] {strides = array<i32>} : memref<6400xf32, #tpu.memory_space<vmem>>, vector<16xf32>,
      tpu.vector_store %arg17[%swap3A_36], %broadcast_in_dim3A_4 {strides = array<i32>} : memref<6400xf32, #tpu.memory_space<vmem>>, vector<16xf32>,
      %swap3A_38 = arith.constant 272 : index
      %swap3A_39 = tpu.vector_load %arg17[%swap3A_38] {strides = array<i32>} : memref<6400xf32, #tpu.memory_space<vmem>>, vector<16xf32>,
      tpu.vector_store %arg17[%swap3A_38], %broadcast_in_dim3A_4 {strides = array<i32>} : memref<6400xf32, #tpu.memory_space<vmem>>, vector<16xf32>,
      %swap3A_40 = arith.constant 288 : index
      %swap3A_41 = tpu.vector_load %arg17[%swap3A_40] {strides = array<i32>} : memref<6400xf32, #tpu.memory_space<vmem>>, vector<16xf32>,
      tpu.vector_store %arg17[%swap3A_40], %broadcast_in_dim3A_4 {strides = array<i32>} : memref<6400xf32, #tpu.memory_space<vmem>>, vector<16xf32>,
      %swap3A_42 = arith.constant 304 : index
      %swap3A_43 = tpu.vector_load %arg17[%swap3A_42] {strides = array<i32>} : memref<6400xf32, #tpu.memory_space<vmem>>, vector<16xf32>,
      tpu.vector_store %arg17[%swap3A_42], %broadcast_in_dim3A_4 {strides = array<i32>} : memref<6400xf32, #tpu.memory_space<vmem>>, vector<16xf32>,
      %swap3A_44 = arith.constant 320 : index
      %swap3A_45 = tpu.vector_load %arg17[%swap3A_44] {strides = array<i32>} : memref<6400xf32, #tpu.memory_space<vmem>>, vector<16xf32>,
      tpu.vector_store %arg17[%swap3A_44], %broadcast_in_dim3A_4 {strides = array<i32>} : memref<6400xf32, #tpu.memory_space<vmem>>, vector<16xf32>,
      %swap3A_46 = arith.constant 336 : index
      %swap3A_47 = tpu.vector_load %arg17[%swap3A_46] {strides = array<i32>} : memref<6400xf32, #tpu.memory_space<vmem>>, vector<16xf32>,
      tpu.vector_store %arg17[%swap3A_46], %broadcast_in_dim3A_4 {strides = array<i32>} : memref<6400xf32, #tpu.memory_space<vmem>>, vector<16xf32>,
      %swap3A_48 = arith.constant 352 : index
      %swap3A_49 = tpu.vector_load %arg17[%swap3A_48] {strides = array<i32>} : memref<6400xf32, #tpu.memory_space<vmem>>, vector<16xf32>,
      tpu.vector_store %arg17[%swap3A_48], %broadcast_in_dim3A_4 {strides = array<i32>} : memref<6400xf32, #tpu.memory_space<vmem>>, vector<16xf32>,
      %swap3A_50 = arith.constant 368 : index
      %swap3A_51 = tpu.vector_load %arg17[%swap3A_50] {strides = array<i32>} : memref<6400xf32, #tpu.memory_space<vmem>>, vector<16xf32>,
      tpu.vector_store %arg17[%swap3A_50], %broadcast_in_dim3A_4 {strides = array<i32>} : memref<6400xf32, #tpu.memory_space<vmem>>, vector<16xf32>,
      %swap3A_52 = arith.constant 384 : index
      %swap3A_53 = tpu.vector_load %arg17[%swap3A_52] {strides = array<i32>} : memref<6400xf32, #tpu.memory_space<vmem>>, vector<16xf32>,
      tpu.vector_store %arg17[%swap3A_52], %broadcast_in_dim3A_4 {strides = array<i32>} : memref<6400xf32, #tpu.memory_space<vmem>>, vector<16xf32>,
      %swap3A_54 = arith.constant 400 : index
      %swap3A_55 = tpu.vector_load %arg17[%swap3A_54] {strides = array<i32>} : memref<6400xf32, #tpu.memory_space<vmem>>, vector<16xf32>,
      tpu.vector_store %arg17[%swap3A_54], %broadcast_in_dim3A_4 {strides = array<i32>} : memref<6400xf32, #tpu.memory_space<vmem>>, vector<16xf32>,
      %swap3A_56 = arith.constant 416 : index
      %swap3A_57 = tpu.vector_load %arg17[%swap3A_56] {strides = array<i32>} : memref<6400xf32, #tpu.memory_space<vmem>>, vector<16xf32>,
      tpu.vector_store %arg17[%swap3A_56], %broadcast_in_dim3A_4 {strides = array<i32>} : memref<6400xf32, #tpu.memory_space<vmem>>, vector<16xf32>,
      %swap3A_58 = arith.constant 432 : index
      %swap3A_59 = tpu.vector_load %arg17[%swap3A_58] {strides = array<i32>} : memref<6400xf32, #tpu.memory_space<vmem>>, vector<16xf32>,
      tpu.vector_store %arg17[%swap3A_58], %broadcast_in_dim3A_4 {strides = array<i32>} : memref<6400xf32, #tpu.memory_space<vmem>>, vector<16xf32>,
      %swap3A_60 = arith.constant 448 : index
      %swap3A_61 = tpu.vector_load %arg17[%swap3A_60] {strides = array<i32>} : memref<6400xf32, #tpu.memory_space<vmem>>, vector<16xf32>,
      tpu.vector_store %arg17[%swap3A_60], %broadcast_in_dim3A_4 {strides = array<i32>} : memref<6400xf32, #tpu.memory_space<vmem>>, vector<16xf32>,
      %swap3A_62 = arith.constant 464 : index
      %swap3A_63 = tpu.vector_load %arg17[%swap3A_62] {strides = array<i32>} : memref<6400xf32, #tpu.memory_space<vmem>>, vector<16xf32>,
      tpu.vector_store %arg17[%swap3A_62], %broadcast_in_dim3A_4 {strides = array<i32>} : memref<6400xf32, #tpu.memory_space<vmem>>, vector<16xf32>,
      %swap3A_64 = arith.constant 480 : index
      %swap3A_65 = tpu.vector_load %arg17[%swap3A_64] {strides = array<i32>} : memref<6400xf32, #tpu.memory_space<vmem>>, vector<16xf32>,
      tpu.vector_store %arg17[%swap3A_64], %broadcast_in_dim3A_4 {strides = array<i32>} : memref<6400xf32, #tpu.memory_space<vmem>>, vector<16xf32>,
      %swap3A_66 = arith.constant 496 : index
      %swap3A_67 = tpu.vector_load %arg17[%swap3A_66] {strides = array<i32>} : memref<6400xf32, #tpu.memory_space<vmem>>, vector<16xf32>,
      tpu.vector_store %arg17[%swap3A_66], %broadcast_in_dim3A_4 {strides = array<i32>} : memref<6400xf32, #tpu.memory_space<vmem>>, vector<16xf32>,
      %swap3A_68 = arith.constant 512 : index
      %swap3A_69 = tpu.vector_load %arg17[%swap3A_68] {strides = array<i32>} : memref<6400xf32, #tpu.memory_space<vmem>>, vector<16xf32>,
      tpu.vector_store %arg17[%swap3A_68], %broadcast_in_dim3A_4 {strides = array<i32>} : memref<6400xf32, #tpu.memory_space<vmem>>, vector<16xf32>,
      %swap3A_70 = arith.constant 528 : index
      %swap3A_71 = tpu.vector_load %arg17[%swap3A_70] {strides = array<i32>} : memref<6400xf32, #tpu.memory_space<vmem>>, vector<16xf32>,
      tpu.vector_store %arg17[%swap3A_70], %broadcast_in_dim3A_4 {strides = array<i32>} : memref<6400xf32, #tpu.memory_space<vmem>>, vector<16xf32>,
      %swap3A_72 = arith.constant 544 : index
      %swap3A_73 = tpu.vector_load %arg17[%swap3A_72] {strides = array<i32>} : memref<6400xf32, #tpu.memory_space<vmem>>, vector<16xf32>,
      tpu.vector_store %arg17[%swap3A_72], %broadcast_in_dim3A_4 {strides = array<i32>} : memref<6400xf32, #tpu.memory_space<vmem>>, vector<16xf32>,
      %swap3A_74 = arith.constant 560 : index
      %swap3A_75 = tpu.vector_load %arg17[%swap3A_74] {strides = array<i32>} : memref<6400xf32, #tpu.memory_space<vmem>>, vector<16xf32>,
      tpu.vector_store %arg17[%swap3A_74], %broadcast_in_dim3A_4 {strides = array<i32>} : memref<6400xf32, #tpu.memory_space<vmem>>, vector<16xf32>,
      %swap3A_76 = arith.constant 576 : index
      %swap3A_77 = tpu.vector_load %arg17[%swap3A_76] {strides = array<i32>} : memref<6400xf32, #tpu.memory_space<vmem>>, vector<16xf32>,
      tpu.vector_store %arg17[%swap3A_76], %broadcast_in_dim3A_4 {strides = array<i32>} : memref<6400xf32, #tpu.memory_space<vmem>>, vector<16xf32>,
      %swap3A_78 = arith.constant 592 : index
      %swap3A_79 = tpu.vector_load %arg17[%swap3A_78] {strides = array<i32>} : memref<6400xf32, #tpu.memory_space<vmem>>, vector<16xf32>,
      tpu.vector_store %arg17[%swap3A_78], %broadcast_in_dim3A_4 {strides = array<i32>} : memref<6400xf32, #tpu.memory_space<vmem>>, vector<16xf32>,
      %swap3A_80 = arith.constant 608 : index
      %swap3A_81 = tpu.vector_load %arg17[%swap3A_80] {strides = array<i32>} : memref<6400xf32, #tpu.memory_space<vmem>>, vector<16xf32>,
      tpu.vector_store %arg17[%swap3A_80], %broadcast_in_dim3A_4 {strides = array<i32>} : memref<6400xf32, #tpu.memory_space<vmem>>, vector<16xf32>,
      %swap3A_82 = arith.constant 624 : index
      %swap3A_83 = tpu.vector_load %arg17[%swap3A_82] {strides = array<i32>} : memref<6400xf32, #tpu.memory_space<vmem>>, vector<16xf32>,
      tpu.vector_store %arg17[%swap3A_82], %broadcast_in_dim3A_4 {strides = array<i32>} : memref<6400xf32, #tpu.memory_space<vmem>>, vector<16xf32>,
      %swap3A_84 = arith.constant 640 : index
      %swap3A_85 = tpu.vector_load %arg17[%swap3A_84] {strides = array<i32>} : memref<6400xf32, #tpu.memory_space<vmem>>, vector<16xf32>,
      tpu.vector_store %arg17[%swap3A_84], %broadcast_in_dim3A_4 {strides = array<i32>} : memref<6400xf32, #tpu.memory_space<vmem>>, vector<16xf32>,
      %swap3A_86 = arith.constant 656 : index
      %swap3A_87 = tpu.vector_load %arg17[%swap3A_86] {strides = array<i32>} : memref<6400xf32, #tpu.memory_space<vmem>>, vector<16xf32>,
      tpu.vector_store %arg17[%swap3A_86], %broadcast_in_dim3A_4 {strides = array<i32>} : memref<6400xf32, #tpu.memory_space<vmem>>, vector<16xf32>,
      %swap3A_88 = arith.constant 672 : index
      %swap3A_89 = tpu.vector_load %arg17[%swap3A_88] {strides = array<i32>} : memref<6400xf32, #tpu.memory_space<vmem>>, vector<16xf32>,
      tpu.vector_store %arg17[%swap3A_88], %broadcast_in_dim3A_4 {strides = array<i32>} : memref<6400xf32, #tpu.memory_space<vmem>>, vector<16xf32>,
      %swap3A_90 = arith.constant 688 : index
      %swap3A_91 = tpu.vector_load %arg17[%swap3A_90] {strides = array<i32>} : memref<6400xf32, #tpu.memory_space<vmem>>, vector<16xf32>,
      tpu.vector_store %arg17[%swap3A_90], %broadcast_in_dim3A_4 {strides = array<i32>} : memref<6400xf32, #tpu.memory_space<vmem>>, vector<16xf32>,
      %swap3A_92 = arith.constant 704 : index
      %swap3A_93 = tpu.vector_load %arg17[%swap3A_92] {strides = array<i32>} : memref<6400xf32, #tpu.memory_space<vmem>>, vector<16xf32>,
      tpu.vector_store %arg17[%swap3A_92], %broadcast_in_dim3A_4 {strides = array<i32>} : memref<6400xf32, #tpu.memory_space<vmem>>, vector<16xf32>,
      %swap3A_94 = arith.constant 720 : index
      %swap3A_95 = tpu.vector_load %arg17[%swap3A_94] {strides = array<i32>} : memref<6400xf32, #tpu.memory_space<vmem>>, vector<16xf32>,
      tpu.vector_store %arg17[%swap3A_94], %broadcast_in_dim3A_4 {strides = array<i32>} : memref<6400xf32, #tpu.memory_space<vmem>>, vector<16xf32>,
      %swap3A_96 = arith.constant 736 : index
      %swap3A_97 = tpu.vector_load %arg17[%swap3A_96] {strides = array<i32>} : memref<6400xf32, #tpu.memory_space<vmem>>, vector<16xf32>,
      tpu.vector_store %arg17[%swap3A_96], %broadcast_in_dim3A_4 {strides = array<i32>} : memref<6400xf32, #tpu.memory_space<vmem>>, vector<16xf32>,
      %swap3A_98 = arith.constant 752 : index
      %swap3A_99 = tpu.vector_load %arg17[%swap3A_98] {strides = array<i32>} : memref<6400xf32, #tpu.memory_space<vmem>>, vector<16xf32>,
      tpu.vector_store %arg17[%swap3A_98], %broadcast_in_dim3A_4 {strides = array<i32>} : memref<6400xf32, #tpu.memory_space<vmem>>, vector<16xf32>,
      %swap3A_100 = arith.constant 768 : index
      %swap3A_101 = tpu.vector_load %arg17[%swap3A_100] {strides = array<i32>} : memref<6400xf32, #tpu.memory_space<vmem>>, vector<16xf32>,
      tpu.vector_store %arg17[%swap3A_100], %broadcast_in_dim3A_4 {strides = array<i32>} : memref<6400xf32, #tpu.memory_space<vmem>>, vector<16xf32>,
      %swap3A_102 = arith.constant 784 : index
      %swap3A_103 = tpu.vector_load %arg17[%swap3A_102] {strides = array<i32>} : memref<6400xf32, #tpu.memory_space<vmem>>, vector<16xf32>,
      tpu.vector_store %arg17[%swap3A_102], %broadcast_in_dim3A_4 {strides = array<i32>} : memref<6400xf32, #tpu.memory_space<vmem>>, vector<16xf32>,
      %swap3A_104 = arith.constant 800 : index
      %swap3A_105 = tpu.vector_load %arg17[%swap3A_104] {strides = array<i32>} : memref<6400xf32, #tpu.memory_space<vmem>>, vector<16xf32>,
      tpu.vector_store %arg17[%swap3A_104], %broadcast_in_dim3A_4 {strides = array<i32>} : memref<6400xf32, #tpu.memory_space<vmem>>, vector<16xf32>,
      %swap3A_106 = arith.constant 816 : index
      %swap3A_107 = tpu.vector_load %arg17[%swap3A_106] {strides = array<i32>} : memref<6400xf32, #tpu.memory_space<vmem>>, vector<16xf32>,
      tpu.vector_store %arg17[%swap3A_106], %broadcast_in_dim3A_4 {strides = array<i32>} : memref<6400xf32, #tpu.memory_space<vmem>>, vector<16xf32>,
      %swap3A_108 = arith.constant 832 : index
      %swap3A_109 = tpu.vector_load %arg17[%swap3A_108] {strides = array<i32>} : memref<6400xf32, #tpu.memory_space<vmem>>, vector<16xf32>,
      tpu.vector_store %arg17[%swap3A_108], %broadcast_in_dim3A_4 {strides = array<i32>} : memref<6400xf32, #tpu.memory_space<vmem>>, vector<16xf32>,
      %swap3A_110 = arith.constant 848 : index
      %swap3A_111 = tpu.vector_load %arg17[%swap3A_110] {strides = array<i32>} : memref<6400xf32, #tpu.memory_space<vmem>>, vector<16xf32>,
      tpu.vector_store %arg17[%swap3A_110], %broadcast_in_dim3A_4 {strides = array<i32>} : memref<6400xf32, #tpu.memory_space<vmem>>, vector<16xf32>,
      %swap3A_112 = arith.constant 864 : index
      %swap3A_113 = tpu.vector_load %arg17[%swap3A_112] {strides = array<i32>} : memref<6400xf32, #tpu.memory_space<vmem>>, vector<16xf32>,
      tpu.vector_store %arg17[%swap3A_112], %broadcast_in_dim3A_4 {strides = array<i32>} : memref<6400xf32, #tpu.memory_space<vmem>>, vector<16xf32>,
      %swap3A_114 = arith.constant 880 : index
      %swap3A_115 = tpu.vector_load %arg17[%swap3A_114] {strides = array<i32>} : memref<6400xf32, #tpu.memory_space<vmem>>, vector<16xf32>,
      tpu.vector_store %arg17[%swap3A_114], %broadcast_in_dim3A_4 {strides = array<i32>} : memref<6400xf32, #tpu.memory_space<vmem>>, vector<16xf32>,
      %swap3A_116 = arith.constant 896 : index
      %swap3A_117 = tpu.vector_load %arg17[%swap3A_116] {strides = array<i32>} : memref<6400xf32, #tpu.memory_space<vmem>>, vector<16xf32>,
      tpu.vector_store %arg17[%swap3A_116], %broadcast_in_dim3A_4 {strides = array<i32>} : memref<6400xf32, #tpu.memory_space<vmem>>, vector<16xf32>,
      %swap3A_118 = arith.constant 912 : index
      %swap3A_119 = tpu.vector_load %arg17[%swap3A_118] {strides = array<i32>} : memref<6400xf32, #tpu.memory_space<vmem>>, vector<16xf32>,
      tpu.vector_store %arg17[%swap3A_118], %broadcast_in_dim3A_4 {strides = array<i32>} : memref<6400xf32, #tpu.memory_space<vmem>>, vector<16xf32>,
      %swap3A_120 = arith.constant 928 : index
      %swap3A_121 = tpu.vector_load %arg17[%swap3A_120] {strides = array<i32>} : memref<6400xf32, #tpu.memory_space<vmem>>, vector<16xf32>,
      tpu.vector_store %arg17[%swap3A_120], %broadcast_in_dim3A_4 {strides = array<i32>} : memref<6400xf32, #tpu.memory_space<vmem>>, vector<16xf32>,
      %swap3A_122 = arith.constant 944 : index
      %swap3A_123 = tpu.vector_load %arg17[%swap3A_122] {strides = array<i32>} : memref<6400xf32, #tpu.memory_space<vmem>>, vector<16xf32>,
      tpu.vector_store %arg17[%swap3A_122], %broadcast_in_dim3A_4 {strides = array<i32>} : memref<6400xf32, #tpu.memory_space<vmem>>, vector<16xf32>,
      %swap3A_124 = arith.constant 960 : index
      %swap3A_125 = tpu.vector_load %arg17[%swap3A_124] {strides = array<i32>} : memref<6400xf32, #tpu.memory_space<vmem>>, vector<16xf32>,
      tpu.vector_store %arg17[%swap3A_124], %broadcast_in_dim3A_4 {strides = array<i32>} : memref<6400xf32, #tpu.memory_space<vmem>>, vector<16xf32>,
      %swap3A_126 = arith.constant 976 : index
      %swap3A_127 = tpu.vector_load %arg17[%swap3A_126] {strides = array<i32>} : memref<6400xf32, #tpu.memory_space<vmem>>, vector<16xf32>,
      tpu.vector_store %arg17[%swap3A_126], %broadcast_in_dim3A_4 {strides = array<i32>} : memref<6400xf32, #tpu.memory_space<vmem>>, vector<16xf32>,
      %swap3A_128 = arith.constant 992 : index
      %swap3A_129 = tpu.vector_load %arg17[%swap3A_128] {strides = array<i32>} : memref<6400xf32, #tpu.memory_space<vmem>>, vector<16xf32>,
      tpu.vector_store %arg17[%swap3A_128], %broadcast_in_dim3A_4 {strides = array<i32>} : memref<6400xf32, #tpu.memory_space<vmem>>, vector<16xf32>,
      %swap3A_130 = arith.constant 1008 : index
      %swap3A_131 = tpu.vector_load %arg17[%swap3A_130] {strides = array<i32>} : memref<6400xf32, #tpu.memory_space<vmem>>, vector<16xf32>,
      tpu.vector_store %arg17[%swap3A_130], %broadcast_in_dim3A_4 {strides = array<i32>} : memref<6400xf32, #tpu.memory_space<vmem>>, vector<16xf32>,
      %swap3A_132 = arith.constant 1024 : index
      %swap3A_133 = tpu.vector_load %arg17[%swap3A_132] {strides = array<i32>} : memref<6400xf32, #tpu.memory_space<vmem>>, vector<16xf32>,
      tpu.vector_store %arg17[%swap3A_132], %broadcast_in_dim3A_4 {strides = array<i32>} : memref<6400xf32, #tpu.memory_space<vmem>>, vector<16xf32>,
      %swap3A_134 = arith.constant 1040 : index
      %swap3A_135 = tpu.vector_load %arg17[%swap3A_134] {strides = array<i32>} : memref<6400xf32, #tpu.memory_space<vmem>>, vector<16xf32>,
      tpu.vector_store %arg17[%swap3A_134], %broadcast_in_dim3A_4 {strides = array<i32>} : memref<6400xf32, #tpu.memory_space<vmem>>, vector<16xf32>,
      %swap3A_136 = arith.constant 1056 : index
      %swap3A_137 = tpu.vector_load %arg17[%swap3A_136] {strides = array<i32>} : memref<6400xf32, #tpu.memory_space<vmem>>, vector<16xf32>,
      tpu.vector_store %arg17[%swap3A_136], %broadcast_in_dim3A_4 {strides = array<i32>} : memref<6400xf32, #tpu.memory_space<vmem>>, vector<16xf32>,
      %swap3A_138 = arith.constant 1072 : index
      %swap3A_139 = tpu.vector_load %arg17[%swap3A_138] {strides = array<i32>} : memref<6400xf32, #tpu.memory_space<vmem>>, vector<16xf32>,
      tpu.vector_store %arg17[%swap3A_138], %broadcast_in_dim3A_4 {strides = array<i32>} : memref<6400xf32, #tpu.memory_space<vmem>>, vector<16xf32>,
      %swap3A_140 = arith.constant 1088 : index
      %swap3A_141 = tpu.vector_load %arg17[%swap3A_140] {strides = array<i32>} : memref<6400xf32, #tpu.memory_space<vmem>>, vector<16xf32>,
      tpu.vector_store %arg17[%swap3A_140], %broadcast_in_dim3A_4 {strides = array<i32>} : memref<6400xf32, #tpu.memory_space<vmem>>, vector<16xf32>,
      %swap3A_142 = arith.constant 1104 : index
      %swap3A_143 = tpu.vector_load %arg17[%swap3A_142] {strides = array<i32>} : memref<6400xf32, #tpu.memory_space<vmem>>, vector<16xf32>,
      tpu.vector_store %arg17[%swap3A_142], %broadcast_in_dim3A_4 {strides = array<i32>} : memref<6400xf32, #tpu.memory_space<vmem>>, vector<16xf32>,
      %swap3A_144 = arith.constant 1120 : index
      %swap3A_145 = tpu.vector_load %arg17[%swap3A_144] {strides = array<i32>} : memref<6400xf32, #tpu.memory_space<vmem>>, vector<16xf32>,
      tpu.vector_store %arg17[%swap3A_144], %broadcast_in_dim3A_4 {strides = array<i32>} : memref<6400xf32, #tpu.memory_space<vmem>>, vector<16xf32>,
      %swap3A_146 = arith.constant 1136 : index
      %swap3A_147 = tpu.vector_load %arg17[%swap3A_146] {strides = array<i32>} : memref<6400xf32, #tpu.memory_space<vmem>>, vector<16xf32>,
      tpu.vector_store %arg17[%swap3A_146], %broadcast_in_dim3A_4 {strides = array<i32>} : memref<6400xf32, #tpu.memory_space<vmem>>, vector<16xf32>,
      %swap3A_148 = arith.constant 1152 : index
      %swap3A_149 = tpu.vector_load %arg17[%swap3A_148] {strides = array<i32>} : memref<6400xf32, #tpu.memory_space<vmem>>, vector<16xf32>,
      tpu.vector_store %arg17[%swap3A_148], %broadcast_in_dim3A_4 {strides = array<i32>} : memref<6400xf32, #tpu.memory_space<vmem>>, vector<16xf32>,
      %swap3A_150 = arith.constant 1168 : index
      %swap3A_151 = tpu.vector_load %arg17[%swap3A_150] {strides = array<i32>} : memref<6400xf32, #tpu.memory_space<vmem>>, vector<16xf32>,
      tpu.vector_store %arg17[%swap3A_150], %broadcast_in_dim3A_4 {strides = array<i32>} : memref<6400xf32, #tpu.memory_space<vmem>>, vector<16xf32>,
      %swap3A_152 = arith.constant 1184 : index
      %swap3A_153 = tpu.vector_load %arg17[%swap3A_152] {strides = array<i32>} : memref<6400xf32, #tpu.memory_space<vmem>>, vector<16xf32>,
      tpu.vector_store %arg17[%swap3A_152], %broadcast_in_dim3A_4 {strides = array<i32>} : memref<6400xf32, #tpu.memory_space<vmem>>, vector<16xf32>,
      %swap3A_154 = arith.constant 1200 : index
      %swap3A_155 = tpu.vector_load %arg17[%swap3A_154] {strides = array<i32>} : memref<6400xf32, #tpu.memory_space<vmem>>, vector<16xf32>,
      tpu.vector_store %arg17[%swap3A_154], %broadcast_in_dim3A_4 {strides = array<i32>} : memref<6400xf32, #tpu.memory_space<vmem>>, vector<16xf32>,
      %swap3A_156 = arith.constant 1216 : index
      %swap3A_157 = tpu.vector_load %arg17[%swap3A_156] {strides = array<i32>} : memref<6400xf32, #tpu.memory_space<vmem>>, vector<16xf32>,
      tpu.vector_store %arg17[%swap3A_156], %broadcast_in_dim3A_4 {strides = array<i32>} : memref<6400xf32, #tpu.memory_space<vmem>>, vector<16xf32>,
      %swap3A_158 = arith.constant 1232 : index
      %swap3A_159 = tpu.vector_load %arg17[%swap3A_158] {strides = array<i32>} : memref<6400xf32, #tpu.memory_space<vmem>>, vector<16xf32>,
      tpu.vector_store %arg17[%swap3A_158], %broadcast_in_dim3A_4 {strides = array<i32>} : memref<6400xf32, #tpu.memory_space<vmem>>, vector<16xf32>,
      %swap3A_160 = arith.constant 1248 : index
      %swap3A_161 = tpu.vector_load %arg17[%swap3A_160] {strides = array<i32>} : memref<6400xf32, #tpu.memory_space<vmem>>, vector<16xf32>,
      tpu.vector_store %arg17[%swap3A_160], %broadcast_in_dim3A_4 {strides = array<i32>} : memref<6400xf32, #tpu.memory_space<vmem>>, vector<16xf32>,
      %swap3A_162 = arith.constant 1264 : index
      %swap3A_163 = tpu.vector_load %arg17[%swap3A_162] {strides = array<i32>} : memref<6400xf32, #tpu.memory_space<vmem>>, vector<16xf32>,
      tpu.vector_store %arg17[%swap3A_162], %broadcast_in_dim3A_4 {strides = array<i32>} : memref<6400xf32, #tpu.memory_space<vmem>>, vector<16xf32>,
      %swap3A_164 = arith.constant 1280 : index
      %swap3A_165 = tpu.vector_load %arg17[%swap3A_164] {strides = array<i32>} : memref<6400xf32, #tpu.memory_space<vmem>>, vector<16xf32>,
      tpu.vector_store %arg17[%swap3A_164], %broadcast_in_dim3A_4 {strides = array<i32>} : memref<6400xf32, #tpu.memory_space<vmem>>, vector<16xf32>,
      %swap3A_166 = arith.constant 1296 : index
      %swap3A_167 = tpu.vector_load %arg17[%swap3A_166] {strides = array<i32>} : memref<6400xf32, #tpu.memory_space<vmem>>, vector<16xf32>,
      tpu.vector_store %arg17[%swap3A_166], %broadcast_in_dim3A_4 {strides = array<i32>} : memref<6400xf32, #tpu.memory_space<vmem>>, vector<16xf32>,
      %swap3A_168 = arith.constant 1312 : index
      %swap3A_169 = tpu.vector_load %arg17[%swap3A_168] {strides = array<i32>} : memref<6400xf32, #tpu.memory_space<vmem>>, vector<16xf32>,
      tpu.vector_store %arg17[%swap3A_168], %broadcast_in_dim3A_4 {strides = array<i32>} : memref<6400xf32, #tpu.memory_space<vmem>>, vector<16xf32>,
      %swap3A_170 = arith.constant 1328 : index
      %swap3A_171 = tpu.vector_load %arg17[%swap3A_170] {strides = array<i32>} : memref<6400xf32, #tpu.memory_space<vmem>>, vector<16xf32>,
      tpu.vector_store %arg17[%swap3A_170], %broadcast_in_dim3A_4 {strides = array<i32>} : memref<6400xf32, #tpu.memory_space<vmem>>, vector<16xf32>,
      %swap3A_172 = arith.constant 1344 : index
      %swap3A_173 = tpu.vector_load %arg17[%swap3A_172] {strides = array<i32>} : memref<6400xf32, #tpu.memory_space<vmem>>, vector<16xf32>,
      tpu.vector_store %arg17[%swap3A_172], %broadcast_in_dim3A_4 {strides = array<i32>} : memref<6400xf32, #tpu.memory_space<vmem>>, vector<16xf32>,
      %swap3A_174 = arith.constant 1360 : index
      %swap3A_175 = tpu.vector_load %arg17[%swap3A_174] {strides = array<i32>} : memref<6400xf32, #tpu.memory_space<vmem>>, vector<16xf32>,
      tpu.vector_store %arg17[%swap3A_174], %broadcast_in_dim3A_4 {strides = array<i32>} : memref<6400xf32, #tpu.memory_space<vmem>>, vector<16xf32>,
      %swap3A_176 = arith.constant 1376 : index
      %swap3A_177 = tpu.vector_load %arg17[%swap3A_176] {strides = array<i32>} : memref<6400xf32, #tpu.memory_space<vmem>>, vector<16xf32>,
      tpu.vector_store %arg17[%swap3A_176], %broadcast_in_dim3A_4 {strides = array<i32>} : memref<6400xf32, #tpu.memory_space<vmem>>, vector<16xf32>,
      %swap3A_178 = arith.constant 1392 : index
      %swap3A_179 = tpu.vector_load %arg17[%swap3A_178] {strides = array<i32>} : memref<6400xf32, #tpu.memory_space<vmem>>, vector<16xf32>,
      tpu.vector_store %arg17[%swap3A_178], %broadcast_in_dim3A_4 {strides = array<i32>} : memref<6400xf32, #tpu.memory_space<vmem>>, vector<16xf32>,
      %swap3A_180 = arith.constant 1408 : index
      %swap3A_181 = tpu.vector_load %arg17[%swap3A_180] {strides = array<i32>} : memref<6400xf32, #tpu.memory_space<vmem>>, vector<16xf32>,
      tpu.vector_store %arg17[%swap3A_180], %broadcast_in_dim3A_4 {strides = array<i32>} : memref<6400xf32, #tpu.memory_space<vmem>>, vector<16xf32>,
      %swap3A_182 = arith.constant 1424 : index
      %swap3A_183 = tpu.vector_load %arg17[%swap3A_182] {strides = array<i32>} : memref<6400xf32, #tpu.memory_space<vmem>>, vector<16xf32>,
      tpu.vector_store %arg17[%swap3A_182], %broadcast_in_dim3A_4 {strides = array<i32>} : memref<6400xf32, #tpu.memory_space<vmem>>, vector<16xf32>,
      %swap3A_184 = arith.constant 1440 : index
      %swap3A_185 = tpu.vector_load %arg17[%swap3A_184] {strides = array<i32>} : memref<6400xf32, #tpu.memory_space<vmem>>, vector<16xf32>,
      tpu.vector_store %arg17[%swap3A_184], %broadcast_in_dim3A_4 {strides = array<i32>} : memref<6400xf32, #tpu.memory_space<vmem>>, vector<16xf32>,
      %swap3A_186 = arith.constant 1456 : index
      %swap3A_187 = tpu.vector_load %arg17[%swap3A_186] {strides = array<i32>} : memref<6400xf32, #tpu.memory_space<vmem>>, vector<16xf32>,
      tpu.vector_store %arg17[%swap3A_186], %broadcast_in_dim3A_4 {strides = array<i32>} : memref<6400xf32, #tpu.memory_space<vmem>>, vector<16xf32>,
      %swap3A_188 = arith.constant 1472 : index
      %swap3A_189 = tpu.vector_load %arg17[%swap3A_188] {strides = array<i32>} : memref<6400xf32, #tpu.memory_space<vmem>>, vector<16xf32>,
      tpu.vector_store %arg17[%swap3A_188], %broadcast_in_dim3A_4 {strides = array<i32>} : memref<6400xf32, #tpu.memory_space<vmem>>, vector<16xf32>,
      %swap3A_190 = arith.constant 1488 : index
      %swap3A_191 = tpu.vector_load %arg17[%swap3A_190] {strides = array<i32>} : memref<6400xf32, #tpu.memory_space<vmem>>, vector<16xf32>,
      tpu.vector_store %arg17[%swap3A_190], %broadcast_in_dim3A_4 {strides = array<i32>} : memref<6400xf32, #tpu.memory_space<vmem>>, vector<16xf32>,
      %swap3A_192 = arith.constant 1504 : index
      %swap3A_193 = tpu.vector_load %arg17[%swap3A_192] {strides = array<i32>} : memref<6400xf32, #tpu.memory_space<vmem>>, vector<16xf32>,
      tpu.vector_store %arg17[%swap3A_192], %broadcast_in_dim3A_4 {strides = array<i32>} : memref<6400xf32, #tpu.memory_space<vmem>>, vector<16xf32>,
      %swap3A_194 = arith.constant 1520 : index
      %swap3A_195 = tpu.vector_load %arg17[%swap3A_194] {strides = array<i32>} : memref<6400xf32, #tpu.memory_space<vmem>>, vector<16xf32>,
      tpu.vector_store %arg17[%swap3A_194], %broadcast_in_dim3A_4 {strides = array<i32>} : memref<6400xf32, #tpu.memory_space<vmem>>, vector<16xf32>,
      %swap3A_196 = arith.constant 1536 : index
      %swap3A_197 = tpu.vector_load %arg17[%swap3A_196] {strides = array<i32>} : memref<6400xf32, #tpu.memory_space<vmem>>, vector<16xf32>,
      tpu.vector_store %arg17[%swap3A_196], %broadcast_in_dim3A_4 {strides = array<i32>} : memref<6400xf32, #tpu.memory_space<vmem>>, vector<16xf32>,
      %swap3A_198 = arith.constant 1552 : index
      %swap3A_199 = tpu.vector_load %arg17[%swap3A_198] {strides = array<i32>} : memref<6400xf32, #tpu.memory_space<vmem>>, vector<16xf32>,
      tpu.vector_store %arg17[%swap3A_198], %broadcast_in_dim3A_4 {strides = array<i32>} : memref<6400xf32, #tpu.memory_space<vmem>>, vector<16xf32>,
      %swap3A_200 = arith.constant 1568 : index
      %swap3A_201 = tpu.vector_load %arg17[%swap3A_200] {strides = array<i32>} : memref<6400xf32, #tpu.memory_space<vmem>>, vector<16xf32>,
      tpu.vector_store %arg17[%swap3A_200], %broadcast_in_dim3A_4 {strides = array<i32>} : memref<6400xf32, #tpu.memory_space<vmem>>, vector<16xf32>,
      %swap3A_202 = arith.constant 1584 : index
      %swap3A_203 = tpu.vector_load %arg17[%swap3A_202] {strides = array<i32>} : memref<6400xf32, #tpu.memory_space<vmem>>, vector<16xf32>,
      tpu.vector_store %arg17[%swap3A_202], %broadcast_in_dim3A_4 {strides = array<i32>} : memref<6400xf32, #tpu.memory_space<vmem>>, vector<16xf32>,
      %swap3A_204 = arith.constant 1600 : index
      %swap3A_205 = tpu.vector_load %arg17[%swap3A_204] {strides = array<i32>} : memref<6400xf32, #tpu.memory_space<vmem>>, vector<16xf32>,
      tpu.vector_store %arg17[%swap3A_204], %broadcast_in_dim3A_4 {strides = array<i32>} : memref<6400xf32, #tpu.memory_space<vmem>>, vector<16xf32>,
      %swap3A_206 = arith.constant 1616 : index
      %swap3A_207 = tpu.vector_load %arg17[%swap3A_206] {strides = array<i32>} : memref<6400xf32, #tpu.memory_space<vmem>>, vector<16xf32>,
      tpu.vector_store %arg17[%swap3A_206], %broadcast_in_dim3A_4 {strides = array<i32>} : memref<6400xf32, #tpu.memory_space<vmem>>, vector<16xf32>,
      %swap3A_208 = arith.constant 1632 : index
      %swap3A_209 = tpu.vector_load %arg17[%swap3A_208] {strides = array<i32>} : memref<6400xf32, #tpu.memory_space<vmem>>, vector<16xf32>,
      tpu.vector_store %arg17[%swap3A_208], %broadcast_in_dim3A_4 {strides = array<i32>} : memref<6400xf32, #tpu.memory_space<vmem>>, vector<16xf32>,
      %swap3A_210 = arith.constant 1648 : index
      %swap3A_211 = tpu.vector_load %arg17[%swap3A_210] {strides = array<i32>} : memref<6400xf32, #tpu.memory_space<vmem>>, vector<16xf32>,
      tpu.vector_store %arg17[%swap3A_210], %broadcast_in_dim3A_4 {strides = array<i32>} : memref<6400xf32, #tpu.memory_space<vmem>>, vector<16xf32>,
      %swap3A_212 = arith.constant 1664 : index
      %swap3A_213 = tpu.vector_load %arg17[%swap3A_212] {strides = array<i32>} : memref<6400xf32, #tpu.memory_space<vmem>>, vector<16xf32>,
      tpu.vector_store %arg17[%swap3A_212], %broadcast_in_dim3A_4 {strides = array<i32>} : memref<6400xf32, #tpu.memory_space<vmem>>, vector<16xf32>,
      %swap3A_214 = arith.constant 1680 : index
      %swap3A_215 = tpu.vector_load %arg17[%swap3A_214] {strides = array<i32>} : memref<6400xf32, #tpu.memory_space<vmem>>, vector<16xf32>,
      tpu.vector_store %arg17[%swap3A_214], %broadcast_in_dim3A_4 {strides = array<i32>} : memref<6400xf32, #tpu.memory_space<vmem>>, vector<16xf32>,
      %swap3A_216 = arith.constant 1696 : index
      %swap3A_217 = tpu.vector_load %arg17[%swap3A_216] {strides = array<i32>} : memref<6400xf32, #tpu.memory_space<vmem>>, vector<16xf32>,
      tpu.vector_store %arg17[%swap3A_216], %broadcast_in_dim3A_4 {strides = array<i32>} : memref<6400xf32, #tpu.memory_space<vmem>>, vector<16xf32>,
      %swap3A_218 = arith.constant 1712 : index
      %swap3A_219 = tpu.vector_load %arg17[%swap3A_218] {strides = array<i32>} : memref<6400xf32, #tpu.memory_space<vmem>>, vector<16xf32>,
      tpu.vector_store %arg17[%swap3A_218], %broadcast_in_dim3A_4 {strides = array<i32>} : memref<6400xf32, #tpu.memory_space<vmem>>, vector<16xf32>,
      %swap3A_220 = arith.constant 1728 : index
      %swap3A_221 = tpu.vector_load %arg17[%swap3A_220] {strides = array<i32>} : memref<6400xf32, #tpu.memory_space<vmem>>, vector<16xf32>,
      tpu.vector_store %arg17[%swap3A_220], %broadcast_in_dim3A_4 {strides = array<i32>} : memref<6400xf32, #tpu.memory_space<vmem>>, vector<16xf32>,
      %swap3A_222 = arith.constant 1744 : index
      %swap3A_223 = tpu.vector_load %arg17[%swap3A_222] {strides = array<i32>} : memref<6400xf32, #tpu.memory_space<vmem>>, vector<16xf32>,
      tpu.vector_store %arg17[%swap3A_222], %broadcast_in_dim3A_4 {strides = array<i32>} : memref<6400xf32, #tpu.memory_space<vmem>>, vector<16xf32>,
      %swap3A_224 = arith.constant 1760 : index
      %swap3A_225 = tpu.vector_load %arg17[%swap3A_224] {strides = array<i32>} : memref<6400xf32, #tpu.memory_space<vmem>>, vector<16xf32>,
      tpu.vector_store %arg17[%swap3A_224], %broadcast_in_dim3A_4 {strides = array<i32>} : memref<6400xf32, #tpu.memory_space<vmem>>, vector<16xf32>,
      %swap3A_226 = arith.constant 1776 : index
      %swap3A_227 = tpu.vector_load %arg17[%swap3A_226] {strides = array<i32>} : memref<6400xf32, #tpu.memory_space<vmem>>, vector<16xf32>,
      tpu.vector_store %arg17[%swap3A_226], %broadcast_in_dim3A_4 {strides = array<i32>} : memref<6400xf32, #tpu.memory_space<vmem>>, vector<16xf32>,
      %swap3A_228 = arith.constant 1792 : index
      %swap3A_229 = tpu.vector_load %arg17[%swap3A_228] {strides = array<i32>} : memref<6400xf32, #tpu.memory_space<vmem>>, vector<16xf32>,
      tpu.vector_store %arg17[%swap3A_228], %broadcast_in_dim3A_4 {strides = array<i32>} : memref<6400xf32, #tpu.memory_space<vmem>>, vector<16xf32>,
      %swap3A_230 = arith.constant 1808 : index
      %swap3A_231 = tpu.vector_load %arg17[%swap3A_230] {strides = array<i32>} : memref<6400xf32, #tpu.memory_space<vmem>>, vector<16xf32>,
      tpu.vector_store %arg17[%swap3A_230], %broadcast_in_dim3A_4 {strides = array<i32>} : memref<6400xf32, #tpu.memory_space<vmem>>, vector<16xf32>,
      %swap3A_232 = arith.constant 1824 : index
      %swap3A_233 = tpu.vector_load %arg17[%swap3A_232] {strides = array<i32>} : memref<6400xf32, #tpu.memory_space<vmem>>, vector<16xf32>,
      tpu.vector_store %arg17[%swap3A_232], %broadcast_in_dim3A_4 {strides = array<i32>} : memref<6400xf32, #tpu.memory_space<vmem>>, vector<16xf32>,
      %swap3A_234 = arith.constant 1840 : index
      %swap3A_235 = tpu.vector_load %arg17[%swap3A_234] {strides = array<i32>} : memref<6400xf32, #tpu.memory_space<vmem>>, vector<16xf32>,
      tpu.vector_store %arg17[%swap3A_234], %broadcast_in_dim3A_4 {strides = array<i32>} : memref<6400xf32, #tpu.memory_space<vmem>>, vector<16xf32>,
      %swap3A_236 = arith.constant 1856 : index
      %swap3A_237 = tpu.vector_load %arg17[%swap3A_236] {strides = array<i32>} : memref<6400xf32, #tpu.memory_space<vmem>>, vector<16xf32>,
      tpu.vector_store %arg17[%swap3A_236], %broadcast_in_dim3A_4 {strides = array<i32>} : memref<6400xf32, #tpu.memory_space<vmem>>, vector<16xf32>,
      %swap3A_238 = arith.constant 1872 : index
      %swap3A_239 = tpu.vector_load %arg17[%swap3A_238] {strides = array<i32>} : memref<6400xf32, #tpu.memory_space<vmem>>, vector<16xf32>,
      tpu.vector_store %arg17[%swap3A_238], %broadcast_in_dim3A_4 {strides = array<i32>} : memref<6400xf32, #tpu.memory_space<vmem>>, vector<16xf32>,
      %swap3A_240 = arith.constant 1888 : index
      %swap3A_241 = tpu.vector_load %arg17[%swap3A_240] {strides = array<i32>} : memref<6400xf32, #tpu.memory_space<vmem>>, vector<16xf32>,
      tpu.vector_store %arg17[%swap3A_240], %broadcast_in_dim3A_4 {strides = array<i32>} : memref<6400xf32, #tpu.memory_space<vmem>>, vector<16xf32>,
      %swap3A_242 = arith.constant 1904 : index
      %swap3A_243 = tpu.vector_load %arg17[%swap3A_242] {strides = array<i32>} : memref<6400xf32, #tpu.memory_space<vmem>>, vector<16xf32>,
      tpu.vector_store %arg17[%swap3A_242], %broadcast_in_dim3A_4 {strides = array<i32>} : memref<6400xf32, #tpu.memory_space<vmem>>, vector<16xf32>,
      %swap3A_244 = arith.constant 1920 : index
      %swap3A_245 = tpu.vector_load %arg17[%swap3A_244] {strides = array<i32>} : memref<6400xf32, #tpu.memory_space<vmem>>, vector<16xf32>,
      tpu.vector_store %arg17[%swap3A_244], %broadcast_in_dim3A_4 {strides = array<i32>} : memref<6400xf32, #tpu.memory_space<vmem>>, vector<16xf32>,
      %swap3A_246 = arith.constant 1936 : index
      %swap3A_247 = tpu.vector_load %arg17[%swap3A_246] {strides = array<i32>} : memref<6400xf32, #tpu.memory_space<vmem>>, vector<16xf32>,
      tpu.vector_store %arg17[%swap3A_246], %broadcast_in_dim3A_4 {strides = array<i32>} : memref<6400xf32, #tpu.memory_space<vmem>>, vector<16xf32>,
      %swap3A_248 = arith.constant 1952 : index
      %swap3A_249 = tpu.vector_load %arg17[%swap3A_248] {strides = array<i32>} : memref<6400xf32, #tpu.memory_space<vmem>>, vector<16xf32>,
      tpu.vector_store %arg17[%swap3A_248], %broadcast_in_dim3A_4 {strides = array<i32>} : memref<6400xf32, #tpu.memory_space<vmem>>, vector<16xf32>,
      %swap3A_250 = arith.constant 1968 : index
      %swap3A_251 = tpu.vector_load %arg17[%swap3A_250] {strides = array<i32>} : memref<6400xf32, #tpu.memory_space<vmem>>, vector<16xf32>,
      tpu.vector_store %arg17[%swap3A_250], %broadcast_in_dim3A_4 {strides = array<i32>} : memref<6400xf32, #tpu.memory_space<vmem>>, vector<16xf32>,
      %swap3A_252 = arith.constant 1984 : index
      %swap3A_253 = tpu.vector_load %arg17[%swap3A_252] {strides = array<i32>} : memref<6400xf32, #tpu.memory_space<vmem>>, vector<16xf32>,
      tpu.vector_store %arg17[%swap3A_252], %broadcast_in_dim3A_4 {strides = array<i32>} : memref<6400xf32, #tpu.memory_space<vmem>>, vector<16xf32>,
      %swap3A_254 = arith.constant 2000 : index
      %swap3A_255 = tpu.vector_load %arg17[%swap3A_254] {strides = array<i32>} : memref<6400xf32, #tpu.memory_space<vmem>>, vector<16xf32>,
      tpu.vector_store %arg17[%swap3A_254], %broadcast_in_dim3A_4 {strides = array<i32>} : memref<6400xf32, #tpu.memory_space<vmem>>, vector<16xf32>,
      %swap3A_256 = arith.constant 2016 : index
      %swap3A_257 = tpu.vector_load %arg17[%swap3A_256] {strides = array<i32>} : memref<6400xf32, #tpu.memory_space<vmem>>, vector<16xf32>,
      tpu.vector_store %arg17[%swap3A_256], %broadcast_in_dim3A_4 {strides = array<i32>} : memref<6400xf32, #tpu.memory_space<vmem>>, vector<16xf32>,
      %swap3A_258 = arith.constant 2032 : index
      %swap3A_259 = tpu.vector_load %arg17[%swap3A_258] {strides = array<i32>} : memref<6400xf32, #tpu.memory_space<vmem>>, vector<16xf32>,
      tpu.vector_store %arg17[%swap3A_258], %broadcast_in_dim3A_4 {strides = array<i32>} : memref<6400xf32, #tpu.memory_space<vmem>>, vector<16xf32>,
      %swap3A_260 = arith.constant 2048 : index
      %swap3A_261 = tpu.vector_load %arg17[%swap3A_260] {strides = array<i32>} : memref<6400xf32, #tpu.memory_space<vmem>>, vector<16xf32>,
      tpu.vector_store %arg17[%swap3A_260], %broadcast_in_dim3A_4 {strides = array<i32>} : memref<6400xf32, #tpu.memory_space<vmem>>, vector<16xf32>,
      %swap3A_262 = arith.constant 2064 : index
      %swap3A_263 = tpu.vector_load %arg17[%swap3A_262] {strides = array<i32>} : memref<6400xf32, #tpu.memory_space<vmem>>, vector<16xf32>,
      tpu.vector_store %arg17[%swap3A_262], %broadcast_in_dim3A_4 {strides = array<i32>} : memref<6400xf32, #tpu.memory_space<vmem>>, vector<16xf32>,
      %swap3A_264 = arith.constant 2080 : index
      %swap3A_265 = tpu.vector_load %arg17[%swap3A_264] {strides = array<i32>} : memref<6400xf32, #tpu.memory_space<vmem>>, vector<16xf32>,
      tpu.vector_store %arg17[%swap3A_264], %broadcast_in_dim3A_4 {strides = array<i32>} : memref<6400xf32, #tpu.memory_space<vmem>>, vector<16xf32>,
      %swap3A_266 = arith.constant 2096 : index
      %swap3A_267 = tpu.vector_load %arg17[%swap3A_266] {strides = array<i32>} : memref<6400xf32, #tpu.memory_space<vmem>>, vector<16xf32>,
      tpu.vector_store %arg17[%swap3A_266], %broadcast_in_dim3A_4 {strides = array<i32>} : memref<6400xf32, #tpu.memory_space<vmem>>, vector<16xf32>,
      %swap3A_268 = arith.constant 2112 : index
      %swap3A_269 = tpu.vector_load %arg17[%swap3A_268] {strides = array<i32>} : memref<6400xf32, #tpu.memory_space<vmem>>, vector<16xf32>,
      tpu.vector_store %arg17[%swap3A_268], %broadcast_in_dim3A_4 {strides = array<i32>} : memref<6400xf32, #tpu.memory_space<vmem>>, vector<16xf32>,
      %swap3A_270 = arith.constant 2128 : index
      %swap3A_271 = tpu.vector_load %arg17[%swap3A_270] {strides = array<i32>} : memref<6400xf32, #tpu.memory_space<vmem>>, vector<16xf32>,
      tpu.vector_store %arg17[%swap3A_270], %broadcast_in_dim3A_4 {strides = array<i32>} : memref<6400xf32, #tpu.memory_space<vmem>>, vector<16xf32>,
      %swap3A_272 = arith.constant 2144 : index
      %swap3A_273 = tpu.vector_load %arg17[%swap3A_272] {strides = array<i32>} : memref<6400xf32, #tpu.memory_space<vmem>>, vector<16xf32>,
      tpu.vector_store %arg17[%swap3A_272], %broadcast_in_dim3A_4 {strides = array<i32>} : memref<6400xf32, #tpu.memory_space<vmem>>, vector<16xf32>,
      %swap3A_274 = arith.constant 2160 : index
      %swap3A_275 = tpu.vector_load %arg17[%swap3A_274] {strides = array<i32>} : memref<6400xf32, #tpu.memory_space<vmem>>, vector<16xf32>,
      tpu.vector_store %arg17[%swap3A_274], %broadcast_in_dim3A_4 {strides = array<i32>} : memref<6400xf32, #tpu.memory_space<vmem>>, vector<16xf32>,
      %swap3A_276 = arith.constant 2176 : index
      %swap3A_277 = tpu.vector_load %arg17[%swap3A_276] {strides = array<i32>} : memref<6400xf32, #tpu.memory_space<vmem>>, vector<16xf32>,
      tpu.vector_store %arg17[%swap3A_276], %broadcast_in_dim3A_4 {strides = array<i32>} : memref<6400xf32, #tpu.memory_space<vmem>>, vector<16xf32>,
      %swap3A_278 = arith.constant 2192 : index
      %swap3A_279 = tpu.vector_load %arg17[%swap3A_278] {strides = array<i32>} : memref<6400xf32, #tpu.memory_space<vmem>>, vector<16xf32>,
      tpu.vector_store %arg17[%swap3A_278], %broadcast_in_dim3A_4 {strides = array<i32>} : memref<6400xf32, #tpu.memory_space<vmem>>, vector<16xf32>,
      %swap3A_280 = arith.constant 2208 : index
      %swap3A_281 = tpu.vector_load %arg17[%swap3A_280] {strides = array<i32>} : memref<6400xf32, #tpu.memory_space<vmem>>, vector<16xf32>,
      tpu.vector_store %arg17[%swap3A_280], %broadcast_in_dim3A_4 {strides = array<i32>} : memref<6400xf32, #tpu.memory_space<vmem>>, vector<16xf32>,
      %swap3A_282 = arith.constant 2224 : index
      %swap3A_283 = tpu.vector_load %arg17[%swap3A_282] {strides = array<i32>} : memref<6400xf32, #tpu.memory_space<vmem>>, vector<16xf32>,
      tpu.vector_store %arg17[%swap3A_282], %broadcast_in_dim3A_4 {strides = array<i32>} : memref<6400xf32, #tpu.memory_space<vmem>>, vector<16xf32>,
      %swap3A_284 = arith.constant 2240 : index
      %swap3A_285 = tpu.vector_load %arg17[%swap3A_284] {strides = array<i32>} : memref<6400xf32, #tpu.memory_space<vmem>>, vector<16xf32>,
      tpu.vector_store %arg17[%swap3A_284], %broadcast_in_dim3A_4 {strides = array<i32>} : memref<6400xf32, #tpu.memory_space<vmem>>, vector<16xf32>,
      %swap3A_286 = arith.constant 2256 : index
      %swap3A_287 = tpu.vector_load %arg17[%swap3A_286] {strides = array<i32>} : memref<6400xf32, #tpu.memory_space<vmem>>, vector<16xf32>,
      tpu.vector_store %arg17[%swap3A_286], %broadcast_in_dim3A_4 {strides = array<i32>} : memref<6400xf32, #tpu.memory_space<vmem>>, vector<16xf32>,
      %swap3A_288 = arith.constant 2272 : index
      %swap3A_289 = tpu.vector_load %arg17[%swap3A_288] {strides = array<i32>} : memref<6400xf32, #tpu.memory_space<vmem>>, vector<16xf32>,
      tpu.vector_store %arg17[%swap3A_288], %broadcast_in_dim3A_4 {strides = array<i32>} : memref<6400xf32, #tpu.memory_space<vmem>>, vector<16xf32>,
      %swap3A_290 = arith.constant 2288 : index
      %swap3A_291 = tpu.vector_load %arg17[%swap3A_290] {strides = array<i32>} : memref<6400xf32, #tpu.memory_space<vmem>>, vector<16xf32>,
      tpu.vector_store %arg17[%swap3A_290], %broadcast_in_dim3A_4 {strides = array<i32>} : memref<6400xf32, #tpu.memory_space<vmem>>, vector<16xf32>,
      %swap3A_292 = arith.constant 2304 : index
      %swap3A_293 = tpu.vector_load %arg17[%swap3A_292] {strides = array<i32>} : memref<6400xf32, #tpu.memory_space<vmem>>, vector<16xf32>,
      tpu.vector_store %arg17[%swap3A_292], %broadcast_in_dim3A_4 {strides = array<i32>} : memref<6400xf32, #tpu.memory_space<vmem>>, vector<16xf32>,
      %swap3A_294 = arith.constant 2320 : index
      %swap3A_295 = tpu.vector_load %arg17[%swap3A_294] {strides = array<i32>} : memref<6400xf32, #tpu.memory_space<vmem>>, vector<16xf32>,
      tpu.vector_store %arg17[%swap3A_294], %broadcast_in_dim3A_4 {strides = array<i32>} : memref<6400xf32, #tpu.memory_space<vmem>>, vector<16xf32>,
      %swap3A_296 = arith.constant 2336 : index
      %swap3A_297 = tpu.vector_load %arg17[%swap3A_296] {strides = array<i32>} : memref<6400xf32, #tpu.memory_space<vmem>>, vector<16xf32>,
      tpu.vector_store %arg17[%swap3A_296], %broadcast_in_dim3A_4 {strides = array<i32>} : memref<6400xf32, #tpu.memory_space<vmem>>, vector<16xf32>,
      %swap3A_298 = arith.constant 2352 : index
      %swap3A_299 = tpu.vector_load %arg17[%swap3A_298] {strides = array<i32>} : memref<6400xf32, #tpu.memory_space<vmem>>, vector<16xf32>,
      tpu.vector_store %arg17[%swap3A_298], %broadcast_in_dim3A_4 {strides = array<i32>} : memref<6400xf32, #tpu.memory_space<vmem>>, vector<16xf32>,
      %swap3A_300 = arith.constant 2368 : index
      %swap3A_301 = tpu.vector_load %arg17[%swap3A_300] {strides = array<i32>} : memref<6400xf32, #tpu.memory_space<vmem>>, vector<16xf32>,
      tpu.vector_store %arg17[%swap3A_300], %broadcast_in_dim3A_4 {strides = array<i32>} : memref<6400xf32, #tpu.memory_space<vmem>>, vector<16xf32>,
      %swap3A_302 = arith.constant 2384 : index
      %swap3A_303 = tpu.vector_load %arg17[%swap3A_302] {strides = array<i32>} : memref<6400xf32, #tpu.memory_space<vmem>>, vector<16xf32>,
      tpu.vector_store %arg17[%swap3A_302], %broadcast_in_dim3A_4 {strides = array<i32>} : memref<6400xf32, #tpu.memory_space<vmem>>, vector<16xf32>,
      %swap3A_304 = arith.constant 2400 : index
      %swap3A_305 = tpu.vector_load %arg17[%swap3A_304] {strides = array<i32>} : memref<6400xf32, #tpu.memory_space<vmem>>, vector<16xf32>,
      tpu.vector_store %arg17[%swap3A_304], %broadcast_in_dim3A_4 {strides = array<i32>} : memref<6400xf32, #tpu.memory_space<vmem>>, vector<16xf32>,
      %swap3A_306 = arith.constant 2416 : index
      %swap3A_307 = tpu.vector_load %arg17[%swap3A_306] {strides = array<i32>} : memref<6400xf32, #tpu.memory_space<vmem>>, vector<16xf32>,
      tpu.vector_store %arg17[%swap3A_306], %broadcast_in_dim3A_4 {strides = array<i32>} : memref<6400xf32, #tpu.memory_space<vmem>>, vector<16xf32>,
      %swap3A_308 = arith.constant 2432 : index
      %swap3A_309 = tpu.vector_load %arg17[%swap3A_308] {strides = array<i32>} : memref<6400xf32, #tpu.memory_space<vmem>>, vector<16xf32>,
      tpu.vector_store %arg17[%swap3A_308], %broadcast_in_dim3A_4 {strides = array<i32>} : memref<6400xf32, #tpu.memory_space<vmem>>, vector<16xf32>,
      %swap3A_310 = arith.constant 2448 : index
      %swap3A_311 = tpu.vector_load %arg17[%swap3A_310] {strides = array<i32>} : memref<6400xf32, #tpu.memory_space<vmem>>, vector<16xf32>,
      tpu.vector_store %arg17[%swap3A_310], %broadcast_in_dim3A_4 {strides = array<i32>} : memref<6400xf32, #tpu.memory_space<vmem>>, vector<16xf32>,
      %swap3A_312 = arith.constant 2464 : index
      %swap3A_313 = tpu.vector_load %arg17[%swap3A_312] {strides = array<i32>} : memref<6400xf32, #tpu.memory_space<vmem>>, vector<16xf32>,
      tpu.vector_store %arg17[%swap3A_312], %broadcast_in_dim3A_4 {strides = array<i32>} : memref<6400xf32, #tpu.memory_space<vmem>>, vector<16xf32>,
      %swap3A_314 = arith.constant 2480 : index
      %swap3A_315 = tpu.vector_load %arg17[%swap3A_314] {strides = array<i32>} : memref<6400xf32, #tpu.memory_space<vmem>>, vector<16xf32>,
      tpu.vector_store %arg17[%swap3A_314], %broadcast_in_dim3A_4 {strides = array<i32>} : memref<6400xf32, #tpu.memory_space<vmem>>, vector<16xf32>,
      %swap3A_316 = arith.constant 2496 : index
      %swap3A_317 = tpu.vector_load %arg17[%swap3A_316] {strides = array<i32>} : memref<6400xf32, #tpu.memory_space<vmem>>, vector<16xf32>,
      tpu.vector_store %arg17[%swap3A_316], %broadcast_in_dim3A_4 {strides = array<i32>} : memref<6400xf32, #tpu.memory_space<vmem>>, vector<16xf32>,
      %swap3A_318 = arith.constant 2512 : index
      %swap3A_319 = tpu.vector_load %arg17[%swap3A_318] {strides = array<i32>} : memref<6400xf32, #tpu.memory_space<vmem>>, vector<16xf32>,
      tpu.vector_store %arg17[%swap3A_318], %broadcast_in_dim3A_4 {strides = array<i32>} : memref<6400xf32, #tpu.memory_space<vmem>>, vector<16xf32>,
      %swap3A_320 = arith.constant 2528 : index
      %swap3A_321 = tpu.vector_load %arg17[%swap3A_320] {strides = array<i32>} : memref<6400xf32, #tpu.memory_space<vmem>>, vector<16xf32>,
      tpu.vector_store %arg17[%swap3A_320], %broadcast_in_dim3A_4 {strides = array<i32>} : memref<6400xf32, #tpu.memory_space<vmem>>, vector<16xf32>,
      %swap3A_322 = arith.constant 2544 : index
      %swap3A_323 = tpu.vector_load %arg17[%swap3A_322] {strides = array<i32>} : memref<6400xf32, #tpu.memory_space<vmem>>, vector<16xf32>,
      tpu.vector_store %arg17[%swap3A_322], %broadcast_in_dim3A_4 {strides = array<i32>} : memref<6400xf32, #tpu.memory_space<vmem>>, vector<16xf32>,
      %swap3A_324 = arith.constant 2560 : index
      %swap3A_325 = tpu.vector_load %arg17[%swap3A_324] {strides = array<i32>} : memref<6400xf32, #tpu.memory_space<vmem>>, vector<16xf32>,
      tpu.vector_store %arg17[%swap3A_324], %broadcast_in_dim3A_4 {strides = array<i32>} : memref<6400xf32, #tpu.memory_space<vmem>>, vector<16xf32>,
      %swap3A_326 = arith.constant 2576 : index
      %swap3A_327 = tpu.vector_load %arg17[%swap3A_326] {strides = array<i32>} : memref<6400xf32, #tpu.memory_space<vmem>>, vector<16xf32>,
      tpu.vector_store %arg17[%swap3A_326], %broadcast_in_dim3A_4 {strides = array<i32>} : memref<6400xf32, #tpu.memory_space<vmem>>, vector<16xf32>,
      %swap3A_328 = arith.constant 2592 : index
      %swap3A_329 = tpu.vector_load %arg17[%swap3A_328] {strides = array<i32>} : memref<6400xf32, #tpu.memory_space<vmem>>, vector<16xf32>,
      tpu.vector_store %arg17[%swap3A_328], %broadcast_in_dim3A_4 {strides = array<i32>} : memref<6400xf32, #tpu.memory_space<vmem>>, vector<16xf32>,
      %swap3A_330 = arith.constant 2608 : index
      %swap3A_331 = tpu.vector_load %arg17[%swap3A_330] {strides = array<i32>} : memref<6400xf32, #tpu.memory_space<vmem>>, vector<16xf32>,
      tpu.vector_store %arg17[%swap3A_330], %broadcast_in_dim3A_4 {strides = array<i32>} : memref<6400xf32, #tpu.memory_space<vmem>>, vector<16xf32>,
      %swap3A_332 = arith.constant 2624 : index
      %swap3A_333 = tpu.vector_load %arg17[%swap3A_332] {strides = array<i32>} : memref<6400xf32, #tpu.memory_space<vmem>>, vector<16xf32>,
      tpu.vector_store %arg17[%swap3A_332], %broadcast_in_dim3A_4 {strides = array<i32>} : memref<6400xf32, #tpu.memory_space<vmem>>, vector<16xf32>,
      %swap3A_334 = arith.constant 2640 : index
      %swap3A_335 = tpu.vector_load %arg17[%swap3A_334] {strides = array<i32>} : memref<6400xf32, #tpu.memory_space<vmem>>, vector<16xf32>,
      tpu.vector_store %arg17[%swap3A_334], %broadcast_in_dim3A_4 {strides = array<i32>} : memref<6400xf32, #tpu.memory_space<vmem>>, vector<16xf32>,
      %swap3A_336 = arith.constant 2656 : index
      %swap3A_337 = tpu.vector_load %arg17[%swap3A_336] {strides = array<i32>} : memref<6400xf32, #tpu.memory_space<vmem>>, vector<16xf32>,
      tpu.vector_store %arg17[%swap3A_336], %broadcast_in_dim3A_4 {strides = array<i32>} : memref<6400xf32, #tpu.memory_space<vmem>>, vector<16xf32>,
      %swap3A_338 = arith.constant 2672 : index
      %swap3A_339 = tpu.vector_load %arg17[%swap3A_338] {strides = array<i32>} : memref<6400xf32, #tpu.memory_space<vmem>>, vector<16xf32>,
      tpu.vector_store %arg17[%swap3A_338], %broadcast_in_dim3A_4 {strides = array<i32>} : memref<6400xf32, #tpu.memory_space<vmem>>, vector<16xf32>,
      %swap3A_340 = arith.constant 2688 : index
      %swap3A_341 = tpu.vector_load %arg17[%swap3A_340] {strides = array<i32>} : memref<6400xf32, #tpu.memory_space<vmem>>, vector<16xf32>,
      tpu.vector_store %arg17[%swap3A_340], %broadcast_in_dim3A_4 {strides = array<i32>} : memref<6400xf32, #tpu.memory_space<vmem>>, vector<16xf32>,
      %swap3A_342 = arith.constant 2704 : index
      %swap3A_343 = tpu.vector_load %arg17[%swap3A_342] {strides = array<i32>} : memref<6400xf32, #tpu.memory_space<vmem>>, vector<16xf32>,
      tpu.vector_store %arg17[%swap3A_342], %broadcast_in_dim3A_4 {strides = array<i32>} : memref<6400xf32, #tpu.memory_space<vmem>>, vector<16xf32>,
      %swap3A_344 = arith.constant 2720 : index
      %swap3A_345 = tpu.vector_load %arg17[%swap3A_344] {strides = array<i32>} : memref<6400xf32, #tpu.memory_space<vmem>>, vector<16xf32>,
      tpu.vector_store %arg17[%swap3A_344], %broadcast_in_dim3A_4 {strides = array<i32>} : memref<6400xf32, #tpu.memory_space<vmem>>, vector<16xf32>,
      %swap3A_346 = arith.constant 2736 : index
      %swap3A_347 = tpu.vector_load %arg17[%swap3A_346] {strides = array<i32>} : memref<6400xf32, #tpu.memory_space<vmem>>, vector<16xf32>,
      tpu.vector_store %arg17[%swap3A_346], %broadcast_in_dim3A_4 {strides = array<i32>} : memref<6400xf32, #tpu.memory_space<vmem>>, vector<16xf32>,
      %swap3A_348 = arith.constant 2752 : index
      %swap3A_349 = tpu.vector_load %arg17[%swap3A_348] {strides = array<i32>} : memref<6400xf32, #tpu.memory_space<vmem>>, vector<16xf32>,
      tpu.vector_store %arg17[%swap3A_348], %broadcast_in_dim3A_4 {strides = array<i32>} : memref<6400xf32, #tpu.memory_space<vmem>>, vector<16xf32>,
      %swap3A_350 = arith.constant 2768 : index
      %swap3A_351 = tpu.vector_load %arg17[%swap3A_350] {strides = array<i32>} : memref<6400xf32, #tpu.memory_space<vmem>>, vector<16xf32>,
      tpu.vector_store %arg17[%swap3A_350], %broadcast_in_dim3A_4 {strides = array<i32>} : memref<6400xf32, #tpu.memory_space<vmem>>, vector<16xf32>,
      %swap3A_352 = arith.constant 2784 : index
      %swap3A_353 = tpu.vector_load %arg17[%swap3A_352] {strides = array<i32>} : memref<6400xf32, #tpu.memory_space<vmem>>, vector<16xf32>,
      tpu.vector_store %arg17[%swap3A_352], %broadcast_in_dim3A_4 {strides = array<i32>} : memref<6400xf32, #tpu.memory_space<vmem>>, vector<16xf32>,
      %swap3A_354 = arith.constant 2800 : index
      %swap3A_355 = tpu.vector_load %arg17[%swap3A_354] {strides = array<i32>} : memref<6400xf32, #tpu.memory_space<vmem>>, vector<16xf32>,
      tpu.vector_store %arg17[%swap3A_354], %broadcast_in_dim3A_4 {strides = array<i32>} : memref<6400xf32, #tpu.memory_space<vmem>>, vector<16xf32>,
      %swap3A_356 = arith.constant 2816 : index
      %swap3A_357 = tpu.vector_load %arg17[%swap3A_356] {strides = array<i32>} : memref<6400xf32, #tpu.memory_space<vmem>>, vector<16xf32>,
      tpu.vector_store %arg17[%swap3A_356], %broadcast_in_dim3A_4 {strides = array<i32>} : memref<6400xf32, #tpu.memory_space<vmem>>, vector<16xf32>,
      %swap3A_358 = arith.constant 2832 : index
      %swap3A_359 = tpu.vector_load %arg17[%swap3A_358] {strides = array<i32>} : memref<6400xf32, #tpu.memory_space<vmem>>, vector<16xf32>,
      tpu.vector_store %arg17[%swap3A_358], %broadcast_in_dim3A_4 {strides = array<i32>} : memref<6400xf32, #tpu.memory_space<vmem>>, vector<16xf32>,
      %swap3A_360 = arith.constant 2848 : index
      %swap3A_361 = tpu.vector_load %arg17[%swap3A_360] {strides = array<i32>} : memref<6400xf32, #tpu.memory_space<vmem>>, vector<16xf32>,
      tpu.vector_store %arg17[%swap3A_360], %broadcast_in_dim3A_4 {strides = array<i32>} : memref<6400xf32, #tpu.memory_space<vmem>>, vector<16xf32>,
      %swap3A_362 = arith.constant 2864 : index
      %swap3A_363 = tpu.vector_load %arg17[%swap3A_362] {strides = array<i32>} : memref<6400xf32, #tpu.memory_space<vmem>>, vector<16xf32>,
      tpu.vector_store %arg17[%swap3A_362], %broadcast_in_dim3A_4 {strides = array<i32>} : memref<6400xf32, #tpu.memory_space<vmem>>, vector<16xf32>,
      %swap3A_364 = arith.constant 2880 : index
      %swap3A_365 = tpu.vector_load %arg17[%swap3A_364] {strides = array<i32>} : memref<6400xf32, #tpu.memory_space<vmem>>, vector<16xf32>,
      tpu.vector_store %arg17[%swap3A_364], %broadcast_in_dim3A_4 {strides = array<i32>} : memref<6400xf32, #tpu.memory_space<vmem>>, vector<16xf32>,
      %swap3A_366 = arith.constant 2896 : index
      %swap3A_367 = tpu.vector_load %arg17[%swap3A_366] {strides = array<i32>} : memref<6400xf32, #tpu.memory_space<vmem>>, vector<16xf32>,
      tpu.vector_store %arg17[%swap3A_366], %broadcast_in_dim3A_4 {strides = array<i32>} : memref<6400xf32, #tpu.memory_space<vmem>>, vector<16xf32>,
      %swap3A_368 = arith.constant 2912 : index
      %swap3A_369 = tpu.vector_load %arg17[%swap3A_368] {strides = array<i32>} : memref<6400xf32, #tpu.memory_space<vmem>>, vector<16xf32>,
      tpu.vector_store %arg17[%swap3A_368], %broadcast_in_dim3A_4 {strides = array<i32>} : memref<6400xf32, #tpu.memory_space<vmem>>, vector<16xf32>,
      %swap3A_370 = arith.constant 2928 : index
      %swap3A_371 = tpu.vector_load %arg17[%swap3A_370] {strides = array<i32>} : memref<6400xf32, #tpu.memory_space<vmem>>, vector<16xf32>,
      tpu.vector_store %arg17[%swap3A_370], %broadcast_in_dim3A_4 {strides = array<i32>} : memref<6400xf32, #tpu.memory_space<vmem>>, vector<16xf32>,
      %swap3A_372 = arith.constant 2944 : index
      %swap3A_373 = tpu.vector_load %arg17[%swap3A_372] {strides = array<i32>} : memref<6400xf32, #tpu.memory_space<vmem>>, vector<16xf32>,
      tpu.vector_store %arg17[%swap3A_372], %broadcast_in_dim3A_4 {strides = array<i32>} : memref<6400xf32, #tpu.memory_space<vmem>>, vector<16xf32>,
      %swap3A_374 = arith.constant 2960 : index
      %swap3A_375 = tpu.vector_load %arg17[%swap3A_374] {strides = array<i32>} : memref<6400xf32, #tpu.memory_space<vmem>>, vector<16xf32>,
      tpu.vector_store %arg17[%swap3A_374], %broadcast_in_dim3A_4 {strides = array<i32>} : memref<6400xf32, #tpu.memory_space<vmem>>, vector<16xf32>,
      %swap3A_376 = arith.constant 2976 : index
      %swap3A_377 = tpu.vector_load %arg17[%swap3A_376] {strides = array<i32>} : memref<6400xf32, #tpu.memory_space<vmem>>, vector<16xf32>,
      tpu.vector_store %arg17[%swap3A_376], %broadcast_in_dim3A_4 {strides = array<i32>} : memref<6400xf32, #tpu.memory_space<vmem>>, vector<16xf32>,
      %swap3A_378 = arith.constant 2992 : index
      %swap3A_379 = tpu.vector_load %arg17[%swap3A_378] {strides = array<i32>} : memref<6400xf32, #tpu.memory_space<vmem>>, vector<16xf32>,
      tpu.vector_store %arg17[%swap3A_378], %broadcast_in_dim3A_4 {strides = array<i32>} : memref<6400xf32, #tpu.memory_space<vmem>>, vector<16xf32>,
      %swap3A_380 = arith.constant 3008 : index
      %swap3A_381 = tpu.vector_load %arg17[%swap3A_380] {strides = array<i32>} : memref<6400xf32, #tpu.memory_space<vmem>>, vector<16xf32>,
      tpu.vector_store %arg17[%swap3A_380], %broadcast_in_dim3A_4 {strides = array<i32>} : memref<6400xf32, #tpu.memory_space<vmem>>, vector<16xf32>,
      %swap3A_382 = arith.constant 3024 : index
      %swap3A_383 = tpu.vector_load %arg17[%swap3A_382] {strides = array<i32>} : memref<6400xf32, #tpu.memory_space<vmem>>, vector<16xf32>,
      tpu.vector_store %arg17[%swap3A_382], %broadcast_in_dim3A_4 {strides = array<i32>} : memref<6400xf32, #tpu.memory_space<vmem>>, vector<16xf32>,
      %swap3A_384 = arith.constant 3040 : index
      %swap3A_385 = tpu.vector_load %arg17[%swap3A_384] {strides = array<i32>} : memref<6400xf32, #tpu.memory_space<vmem>>, vector<16xf32>,
      tpu.vector_store %arg17[%swap3A_384], %broadcast_in_dim3A_4 {strides = array<i32>} : memref<6400xf32, #tpu.memory_space<vmem>>, vector<16xf32>,
      %swap3A_386 = arith.constant 3056 : index
      %swap3A_387 = tpu.vector_load %arg17[%swap3A_386] {strides = array<i32>} : memref<6400xf32, #tpu.memory_space<vmem>>, vector<16xf32>,
      tpu.vector_store %arg17[%swap3A_386], %broadcast_in_dim3A_4 {strides = array<i32>} : memref<6400xf32, #tpu.memory_space<vmem>>, vector<16xf32>,
      %swap3A_388 = arith.constant 3072 : index
      %swap3A_389 = tpu.vector_load %arg17[%swap3A_388] {strides = array<i32>} : memref<6400xf32, #tpu.memory_space<vmem>>, vector<16xf32>,
      tpu.vector_store %arg17[%swap3A_388], %broadcast_in_dim3A_4 {strides = array<i32>} : memref<6400xf32, #tpu.memory_space<vmem>>, vector<16xf32>,
      %swap3A_390 = arith.constant 3088 : index
      %swap3A_391 = tpu.vector_load %arg17[%swap3A_390] {strides = array<i32>} : memref<6400xf32, #tpu.memory_space<vmem>>, vector<16xf32>,
      tpu.vector_store %arg17[%swap3A_390], %broadcast_in_dim3A_4 {strides = array<i32>} : memref<6400xf32, #tpu.memory_space<vmem>>, vector<16xf32>,
      %swap3A_392 = arith.constant 3104 : index
      %swap3A_393 = tpu.vector_load %arg17[%swap3A_392] {strides = array<i32>} : memref<6400xf32, #tpu.memory_space<vmem>>, vector<16xf32>,
      tpu.vector_store %arg17[%swap3A_392], %broadcast_in_dim3A_4 {strides = array<i32>} : memref<6400xf32, #tpu.memory_space<vmem>>, vector<16xf32>,
      %swap3A_394 = arith.constant 3120 : index
      %swap3A_395 = tpu.vector_load %arg17[%swap3A_394] {strides = array<i32>} : memref<6400xf32, #tpu.memory_space<vmem>>, vector<16xf32>,
      tpu.vector_store %arg17[%swap3A_394], %broadcast_in_dim3A_4 {strides = array<i32>} : memref<6400xf32, #tpu.memory_space<vmem>>, vector<16xf32>,
      %swap3A_396 = arith.constant 3136 : index
      %swap3A_397 = tpu.vector_load %arg17[%swap3A_396] {strides = array<i32>} : memref<6400xf32, #tpu.memory_space<vmem>>, vector<16xf32>,
      tpu.vector_store %arg17[%swap3A_396], %broadcast_in_dim3A_4 {strides = array<i32>} : memref<6400xf32, #tpu.memory_space<vmem>>, vector<16xf32>,
      %swap3A_398 = arith.constant 3152 : index
      %swap3A_399 = tpu.vector_load %arg17[%swap3A_398] {strides = array<i32>} : memref<6400xf32, #tpu.memory_space<vmem>>, vector<16xf32>,
      tpu.vector_store %arg17[%swap3A_398], %broadcast_in_dim3A_4 {strides = array<i32>} : memref<6400xf32, #tpu.memory_space<vmem>>, vector<16xf32>,
      %swap3A_400 = arith.constant 3168 : index
      %swap3A_401 = tpu.vector_load %arg17[%swap3A_400] {strides = array<i32>} : memref<6400xf32, #tpu.memory_space<vmem>>, vector<16xf32>,
      tpu.vector_store %arg17[%swap3A_400], %broadcast_in_dim3A_4 {strides = array<i32>} : memref<6400xf32, #tpu.memory_space<vmem>>, vector<16xf32>,
      %swap3A_402 = arith.constant 3184 : index
      %swap3A_403 = tpu.vector_load %arg17[%swap3A_402] {strides = array<i32>} : memref<6400xf32, #tpu.memory_space<vmem>>, vector<16xf32>,
      tpu.vector_store %arg17[%swap3A_402], %broadcast_in_dim3A_4 {strides = array<i32>} : memref<6400xf32, #tpu.memory_space<vmem>>, vector<16xf32>,
      %swap3A_404 = arith.constant 3200 : index
      %swap3A_405 = tpu.vector_load %arg17[%swap3A_404] {strides = array<i32>} : memref<6400xf32, #tpu.memory_space<vmem>>, vector<16xf32>,
      tpu.vector_store %arg17[%swap3A_404], %broadcast_in_dim3A_4 {strides = array<i32>} : memref<6400xf32, #tpu.memory_space<vmem>>, vector<16xf32>,
      %swap3A_406 = arith.constant 3216 : index
      %swap3A_407 = tpu.vector_load %arg17[%swap3A_406] {strides = array<i32>} : memref<6400xf32, #tpu.memory_space<vmem>>, vector<16xf32>,
      tpu.vector_store %arg17[%swap3A_406], %broadcast_in_dim3A_4 {strides = array<i32>} : memref<6400xf32, #tpu.memory_space<vmem>>, vector<16xf32>,
      %swap3A_408 = arith.constant 3232 : index
      %swap3A_409 = tpu.vector_load %arg17[%swap3A_408] {strides = array<i32>} : memref<6400xf32, #tpu.memory_space<vmem>>, vector<16xf32>,
      tpu.vector_store %arg17[%swap3A_408], %broadcast_in_dim3A_4 {strides = array<i32>} : memref<6400xf32, #tpu.memory_space<vmem>>, vector<16xf32>,
      %swap3A_410 = arith.constant 3248 : index
      %swap3A_411 = tpu.vector_load %arg17[%swap3A_410] {strides = array<i32>} : memref<6400xf32, #tpu.memory_space<vmem>>, vector<16xf32>,
      tpu.vector_store %arg17[%swap3A_410], %broadcast_in_dim3A_4 {strides = array<i32>} : memref<6400xf32, #tpu.memory_space<vmem>>, vector<16xf32>,
      %swap3A_412 = arith.constant 3264 : index
      %swap3A_413 = tpu.vector_load %arg17[%swap3A_412] {strides = array<i32>} : memref<6400xf32, #tpu.memory_space<vmem>>, vector<16xf32>,
      tpu.vector_store %arg17[%swap3A_412], %broadcast_in_dim3A_4 {strides = array<i32>} : memref<6400xf32, #tpu.memory_space<vmem>>, vector<16xf32>,
      %swap3A_414 = arith.constant 3280 : index
      %swap3A_415 = tpu.vector_load %arg17[%swap3A_414] {strides = array<i32>} : memref<6400xf32, #tpu.memory_space<vmem>>, vector<16xf32>,
      tpu.vector_store %arg17[%swap3A_414], %broadcast_in_dim3A_4 {strides = array<i32>} : memref<6400xf32, #tpu.memory_space<vmem>>, vector<16xf32>,
      %swap3A_416 = arith.constant 3296 : index
      %swap3A_417 = tpu.vector_load %arg17[%swap3A_416] {strides = array<i32>} : memref<6400xf32, #tpu.memory_space<vmem>>, vector<16xf32>,
      tpu.vector_store %arg17[%swap3A_416], %broadcast_in_dim3A_4 {strides = array<i32>} : memref<6400xf32, #tpu.memory_space<vmem>>, vector<16xf32>,
      %swap3A_418 = arith.constant 3312 : index
      %swap3A_419 = tpu.vector_load %arg17[%swap3A_418] {strides = array<i32>} : memref<6400xf32, #tpu.memory_space<vmem>>, vector<16xf32>,
      tpu.vector_store %arg17[%swap3A_418], %broadcast_in_dim3A_4 {strides = array<i32>} : memref<6400xf32, #tpu.memory_space<vmem>>, vector<16xf32>,
      %swap3A_420 = arith.constant 3328 : index
      %swap3A_421 = tpu.vector_load %arg17[%swap3A_420] {strides = array<i32>} : memref<6400xf32, #tpu.memory_space<vmem>>, vector<16xf32>,
      tpu.vector_store %arg17[%swap3A_420], %broadcast_in_dim3A_4 {strides = array<i32>} : memref<6400xf32, #tpu.memory_space<vmem>>, vector<16xf32>,
      %swap3A_422 = arith.constant 3344 : index
      %swap3A_423 = tpu.vector_load %arg17[%swap3A_422] {strides = array<i32>} : memref<6400xf32, #tpu.memory_space<vmem>>, vector<16xf32>,
      tpu.vector_store %arg17[%swap3A_422], %broadcast_in_dim3A_4 {strides = array<i32>} : memref<6400xf32, #tpu.memory_space<vmem>>, vector<16xf32>,
      %swap3A_424 = arith.constant 3360 : index
      %swap3A_425 = tpu.vector_load %arg17[%swap3A_424] {strides = array<i32>} : memref<6400xf32, #tpu.memory_space<vmem>>, vector<16xf32>,
      tpu.vector_store %arg17[%swap3A_424], %broadcast_in_dim3A_4 {strides = array<i32>} : memref<6400xf32, #tpu.memory_space<vmem>>, vector<16xf32>,
      %swap3A_426 = arith.constant 3376 : index
      %swap3A_427 = tpu.vector_load %arg17[%swap3A_426] {strides = array<i32>} : memref<6400xf32, #tpu.memory_space<vmem>>, vector<16xf32>,
      tpu.vector_store %arg17[%swap3A_426], %broadcast_in_dim3A_4 {strides = array<i32>} : memref<6400xf32, #tpu.memory_space<vmem>>, vector<16xf32>,
      %swap3A_428 = arith.constant 3392 : index
      %swap3A_429 = tpu.vector_load %arg17[%swap3A_428] {strides = array<i32>} : memref<6400xf32, #tpu.memory_space<vmem>>, vector<16xf32>,
      tpu.vector_store %arg17[%swap3A_428], %broadcast_in_dim3A_4 {strides = array<i32>} : memref<6400xf32, #tpu.memory_space<vmem>>, vector<16xf32>,
      %swap3A_430 = arith.constant 3408 : index
      %swap3A_431 = tpu.vector_load %arg17[%swap3A_430] {strides = array<i32>} : memref<6400xf32, #tpu.memory_space<vmem>>, vector<16xf32>,
      tpu.vector_store %arg17[%swap3A_430], %broadcast_in_dim3A_4 {strides = array<i32>} : memref<6400xf32, #tpu.memory_space<vmem>>, vector<16xf32>,
      %swap3A_432 = arith.constant 3424 : index
      %swap3A_433 = tpu.vector_load %arg17[%swap3A_432] {strides = array<i32>} : memref<6400xf32, #tpu.memory_space<vmem>>, vector<16xf32>,
      tpu.vector_store %arg17[%swap3A_432], %broadcast_in_dim3A_4 {strides = array<i32>} : memref<6400xf32, #tpu.memory_space<vmem>>, vector<16xf32>,
      %swap3A_434 = arith.constant 3440 : index
      %swap3A_435 = tpu.vector_load %arg17[%swap3A_434] {strides = array<i32>} : memref<6400xf32, #tpu.memory_space<vmem>>, vector<16xf32>,
      tpu.vector_store %arg17[%swap3A_434], %broadcast_in_dim3A_4 {strides = array<i32>} : memref<6400xf32, #tpu.memory_space<vmem>>, vector<16xf32>,
      %swap3A_436 = arith.constant 3456 : index
      %swap3A_437 = tpu.vector_load %arg17[%swap3A_436] {strides = array<i32>} : memref<6400xf32, #tpu.memory_space<vmem>>, vector<16xf32>,
      tpu.vector_store %arg17[%swap3A_436], %broadcast_in_dim3A_4 {strides = array<i32>} : memref<6400xf32, #tpu.memory_space<vmem>>, vector<16xf32>,
      %swap3A_438 = arith.constant 3472 : index
      %swap3A_439 = tpu.vector_load %arg17[%swap3A_438] {strides = array<i32>} : memref<6400xf32, #tpu.memory_space<vmem>>, vector<16xf32>,
      tpu.vector_store %arg17[%swap3A_438], %broadcast_in_dim3A_4 {strides = array<i32>} : memref<6400xf32, #tpu.memory_space<vmem>>, vector<16xf32>,
      %swap3A_440 = arith.constant 3488 : index
      %swap3A_441 = tpu.vector_load %arg17[%swap3A_440] {strides = array<i32>} : memref<6400xf32, #tpu.memory_space<vmem>>, vector<16xf32>,
      tpu.vector_store %arg17[%swap3A_440], %broadcast_in_dim3A_4 {strides = array<i32>} : memref<6400xf32, #tpu.memory_space<vmem>>, vector<16xf32>,
      %swap3A_442 = arith.constant 3504 : index
      %swap3A_443 = tpu.vector_load %arg17[%swap3A_442] {strides = array<i32>} : memref<6400xf32, #tpu.memory_space<vmem>>, vector<16xf32>,
      tpu.vector_store %arg17[%swap3A_442], %broadcast_in_dim3A_4 {strides = array<i32>} : memref<6400xf32, #tpu.memory_space<vmem>>, vector<16xf32>,
      %swap3A_444 = arith.constant 3520 : index
      %swap3A_445 = tpu.vector_load %arg17[%swap3A_444] {strides = array<i32>} : memref<6400xf32, #tpu.memory_space<vmem>>, vector<16xf32>,
      tpu.vector_store %arg17[%swap3A_444], %broadcast_in_dim3A_4 {strides = array<i32>} : memref<6400xf32, #tpu.memory_space<vmem>>, vector<16xf32>,
      %swap3A_446 = arith.constant 3536 : index
      %swap3A_447 = tpu.vector_load %arg17[%swap3A_446] {strides = array<i32>} : memref<6400xf32, #tpu.memory_space<vmem>>, vector<16xf32>,
      tpu.vector_store %arg17[%swap3A_446], %broadcast_in_dim3A_4 {strides = array<i32>} : memref<6400xf32, #tpu.memory_space<vmem>>, vector<16xf32>,
      %swap3A_448 = arith.constant 3552 : index
      %swap3A_449 = tpu.vector_load %arg17[%swap3A_448] {strides = array<i32>} : memref<6400xf32, #tpu.memory_space<vmem>>, vector<16xf32>,
      tpu.vector_store %arg17[%swap3A_448], %broadcast_in_dim3A_4 {strides = array<i32>} : memref<6400xf32, #tpu.memory_space<vmem>>, vector<16xf32>,
      %swap3A_450 = arith.constant 3568 : index
      %swap3A_451 = tpu.vector_load %arg17[%swap3A_450] {strides = array<i32>} : memref<6400xf32, #tpu.memory_space<vmem>>, vector<16xf32>,
      tpu.vector_store %arg17[%swap3A_450], %broadcast_in_dim3A_4 {strides = array<i32>} : memref<6400xf32, #tpu.memory_space<vmem>>, vector<16xf32>,
      %swap3A_452 = arith.constant 3584 : index
      %swap3A_453 = tpu.vector_load %arg17[%swap3A_452] {strides = array<i32>} : memref<6400xf32, #tpu.memory_space<vmem>>, vector<16xf32>,
      tpu.vector_store %arg17[%swap3A_452], %broadcast_in_dim3A_4 {strides = array<i32>} : memref<6400xf32, #tpu.memory_space<vmem>>, vector<16xf32>,
      %swap3A_454 = arith.constant 3600 : index
      %swap3A_455 = tpu.vector_load %arg17[%swap3A_454] {strides = array<i32>} : memref<6400xf32, #tpu.memory_space<vmem>>, vector<16xf32>,
      tpu.vector_store %arg17[%swap3A_454], %broadcast_in_dim3A_4 {strides = array<i32>} : memref<6400xf32, #tpu.memory_space<vmem>>, vector<16xf32>,
      %swap3A_456 = arith.constant 3616 : index
      %swap3A_457 = tpu.vector_load %arg17[%swap3A_456] {strides = array<i32>} : memref<6400xf32, #tpu.memory_space<vmem>>, vector<16xf32>,
      tpu.vector_store %arg17[%swap3A_456], %broadcast_in_dim3A_4 {strides = array<i32>} : memref<6400xf32, #tpu.memory_space<vmem>>, vector<16xf32>,
      %swap3A_458 = arith.constant 3632 : index
      %swap3A_459 = tpu.vector_load %arg17[%swap3A_458] {strides = array<i32>} : memref<6400xf32, #tpu.memory_space<vmem>>, vector<16xf32>,
      tpu.vector_store %arg17[%swap3A_458], %broadcast_in_dim3A_4 {strides = array<i32>} : memref<6400xf32, #tpu.memory_space<vmem>>, vector<16xf32>,
      %swap3A_460 = arith.constant 3648 : index
      %swap3A_461 = tpu.vector_load %arg17[%swap3A_460] {strides = array<i32>} : memref<6400xf32, #tpu.memory_space<vmem>>, vector<16xf32>,
      tpu.vector_store %arg17[%swap3A_460], %broadcast_in_dim3A_4 {strides = array<i32>} : memref<6400xf32, #tpu.memory_space<vmem>>, vector<16xf32>,
      %swap3A_462 = arith.constant 3664 : index
      %swap3A_463 = tpu.vector_load %arg17[%swap3A_462] {strides = array<i32>} : memref<6400xf32, #tpu.memory_space<vmem>>, vector<16xf32>,
      tpu.vector_store %arg17[%swap3A_462], %broadcast_in_dim3A_4 {strides = array<i32>} : memref<6400xf32, #tpu.memory_space<vmem>>, vector<16xf32>,
      %swap3A_464 = arith.constant 3680 : index
      %swap3A_465 = tpu.vector_load %arg17[%swap3A_464] {strides = array<i32>} : memref<6400xf32, #tpu.memory_space<vmem>>, vector<16xf32>,
      tpu.vector_store %arg17[%swap3A_464], %broadcast_in_dim3A_4 {strides = array<i32>} : memref<6400xf32, #tpu.memory_space<vmem>>, vector<16xf32>,
      %swap3A_466 = arith.constant 3696 : index
      %swap3A_467 = tpu.vector_load %arg17[%swap3A_466] {strides = array<i32>} : memref<6400xf32, #tpu.memory_space<vmem>>, vector<16xf32>,
      tpu.vector_store %arg17[%swap3A_466], %broadcast_in_dim3A_4 {strides = array<i32>} : memref<6400xf32, #tpu.memory_space<vmem>>, vector<16xf32>,
      %swap3A_468 = arith.constant 3712 : index
      %swap3A_469 = tpu.vector_load %arg17[%swap3A_468] {strides = array<i32>} : memref<6400xf32, #tpu.memory_space<vmem>>, vector<16xf32>,
      tpu.vector_store %arg17[%swap3A_468], %broadcast_in_dim3A_4 {strides = array<i32>} : memref<6400xf32, #tpu.memory_space<vmem>>, vector<16xf32>,
      %swap3A_470 = arith.constant 3728 : index
      %swap3A_471 = tpu.vector_load %arg17[%swap3A_470] {strides = array<i32>} : memref<6400xf32, #tpu.memory_space<vmem>>, vector<16xf32>,
      tpu.vector_store %arg17[%swap3A_470], %broadcast_in_dim3A_4 {strides = array<i32>} : memref<6400xf32, #tpu.memory_space<vmem>>, vector<16xf32>,
      %swap3A_472 = arith.constant 3744 : index
      %swap3A_473 = tpu.vector_load %arg17[%swap3A_472] {strides = array<i32>} : memref<6400xf32, #tpu.memory_space<vmem>>, vector<16xf32>,
      tpu.vector_store %arg17[%swap3A_472], %broadcast_in_dim3A_4 {strides = array<i32>} : memref<6400xf32, #tpu.memory_space<vmem>>, vector<16xf32>,
      %swap3A_474 = arith.constant 3760 : index
      %swap3A_475 = tpu.vector_load %arg17[%swap3A_474] {strides = array<i32>} : memref<6400xf32, #tpu.memory_space<vmem>>, vector<16xf32>,
      tpu.vector_store %arg17[%swap3A_474], %broadcast_in_dim3A_4 {strides = array<i32>} : memref<6400xf32, #tpu.memory_space<vmem>>, vector<16xf32>,
      %swap3A_476 = arith.constant 3776 : index
      %swap3A_477 = tpu.vector_load %arg17[%swap3A_476] {strides = array<i32>} : memref<6400xf32, #tpu.memory_space<vmem>>, vector<16xf32>,
      tpu.vector_store %arg17[%swap3A_476], %broadcast_in_dim3A_4 {strides = array<i32>} : memref<6400xf32, #tpu.memory_space<vmem>>, vector<16xf32>,
      %swap3A_478 = arith.constant 3792 : index
      %swap3A_479 = tpu.vector_load %arg17[%swap3A_478] {strides = array<i32>} : memref<6400xf32, #tpu.memory_space<vmem>>, vector<16xf32>,
      tpu.vector_store %arg17[%swap3A_478], %broadcast_in_dim3A_4 {strides = array<i32>} : memref<6400xf32, #tpu.memory_space<vmem>>, vector<16xf32>,
      %swap3A_480 = arith.constant 3808 : index
      %swap3A_481 = tpu.vector_load %arg17[%swap3A_480] {strides = array<i32>} : memref<6400xf32, #tpu.memory_space<vmem>>, vector<16xf32>,
      tpu.vector_store %arg17[%swap3A_480], %broadcast_in_dim3A_4 {strides = array<i32>} : memref<6400xf32, #tpu.memory_space<vmem>>, vector<16xf32>,
      %swap3A_482 = arith.constant 3824 : index
      %swap3A_483 = tpu.vector_load %arg17[%swap3A_482] {strides = array<i32>} : memref<6400xf32, #tpu.memory_space<vmem>>, vector<16xf32>,
      tpu.vector_store %arg17[%swap3A_482], %broadcast_in_dim3A_4 {strides = array<i32>} : memref<6400xf32, #tpu.memory_space<vmem>>, vector<16xf32>,
      %swap3A_484 = arith.constant 3840 : index
      %swap3A_485 = tpu.vector_load %arg17[%swap3A_484] {strides = array<i32>} : memref<6400xf32, #tpu.memory_space<vmem>>, vector<16xf32>,
      tpu.vector_store %arg17[%swap3A_484], %broadcast_in_dim3A_4 {strides = array<i32>} : memref<6400xf32, #tpu.memory_space<vmem>>, vector<16xf32>,
      %swap3A_486 = arith.constant 3856 : index
      %swap3A_487 = tpu.vector_load %arg17[%swap3A_486] {strides = array<i32>} : memref<6400xf32, #tpu.memory_space<vmem>>, vector<16xf32>,
      tpu.vector_store %arg17[%swap3A_486], %broadcast_in_dim3A_4 {strides = array<i32>} : memref<6400xf32, #tpu.memory_space<vmem>>, vector<16xf32>,
      %swap3A_488 = arith.constant 3872 : index
      %swap3A_489 = tpu.vector_load %arg17[%swap3A_488] {strides = array<i32>} : memref<6400xf32, #tpu.memory_space<vmem>>, vector<16xf32>,
      tpu.vector_store %arg17[%swap3A_488], %broadcast_in_dim3A_4 {strides = array<i32>} : memref<6400xf32, #tpu.memory_space<vmem>>, vector<16xf32>,
      %swap3A_490 = arith.constant 3888 : index
      %swap3A_491 = tpu.vector_load %arg17[%swap3A_490] {strides = array<i32>} : memref<6400xf32, #tpu.memory_space<vmem>>, vector<16xf32>,
      tpu.vector_store %arg17[%swap3A_490], %broadcast_in_dim3A_4 {strides = array<i32>} : memref<6400xf32, #tpu.memory_space<vmem>>, vector<16xf32>,
      %swap3A_492 = arith.constant 3904 : index
      %swap3A_493 = tpu.vector_load %arg17[%swap3A_492] {strides = array<i32>} : memref<6400xf32, #tpu.memory_space<vmem>>, vector<16xf32>,
      tpu.vector_store %arg17[%swap3A_492], %broadcast_in_dim3A_4 {strides = array<i32>} : memref<6400xf32, #tpu.memory_space<vmem>>, vector<16xf32>,
      %swap3A_494 = arith.constant 3920 : index
      %swap3A_495 = tpu.vector_load %arg17[%swap3A_494] {strides = array<i32>} : memref<6400xf32, #tpu.memory_space<vmem>>, vector<16xf32>,
      tpu.vector_store %arg17[%swap3A_494], %broadcast_in_dim3A_4 {strides = array<i32>} : memref<6400xf32, #tpu.memory_space<vmem>>, vector<16xf32>,
      %swap3A_496 = arith.constant 3936 : index
      %swap3A_497 = tpu.vector_load %arg17[%swap3A_496] {strides = array<i32>} : memref<6400xf32, #tpu.memory_space<vmem>>, vector<16xf32>,
      tpu.vector_store %arg17[%swap3A_496], %broadcast_in_dim3A_4 {strides = array<i32>} : memref<6400xf32, #tpu.memory_space<vmem>>, vector<16xf32>,
      %swap3A_498 = arith.constant 3952 : index
      %swap3A_499 = tpu.vector_load %arg17[%swap3A_498] {strides = array<i32>} : memref<6400xf32, #tpu.memory_space<vmem>>, vector<16xf32>,
      tpu.vector_store %arg17[%swap3A_498], %broadcast_in_dim3A_4 {strides = array<i32>} : memref<6400xf32, #tpu.memory_space<vmem>>, vector<16xf32>,
      %swap3A_500 = arith.constant 3968 : index
      %swap3A_501 = tpu.vector_load %arg17[%swap3A_500] {strides = array<i32>} : memref<6400xf32, #tpu.memory_space<vmem>>, vector<16xf32>,
      tpu.vector_store %arg17[%swap3A_500], %broadcast_in_dim3A_4 {strides = array<i32>} : memref<6400xf32, #tpu.memory_space<vmem>>, vector<16xf32>,
      %swap3A_502 = arith.constant 3984 : index
      %swap3A_503 = tpu.vector_load %arg17[%swap3A_502] {strides = array<i32>} : memref<6400xf32, #tpu.memory_space<vmem>>, vector<16xf32>,
      tpu.vector_store %arg17[%swap3A_502], %broadcast_in_dim3A_4 {strides = array<i32>} : memref<6400xf32, #tpu.memory_space<vmem>>, vector<16xf32>,
      %swap3A_504 = arith.constant 4000 : index
      %swap3A_505 = tpu.vector_load %arg17[%swap3A_504] {strides = array<i32>} : memref<6400xf32, #tpu.memory_space<vmem>>, vector<16xf32>,
      tpu.vector_store %arg17[%swap3A_504], %broadcast_in_dim3A_4 {strides = array<i32>} : memref<6400xf32, #tpu.memory_space<vmem>>, vector<16xf32>,
      %swap3A_506 = arith.constant 4016 : index
      %swap3A_507 = tpu.vector_load %arg17[%swap3A_506] {strides = array<i32>} : memref<6400xf32, #tpu.memory_space<vmem>>, vector<16xf32>,
      tpu.vector_store %arg17[%swap3A_506], %broadcast_in_dim3A_4 {strides = array<i32>} : memref<6400xf32, #tpu.memory_space<vmem>>, vector<16xf32>,
      %swap3A_508 = arith.constant 4032 : index
      %swap3A_509 = tpu.vector_load %arg17[%swap3A_508] {strides = array<i32>} : memref<6400xf32, #tpu.memory_space<vmem>>, vector<16xf32>,
      tpu.vector_store %arg17[%swap3A_508], %broadcast_in_dim3A_4 {strides = array<i32>} : memref<6400xf32, #tpu.memory_space<vmem>>, vector<16xf32>,
      %swap3A_510 = arith.constant 4048 : index
      %swap3A_511 = tpu.vector_load %arg17[%swap3A_510] {strides = array<i32>} : memref<6400xf32, #tpu.memory_space<vmem>>, vector<16xf32>,
      tpu.vector_store %arg17[%swap3A_510], %broadcast_in_dim3A_4 {strides = array<i32>} : memref<6400xf32, #tpu.memory_space<vmem>>, vector<16xf32>,
      %swap3A_512 = arith.constant 4064 : index
      %swap3A_513 = tpu.vector_load %arg17[%swap3A_512] {strides = array<i32>} : memref<6400xf32, #tpu.memory_space<vmem>>, vector<16xf32>,
      tpu.vector_store %arg17[%swap3A_512], %broadcast_in_dim3A_4 {strides = array<i32>} : memref<6400xf32, #tpu.memory_space<vmem>>, vector<16xf32>,
      %swap3A_514 = arith.constant 4080 : index
      %swap3A_515 = tpu.vector_load %arg17[%swap3A_514] {strides = array<i32>} : memref<6400xf32, #tpu.memory_space<vmem>>, vector<16xf32>,
      tpu.vector_store %arg17[%swap3A_514], %broadcast_in_dim3A_4 {strides = array<i32>} : memref<6400xf32, #tpu.memory_space<vmem>>, vector<16xf32>,
      %swap3A_516 = arith.constant 4096 : index
      %swap3A_517 = tpu.vector_load %arg17[%swap3A_516] {strides = array<i32>} : memref<6400xf32, #tpu.memory_space<vmem>>, vector<16xf32>,
      tpu.vector_store %arg17[%swap3A_516], %broadcast_in_dim3A_4 {strides = array<i32>} : memref<6400xf32, #tpu.memory_space<vmem>>, vector<16xf32>,
      %swap3A_518 = arith.constant 4112 : index
      %swap3A_519 = tpu.vector_load %arg17[%swap3A_518] {strides = array<i32>} : memref<6400xf32, #tpu.memory_space<vmem>>, vector<16xf32>,
      tpu.vector_store %arg17[%swap3A_518], %broadcast_in_dim3A_4 {strides = array<i32>} : memref<6400xf32, #tpu.memory_space<vmem>>, vector<16xf32>,
      %swap3A_520 = arith.constant 4128 : index
      %swap3A_521 = tpu.vector_load %arg17[%swap3A_520] {strides = array<i32>} : memref<6400xf32, #tpu.memory_space<vmem>>, vector<16xf32>,
      tpu.vector_store %arg17[%swap3A_520], %broadcast_in_dim3A_4 {strides = array<i32>} : memref<6400xf32, #tpu.memory_space<vmem>>, vector<16xf32>,
      %swap3A_522 = arith.constant 4144 : index
      %swap3A_523 = tpu.vector_load %arg17[%swap3A_522] {strides = array<i32>} : memref<6400xf32, #tpu.memory_space<vmem>>, vector<16xf32>,
      tpu.vector_store %arg17[%swap3A_522], %broadcast_in_dim3A_4 {strides = array<i32>} : memref<6400xf32, #tpu.memory_space<vmem>>, vector<16xf32>,
      %swap3A_524 = arith.constant 4160 : index
      %swap3A_525 = tpu.vector_load %arg17[%swap3A_524] {strides = array<i32>} : memref<6400xf32, #tpu.memory_space<vmem>>, vector<16xf32>,
      tpu.vector_store %arg17[%swap3A_524], %broadcast_in_dim3A_4 {strides = array<i32>} : memref<6400xf32, #tpu.memory_space<vmem>>, vector<16xf32>,
      %swap3A_526 = arith.constant 4176 : index
      %swap3A_527 = tpu.vector_load %arg17[%swap3A_526] {strides = array<i32>} : memref<6400xf32, #tpu.memory_space<vmem>>, vector<16xf32>,
      tpu.vector_store %arg17[%swap3A_526], %broadcast_in_dim3A_4 {strides = array<i32>} : memref<6400xf32, #tpu.memory_space<vmem>>, vector<16xf32>,
      %swap3A_528 = arith.constant 4192 : index
      %swap3A_529 = tpu.vector_load %arg17[%swap3A_528] {strides = array<i32>} : memref<6400xf32, #tpu.memory_space<vmem>>, vector<16xf32>,
      tpu.vector_store %arg17[%swap3A_528], %broadcast_in_dim3A_4 {strides = array<i32>} : memref<6400xf32, #tpu.memory_space<vmem>>, vector<16xf32>,
      %swap3A_530 = arith.constant 4208 : index
      %swap3A_531 = tpu.vector_load %arg17[%swap3A_530] {strides = array<i32>} : memref<6400xf32, #tpu.memory_space<vmem>>, vector<16xf32>,
      tpu.vector_store %arg17[%swap3A_530], %broadcast_in_dim3A_4 {strides = array<i32>} : memref<6400xf32, #tpu.memory_space<vmem>>, vector<16xf32>,
      %swap3A_532 = arith.constant 4224 : index
      %swap3A_533 = tpu.vector_load %arg17[%swap3A_532] {strides = array<i32>} : memref<6400xf32, #tpu.memory_space<vmem>>, vector<16xf32>,
      tpu.vector_store %arg17[%swap3A_532], %broadcast_in_dim3A_4 {strides = array<i32>} : memref<6400xf32, #tpu.memory_space<vmem>>, vector<16xf32>,
      %swap3A_534 = arith.constant 4240 : index
      %swap3A_535 = tpu.vector_load %arg17[%swap3A_534] {strides = array<i32>} : memref<6400xf32, #tpu.memory_space<vmem>>, vector<16xf32>,
      tpu.vector_store %arg17[%swap3A_534], %broadcast_in_dim3A_4 {strides = array<i32>} : memref<6400xf32, #tpu.memory_space<vmem>>, vector<16xf32>,
      %swap3A_536 = arith.constant 4256 : index
      %swap3A_537 = tpu.vector_load %arg17[%swap3A_536] {strides = array<i32>} : memref<6400xf32, #tpu.memory_space<vmem>>, vector<16xf32>,
      tpu.vector_store %arg17[%swap3A_536], %broadcast_in_dim3A_4 {strides = array<i32>} : memref<6400xf32, #tpu.memory_space<vmem>>, vector<16xf32>,
      %swap3A_538 = arith.constant 4272 : index
      %swap3A_539 = tpu.vector_load %arg17[%swap3A_538] {strides = array<i32>} : memref<6400xf32, #tpu.memory_space<vmem>>, vector<16xf32>,
      tpu.vector_store %arg17[%swap3A_538], %broadcast_in_dim3A_4 {strides = array<i32>} : memref<6400xf32, #tpu.memory_space<vmem>>, vector<16xf32>,
      %swap3A_540 = arith.constant 4288 : index
      %swap3A_541 = tpu.vector_load %arg17[%swap3A_540] {strides = array<i32>} : memref<6400xf32, #tpu.memory_space<vmem>>, vector<16xf32>,
      tpu.vector_store %arg17[%swap3A_540], %broadcast_in_dim3A_4 {strides = array<i32>} : memref<6400xf32, #tpu.memory_space<vmem>>, vector<16xf32>,
      %swap3A_542 = arith.constant 4304 : index
      %swap3A_543 = tpu.vector_load %arg17[%swap3A_542] {strides = array<i32>} : memref<6400xf32, #tpu.memory_space<vmem>>, vector<16xf32>,
      tpu.vector_store %arg17[%swap3A_542], %broadcast_in_dim3A_4 {strides = array<i32>} : memref<6400xf32, #tpu.memory_space<vmem>>, vector<16xf32>,
      %swap3A_544 = arith.constant 4320 : index
      %swap3A_545 = tpu.vector_load %arg17[%swap3A_544] {strides = array<i32>} : memref<6400xf32, #tpu.memory_space<vmem>>, vector<16xf32>,
      tpu.vector_store %arg17[%swap3A_544], %broadcast_in_dim3A_4 {strides = array<i32>} : memref<6400xf32, #tpu.memory_space<vmem>>, vector<16xf32>,
      %swap3A_546 = arith.constant 4336 : index
      %swap3A_547 = tpu.vector_load %arg17[%swap3A_546] {strides = array<i32>} : memref<6400xf32, #tpu.memory_space<vmem>>, vector<16xf32>,
      tpu.vector_store %arg17[%swap3A_546], %broadcast_in_dim3A_4 {strides = array<i32>} : memref<6400xf32, #tpu.memory_space<vmem>>, vector<16xf32>,
      %swap3A_548 = arith.constant 4352 : index
      %swap3A_549 = tpu.vector_load %arg17[%swap3A_548] {strides = array<i32>} : memref<6400xf32, #tpu.memory_space<vmem>>, vector<16xf32>,
      tpu.vector_store %arg17[%swap3A_548], %broadcast_in_dim3A_4 {strides = array<i32>} : memref<6400xf32, #tpu.memory_space<vmem>>, vector<16xf32>,
      %swap3A_550 = arith.constant 4368 : index
      %swap3A_551 = tpu.vector_load %arg17[%swap3A_550] {strides = array<i32>} : memref<6400xf32, #tpu.memory_space<vmem>>, vector<16xf32>,
      tpu.vector_store %arg17[%swap3A_550], %broadcast_in_dim3A_4 {strides = array<i32>} : memref<6400xf32, #tpu.memory_space<vmem>>, vector<16xf32>,
      %swap3A_552 = arith.constant 4384 : index
      %swap3A_553 = tpu.vector_load %arg17[%swap3A_552] {strides = array<i32>} : memref<6400xf32, #tpu.memory_space<vmem>>, vector<16xf32>,
      tpu.vector_store %arg17[%swap3A_552], %broadcast_in_dim3A_4 {strides = array<i32>} : memref<6400xf32, #tpu.memory_space<vmem>>, vector<16xf32>,
      %swap3A_554 = arith.constant 4400 : index
      %swap3A_555 = tpu.vector_load %arg17[%swap3A_554] {strides = array<i32>} : memref<6400xf32, #tpu.memory_space<vmem>>, vector<16xf32>,
      tpu.vector_store %arg17[%swap3A_554], %broadcast_in_dim3A_4 {strides = array<i32>} : memref<6400xf32, #tpu.memory_space<vmem>>, vector<16xf32>,
      %swap3A_556 = arith.constant 4416 : index
      %swap3A_557 = tpu.vector_load %arg17[%swap3A_556] {strides = array<i32>} : memref<6400xf32, #tpu.memory_space<vmem>>, vector<16xf32>,
      tpu.vector_store %arg17[%swap3A_556], %broadcast_in_dim3A_4 {strides = array<i32>} : memref<6400xf32, #tpu.memory_space<vmem>>, vector<16xf32>,
      %swap3A_558 = arith.constant 4432 : index
      %swap3A_559 = tpu.vector_load %arg17[%swap3A_558] {strides = array<i32>} : memref<6400xf32, #tpu.memory_space<vmem>>, vector<16xf32>,
      tpu.vector_store %arg17[%swap3A_558], %broadcast_in_dim3A_4 {strides = array<i32>} : memref<6400xf32, #tpu.memory_space<vmem>>, vector<16xf32>,
      %swap3A_560 = arith.constant 4448 : index
      %swap3A_561 = tpu.vector_load %arg17[%swap3A_560] {strides = array<i32>} : memref<6400xf32, #tpu.memory_space<vmem>>, vector<16xf32>,
      tpu.vector_store %arg17[%swap3A_560], %broadcast_in_dim3A_4 {strides = array<i32>} : memref<6400xf32, #tpu.memory_space<vmem>>, vector<16xf32>,
      %swap3A_562 = arith.constant 4464 : index
      %swap3A_563 = tpu.vector_load %arg17[%swap3A_562] {strides = array<i32>} : memref<6400xf32, #tpu.memory_space<vmem>>, vector<16xf32>,
      tpu.vector_store %arg17[%swap3A_562], %broadcast_in_dim3A_4 {strides = array<i32>} : memref<6400xf32, #tpu.memory_space<vmem>>, vector<16xf32>,
      %swap3A_564 = arith.constant 4480 : index
      %swap3A_565 = tpu.vector_load %arg17[%swap3A_564] {strides = array<i32>} : memref<6400xf32, #tpu.memory_space<vmem>>, vector<16xf32>,
      tpu.vector_store %arg17[%swap3A_564], %broadcast_in_dim3A_4 {strides = array<i32>} : memref<6400xf32, #tpu.memory_space<vmem>>, vector<16xf32>,
      %swap3A_566 = arith.constant 4496 : index
      %swap3A_567 = tpu.vector_load %arg17[%swap3A_566] {strides = array<i32>} : memref<6400xf32, #tpu.memory_space<vmem>>, vector<16xf32>,
      tpu.vector_store %arg17[%swap3A_566], %broadcast_in_dim3A_4 {strides = array<i32>} : memref<6400xf32, #tpu.memory_space<vmem>>, vector<16xf32>,
      %swap3A_568 = arith.constant 4512 : index
      %swap3A_569 = tpu.vector_load %arg17[%swap3A_568] {strides = array<i32>} : memref<6400xf32, #tpu.memory_space<vmem>>, vector<16xf32>,
      tpu.vector_store %arg17[%swap3A_568], %broadcast_in_dim3A_4 {strides = array<i32>} : memref<6400xf32, #tpu.memory_space<vmem>>, vector<16xf32>,
      %swap3A_570 = arith.constant 4528 : index
      %swap3A_571 = tpu.vector_load %arg17[%swap3A_570] {strides = array<i32>} : memref<6400xf32, #tpu.memory_space<vmem>>, vector<16xf32>,
      tpu.vector_store %arg17[%swap3A_570], %broadcast_in_dim3A_4 {strides = array<i32>} : memref<6400xf32, #tpu.memory_space<vmem>>, vector<16xf32>,
      %swap3A_572 = arith.constant 4544 : index
      %swap3A_573 = tpu.vector_load %arg17[%swap3A_572] {strides = array<i32>} : memref<6400xf32, #tpu.memory_space<vmem>>, vector<16xf32>,
      tpu.vector_store %arg17[%swap3A_572], %broadcast_in_dim3A_4 {strides = array<i32>} : memref<6400xf32, #tpu.memory_space<vmem>>, vector<16xf32>,
      %swap3A_574 = arith.constant 4560 : index
      %swap3A_575 = tpu.vector_load %arg17[%swap3A_574] {strides = array<i32>} : memref<6400xf32, #tpu.memory_space<vmem>>, vector<16xf32>,
      tpu.vector_store %arg17[%swap3A_574], %broadcast_in_dim3A_4 {strides = array<i32>} : memref<6400xf32, #tpu.memory_space<vmem>>, vector<16xf32>,
      %swap3A_576 = arith.constant 4576 : index
      %swap3A_577 = tpu.vector_load %arg17[%swap3A_576] {strides = array<i32>} : memref<6400xf32, #tpu.memory_space<vmem>>, vector<16xf32>,
      tpu.vector_store %arg17[%swap3A_576], %broadcast_in_dim3A_4 {strides = array<i32>} : memref<6400xf32, #tpu.memory_space<vmem>>, vector<16xf32>,
      %swap3A_578 = arith.constant 4592 : index
      %swap3A_579 = tpu.vector_load %arg17[%swap3A_578] {strides = array<i32>} : memref<6400xf32, #tpu.memory_space<vmem>>, vector<16xf32>,
      tpu.vector_store %arg17[%swap3A_578], %broadcast_in_dim3A_4 {strides = array<i32>} : memref<6400xf32, #tpu.memory_space<vmem>>, vector<16xf32>,
      %swap3A_580 = arith.constant 4608 : index
      %swap3A_581 = tpu.vector_load %arg17[%swap3A_580] {strides = array<i32>} : memref<6400xf32, #tpu.memory_space<vmem>>, vector<16xf32>,
      tpu.vector_store %arg17[%swap3A_580], %broadcast_in_dim3A_4 {strides = array<i32>} : memref<6400xf32, #tpu.memory_space<vmem>>, vector<16xf32>,
      %swap3A_582 = arith.constant 4624 : index
      %swap3A_583 = tpu.vector_load %arg17[%swap3A_582] {strides = array<i32>} : memref<6400xf32, #tpu.memory_space<vmem>>, vector<16xf32>,
      tpu.vector_store %arg17[%swap3A_582], %broadcast_in_dim3A_4 {strides = array<i32>} : memref<6400xf32, #tpu.memory_space<vmem>>, vector<16xf32>,
      %swap3A_584 = arith.constant 4640 : index
      %swap3A_585 = tpu.vector_load %arg17[%swap3A_584] {strides = array<i32>} : memref<6400xf32, #tpu.memory_space<vmem>>, vector<16xf32>,
      tpu.vector_store %arg17[%swap3A_584], %broadcast_in_dim3A_4 {strides = array<i32>} : memref<6400xf32, #tpu.memory_space<vmem>>, vector<16xf32>,
      %swap3A_586 = arith.constant 4656 : index
      %swap3A_587 = tpu.vector_load %arg17[%swap3A_586] {strides = array<i32>} : memref<6400xf32, #tpu.memory_space<vmem>>, vector<16xf32>,
      tpu.vector_store %arg17[%swap3A_586], %broadcast_in_dim3A_4 {strides = array<i32>} : memref<6400xf32, #tpu.memory_space<vmem>>, vector<16xf32>,
      %swap3A_588 = arith.constant 4672 : index
      %swap3A_589 = tpu.vector_load %arg17[%swap3A_588] {strides = array<i32>} : memref<6400xf32, #tpu.memory_space<vmem>>, vector<16xf32>,
      tpu.vector_store %arg17[%swap3A_588], %broadcast_in_dim3A_4 {strides = array<i32>} : memref<6400xf32, #tpu.memory_space<vmem>>, vector<16xf32>,
      %swap3A_590 = arith.constant 4688 : index
      %swap3A_591 = tpu.vector_load %arg17[%swap3A_590] {strides = array<i32>} : memref<6400xf32, #tpu.memory_space<vmem>>, vector<16xf32>,
      tpu.vector_store %arg17[%swap3A_590], %broadcast_in_dim3A_4 {strides = array<i32>} : memref<6400xf32, #tpu.memory_space<vmem>>, vector<16xf32>,
      %swap3A_592 = arith.constant 4704 : index
      %swap3A_593 = tpu.vector_load %arg17[%swap3A_592] {strides = array<i32>} : memref<6400xf32, #tpu.memory_space<vmem>>, vector<16xf32>,
      tpu.vector_store %arg17[%swap3A_592], %broadcast_in_dim3A_4 {strides = array<i32>} : memref<6400xf32, #tpu.memory_space<vmem>>, vector<16xf32>,
      %swap3A_594 = arith.constant 4720 : index
      %swap3A_595 = tpu.vector_load %arg17[%swap3A_594] {strides = array<i32>} : memref<6400xf32, #tpu.memory_space<vmem>>, vector<16xf32>,
      tpu.vector_store %arg17[%swap3A_594], %broadcast_in_dim3A_4 {strides = array<i32>} : memref<6400xf32, #tpu.memory_space<vmem>>, vector<16xf32>,
      %swap3A_596 = arith.constant 4736 : index
      %swap3A_597 = tpu.vector_load %arg17[%swap3A_596] {strides = array<i32>} : memref<6400xf32, #tpu.memory_space<vmem>>, vector<16xf32>,
      tpu.vector_store %arg17[%swap3A_596], %broadcast_in_dim3A_4 {strides = array<i32>} : memref<6400xf32, #tpu.memory_space<vmem>>, vector<16xf32>,
      %swap3A_598 = arith.constant 4752 : index
      %swap3A_599 = tpu.vector_load %arg17[%swap3A_598] {strides = array<i32>} : memref<6400xf32, #tpu.memory_space<vmem>>, vector<16xf32>,
      tpu.vector_store %arg17[%swap3A_598], %broadcast_in_dim3A_4 {strides = array<i32>} : memref<6400xf32, #tpu.memory_space<vmem>>, vector<16xf32>,
      %swap3A_600 = arith.constant 4768 : index
      %swap3A_601 = tpu.vector_load %arg17[%swap3A_600] {strides = array<i32>} : memref<6400xf32, #tpu.memory_space<vmem>>, vector<16xf32>,
      tpu.vector_store %arg17[%swap3A_600], %broadcast_in_dim3A_4 {strides = array<i32>} : memref<6400xf32, #tpu.memory_space<vmem>>, vector<16xf32>,
      %swap3A_602 = arith.constant 4784 : index
      %swap3A_603 = tpu.vector_load %arg17[%swap3A_602] {strides = array<i32>} : memref<6400xf32, #tpu.memory_space<vmem>>, vector<16xf32>,
      tpu.vector_store %arg17[%swap3A_602], %broadcast_in_dim3A_4 {strides = array<i32>} : memref<6400xf32, #tpu.memory_space<vmem>>, vector<16xf32>,
      %swap3A_604 = arith.constant 4800 : index
      %swap3A_605 = tpu.vector_load %arg17[%swap3A_604] {strides = array<i32>} : memref<6400xf32, #tpu.memory_space<vmem>>, vector<16xf32>,
      tpu.vector_store %arg17[%swap3A_604], %broadcast_in_dim3A_4 {strides = array<i32>} : memref<6400xf32, #tpu.memory_space<vmem>>, vector<16xf32>,
      %swap3A_606 = arith.constant 4816 : index
      %swap3A_607 = tpu.vector_load %arg17[%swap3A_606] {strides = array<i32>} : memref<6400xf32, #tpu.memory_space<vmem>>, vector<16xf32>,
      tpu.vector_store %arg17[%swap3A_606], %broadcast_in_dim3A_4 {strides = array<i32>} : memref<6400xf32, #tpu.memory_space<vmem>>, vector<16xf32>,
      %swap3A_608 = arith.constant 4832 : index
      %swap3A_609 = tpu.vector_load %arg17[%swap3A_608] {strides = array<i32>} : memref<6400xf32, #tpu.memory_space<vmem>>, vector<16xf32>,
      tpu.vector_store %arg17[%swap3A_608], %broadcast_in_dim3A_4 {strides = array<i32>} : memref<6400xf32, #tpu.memory_space<vmem>>, vector<16xf32>,
      %swap3A_610 = arith.constant 4848 : index
      %swap3A_611 = tpu.vector_load %arg17[%swap3A_610] {strides = array<i32>} : memref<6400xf32, #tpu.memory_space<vmem>>, vector<16xf32>,
      tpu.vector_store %arg17[%swap3A_610], %broadcast_in_dim3A_4 {strides = array<i32>} : memref<6400xf32, #tpu.memory_space<vmem>>, vector<16xf32>,
      %swap3A_612 = arith.constant 4864 : index
      %swap3A_613 = tpu.vector_load %arg17[%swap3A_612] {strides = array<i32>} : memref<6400xf32, #tpu.memory_space<vmem>>, vector<16xf32>,
      tpu.vector_store %arg17[%swap3A_612], %broadcast_in_dim3A_4 {strides = array<i32>} : memref<6400xf32, #tpu.memory_space<vmem>>, vector<16xf32>,
      %swap3A_614 = arith.constant 4880 : index
      %swap3A_615 = tpu.vector_load %arg17[%swap3A_614] {strides = array<i32>} : memref<6400xf32, #tpu.memory_space<vmem>>, vector<16xf32>,
      tpu.vector_store %arg17[%swap3A_614], %broadcast_in_dim3A_4 {strides = array<i32>} : memref<6400xf32, #tpu.memory_space<vmem>>, vector<16xf32>,
      %swap3A_616 = arith.constant 4896 : index
      %swap3A_617 = tpu.vector_load %arg17[%swap3A_616] {strides = array<i32>} : memref<6400xf32, #tpu.memory_space<vmem>>, vector<16xf32>,
      tpu.vector_store %arg17[%swap3A_616], %broadcast_in_dim3A_4 {strides = array<i32>} : memref<6400xf32, #tpu.memory_space<vmem>>, vector<16xf32>,
      %swap3A_618 = arith.constant 4912 : index
      %swap3A_619 = tpu.vector_load %arg17[%swap3A_618] {strides = array<i32>} : memref<6400xf32, #tpu.memory_space<vmem>>, vector<16xf32>,
      tpu.vector_store %arg17[%swap3A_618], %broadcast_in_dim3A_4 {strides = array<i32>} : memref<6400xf32, #tpu.memory_space<vmem>>, vector<16xf32>,
      %swap3A_620 = arith.constant 4928 : index
      %swap3A_621 = tpu.vector_load %arg17[%swap3A_620] {strides = array<i32>} : memref<6400xf32, #tpu.memory_space<vmem>>, vector<16xf32>,
      tpu.vector_store %arg17[%swap3A_620], %broadcast_in_dim3A_4 {strides = array<i32>} : memref<6400xf32, #tpu.memory_space<vmem>>, vector<16xf32>,
      %swap3A_622 = arith.constant 4944 : index
      %swap3A_623 = tpu.vector_load %arg17[%swap3A_622] {strides = array<i32>} : memref<6400xf32, #tpu.memory_space<vmem>>, vector<16xf32>,
      tpu.vector_store %arg17[%swap3A_622], %broadcast_in_dim3A_4 {strides = array<i32>} : memref<6400xf32, #tpu.memory_space<vmem>>, vector<16xf32>,
      %swap3A_624 = arith.constant 4960 : index
      %swap3A_625 = tpu.vector_load %arg17[%swap3A_624] {strides = array<i32>} : memref<6400xf32, #tpu.memory_space<vmem>>, vector<16xf32>,
      tpu.vector_store %arg17[%swap3A_624], %broadcast_in_dim3A_4 {strides = array<i32>} : memref<6400xf32, #tpu.memory_space<vmem>>, vector<16xf32>,
      %swap3A_626 = arith.constant 4976 : index
      %swap3A_627 = tpu.vector_load %arg17[%swap3A_626] {strides = array<i32>} : memref<6400xf32, #tpu.memory_space<vmem>>, vector<16xf32>,
      tpu.vector_store %arg17[%swap3A_626], %broadcast_in_dim3A_4 {strides = array<i32>} : memref<6400xf32, #tpu.memory_space<vmem>>, vector<16xf32>,
      %swap3A_628 = arith.constant 4992 : index
      %swap3A_629 = tpu.vector_load %arg17[%swap3A_628] {strides = array<i32>} : memref<6400xf32, #tpu.memory_space<vmem>>, vector<16xf32>,
      tpu.vector_store %arg17[%swap3A_628], %broadcast_in_dim3A_4 {strides = array<i32>} : memref<6400xf32, #tpu.memory_space<vmem>>, vector<16xf32>,
      %swap3A_630 = arith.constant 5008 : index
      %swap3A_631 = tpu.vector_load %arg17[%swap3A_630] {strides = array<i32>} : memref<6400xf32, #tpu.memory_space<vmem>>, vector<16xf32>,
      tpu.vector_store %arg17[%swap3A_630], %broadcast_in_dim3A_4 {strides = array<i32>} : memref<6400xf32, #tpu.memory_space<vmem>>, vector<16xf32>,
      %swap3A_632 = arith.constant 5024 : index
      %swap3A_633 = tpu.vector_load %arg17[%swap3A_632] {strides = array<i32>} : memref<6400xf32, #tpu.memory_space<vmem>>, vector<16xf32>,
      tpu.vector_store %arg17[%swap3A_632], %broadcast_in_dim3A_4 {strides = array<i32>} : memref<6400xf32, #tpu.memory_space<vmem>>, vector<16xf32>,
      %swap3A_634 = arith.constant 5040 : index
      %swap3A_635 = tpu.vector_load %arg17[%swap3A_634] {strides = array<i32>} : memref<6400xf32, #tpu.memory_space<vmem>>, vector<16xf32>,
      tpu.vector_store %arg17[%swap3A_634], %broadcast_in_dim3A_4 {strides = array<i32>} : memref<6400xf32, #tpu.memory_space<vmem>>, vector<16xf32>,
      %swap3A_636 = arith.constant 5056 : index
      %swap3A_637 = tpu.vector_load %arg17[%swap3A_636] {strides = array<i32>} : memref<6400xf32, #tpu.memory_space<vmem>>, vector<16xf32>,
      tpu.vector_store %arg17[%swap3A_636], %broadcast_in_dim3A_4 {strides = array<i32>} : memref<6400xf32, #tpu.memory_space<vmem>>, vector<16xf32>,
      %swap3A_638 = arith.constant 5072 : index
      %swap3A_639 = tpu.vector_load %arg17[%swap3A_638] {strides = array<i32>} : memref<6400xf32, #tpu.memory_space<vmem>>, vector<16xf32>,
      tpu.vector_store %arg17[%swap3A_638], %broadcast_in_dim3A_4 {strides = array<i32>} : memref<6400xf32, #tpu.memory_space<vmem>>, vector<16xf32>,
      %swap3A_640 = arith.constant 5088 : index
      %swap3A_641 = tpu.vector_load %arg17[%swap3A_640] {strides = array<i32>} : memref<6400xf32, #tpu.memory_space<vmem>>, vector<16xf32>,
      tpu.vector_store %arg17[%swap3A_640], %broadcast_in_dim3A_4 {strides = array<i32>} : memref<6400xf32, #tpu.memory_space<vmem>>, vector<16xf32>,
      %swap3A_642 = arith.constant 5104 : index
      %swap3A_643 = tpu.vector_load %arg17[%swap3A_642] {strides = array<i32>} : memref<6400xf32, #tpu.memory_space<vmem>>, vector<16xf32>,
      tpu.vector_store %arg17[%swap3A_642], %broadcast_in_dim3A_4 {strides = array<i32>} : memref<6400xf32, #tpu.memory_space<vmem>>, vector<16xf32>,
      %swap3A_644 = arith.constant 5120 : index
      %swap3A_645 = tpu.vector_load %arg17[%swap3A_644] {strides = array<i32>} : memref<6400xf32, #tpu.memory_space<vmem>>, vector<16xf32>,
      tpu.vector_store %arg17[%swap3A_644], %broadcast_in_dim3A_4 {strides = array<i32>} : memref<6400xf32, #tpu.memory_space<vmem>>, vector<16xf32>,
      %swap3A_646 = arith.constant 5136 : index
      %swap3A_647 = tpu.vector_load %arg17[%swap3A_646] {strides = array<i32>} : memref<6400xf32, #tpu.memory_space<vmem>>, vector<16xf32>,
      tpu.vector_store %arg17[%swap3A_646], %broadcast_in_dim3A_4 {strides = array<i32>} : memref<6400xf32, #tpu.memory_space<vmem>>, vector<16xf32>,
      %swap3A_648 = arith.constant 5152 : index
      %swap3A_649 = tpu.vector_load %arg17[%swap3A_648] {strides = array<i32>} : memref<6400xf32, #tpu.memory_space<vmem>>, vector<16xf32>,
      tpu.vector_store %arg17[%swap3A_648], %broadcast_in_dim3A_4 {strides = array<i32>} : memref<6400xf32, #tpu.memory_space<vmem>>, vector<16xf32>,
      %swap3A_650 = arith.constant 5168 : index
      %swap3A_651 = tpu.vector_load %arg17[%swap3A_650] {strides = array<i32>} : memref<6400xf32, #tpu.memory_space<vmem>>, vector<16xf32>,
      tpu.vector_store %arg17[%swap3A_650], %broadcast_in_dim3A_4 {strides = array<i32>} : memref<6400xf32, #tpu.memory_space<vmem>>, vector<16xf32>,
      %swap3A_652 = arith.constant 5184 : index
      %swap3A_653 = tpu.vector_load %arg17[%swap3A_652] {strides = array<i32>} : memref<6400xf32, #tpu.memory_space<vmem>>, vector<16xf32>,
      tpu.vector_store %arg17[%swap3A_652], %broadcast_in_dim3A_4 {strides = array<i32>} : memref<6400xf32, #tpu.memory_space<vmem>>, vector<16xf32>,
      %swap3A_654 = arith.constant 5200 : index
      %swap3A_655 = tpu.vector_load %arg17[%swap3A_654] {strides = array<i32>} : memref<6400xf32, #tpu.memory_space<vmem>>, vector<16xf32>,
      tpu.vector_store %arg17[%swap3A_654], %broadcast_in_dim3A_4 {strides = array<i32>} : memref<6400xf32, #tpu.memory_space<vmem>>, vector<16xf32>,
      %swap3A_656 = arith.constant 5216 : index
      %swap3A_657 = tpu.vector_load %arg17[%swap3A_656] {strides = array<i32>} : memref<6400xf32, #tpu.memory_space<vmem>>, vector<16xf32>,
      tpu.vector_store %arg17[%swap3A_656], %broadcast_in_dim3A_4 {strides = array<i32>} : memref<6400xf32, #tpu.memory_space<vmem>>, vector<16xf32>,
      %swap3A_658 = arith.constant 5232 : index
      %swap3A_659 = tpu.vector_load %arg17[%swap3A_658] {strides = array<i32>} : memref<6400xf32, #tpu.memory_space<vmem>>, vector<16xf32>,
      tpu.vector_store %arg17[%swap3A_658], %broadcast_in_dim3A_4 {strides = array<i32>} : memref<6400xf32, #tpu.memory_space<vmem>>, vector<16xf32>,
      %swap3A_660 = arith.constant 5248 : index
      %swap3A_661 = tpu.vector_load %arg17[%swap3A_660] {strides = array<i32>} : memref<6400xf32, #tpu.memory_space<vmem>>, vector<16xf32>,
      tpu.vector_store %arg17[%swap3A_660], %broadcast_in_dim3A_4 {strides = array<i32>} : memref<6400xf32, #tpu.memory_space<vmem>>, vector<16xf32>,
      %swap3A_662 = arith.constant 5264 : index
      %swap3A_663 = tpu.vector_load %arg17[%swap3A_662] {strides = array<i32>} : memref<6400xf32, #tpu.memory_space<vmem>>, vector<16xf32>,
      tpu.vector_store %arg17[%swap3A_662], %broadcast_in_dim3A_4 {strides = array<i32>} : memref<6400xf32, #tpu.memory_space<vmem>>, vector<16xf32>,
      %swap3A_664 = arith.constant 5280 : index
      %swap3A_665 = tpu.vector_load %arg17[%swap3A_664] {strides = array<i32>} : memref<6400xf32, #tpu.memory_space<vmem>>, vector<16xf32>,
      tpu.vector_store %arg17[%swap3A_664], %broadcast_in_dim3A_4 {strides = array<i32>} : memref<6400xf32, #tpu.memory_space<vmem>>, vector<16xf32>,
      %swap3A_666 = arith.constant 5296 : index
      %swap3A_667 = tpu.vector_load %arg17[%swap3A_666] {strides = array<i32>} : memref<6400xf32, #tpu.memory_space<vmem>>, vector<16xf32>,
      tpu.vector_store %arg17[%swap3A_666], %broadcast_in_dim3A_4 {strides = array<i32>} : memref<6400xf32, #tpu.memory_space<vmem>>, vector<16xf32>,
      %swap3A_668 = arith.constant 5312 : index
      %swap3A_669 = tpu.vector_load %arg17[%swap3A_668] {strides = array<i32>} : memref<6400xf32, #tpu.memory_space<vmem>>, vector<16xf32>,
      tpu.vector_store %arg17[%swap3A_668], %broadcast_in_dim3A_4 {strides = array<i32>} : memref<6400xf32, #tpu.memory_space<vmem>>, vector<16xf32>,
      %swap3A_670 = arith.constant 5328 : index
      %swap3A_671 = tpu.vector_load %arg17[%swap3A_670] {strides = array<i32>} : memref<6400xf32, #tpu.memory_space<vmem>>, vector<16xf32>,
      tpu.vector_store %arg17[%swap3A_670], %broadcast_in_dim3A_4 {strides = array<i32>} : memref<6400xf32, #tpu.memory_space<vmem>>, vector<16xf32>,
      %swap3A_672 = arith.constant 5344 : index
      %swap3A_673 = tpu.vector_load %arg17[%swap3A_672] {strides = array<i32>} : memref<6400xf32, #tpu.memory_space<vmem>>, vector<16xf32>,
      tpu.vector_store %arg17[%swap3A_672], %broadcast_in_dim3A_4 {strides = array<i32>} : memref<6400xf32, #tpu.memory_space<vmem>>, vector<16xf32>,
      %swap3A_674 = arith.constant 5360 : index
      %swap3A_675 = tpu.vector_load %arg17[%swap3A_674] {strides = array<i32>} : memref<6400xf32, #tpu.memory_space<vmem>>, vector<16xf32>,
      tpu.vector_store %arg17[%swap3A_674], %broadcast_in_dim3A_4 {strides = array<i32>} : memref<6400xf32, #tpu.memory_space<vmem>>, vector<16xf32>,
      %swap3A_676 = arith.constant 5376 : index
      %swap3A_677 = tpu.vector_load %arg17[%swap3A_676] {strides = array<i32>} : memref<6400xf32, #tpu.memory_space<vmem>>, vector<16xf32>,
      tpu.vector_store %arg17[%swap3A_676], %broadcast_in_dim3A_4 {strides = array<i32>} : memref<6400xf32, #tpu.memory_space<vmem>>, vector<16xf32>,
      %swap3A_678 = arith.constant 5392 : index
      %swap3A_679 = tpu.vector_load %arg17[%swap3A_678] {strides = array<i32>} : memref<6400xf32, #tpu.memory_space<vmem>>, vector<16xf32>,
      tpu.vector_store %arg17[%swap3A_678], %broadcast_in_dim3A_4 {strides = array<i32>} : memref<6400xf32, #tpu.memory_space<vmem>>, vector<16xf32>,
      %swap3A_680 = arith.constant 5408 : index
      %swap3A_681 = tpu.vector_load %arg17[%swap3A_680] {strides = array<i32>} : memref<6400xf32, #tpu.memory_space<vmem>>, vector<16xf32>,
      tpu.vector_store %arg17[%swap3A_680], %broadcast_in_dim3A_4 {strides = array<i32>} : memref<6400xf32, #tpu.memory_space<vmem>>, vector<16xf32>,
      %swap3A_682 = arith.constant 5424 : index
      %swap3A_683 = tpu.vector_load %arg17[%swap3A_682] {strides = array<i32>} : memref<6400xf32, #tpu.memory_space<vmem>>, vector<16xf32>,
      tpu.vector_store %arg17[%swap3A_682], %broadcast_in_dim3A_4 {strides = array<i32>} : memref<6400xf32, #tpu.memory_space<vmem>>, vector<16xf32>,
      %swap3A_684 = arith.constant 5440 : index
      %swap3A_685 = tpu.vector_load %arg17[%swap3A_684] {strides = array<i32>} : memref<6400xf32, #tpu.memory_space<vmem>>, vector<16xf32>,
      tpu.vector_store %arg17[%swap3A_684], %broadcast_in_dim3A_4 {strides = array<i32>} : memref<6400xf32, #tpu.memory_space<vmem>>, vector<16xf32>,
      %swap3A_686 = arith.constant 5456 : index
      %swap3A_687 = tpu.vector_load %arg17[%swap3A_686] {strides = array<i32>} : memref<6400xf32, #tpu.memory_space<vmem>>, vector<16xf32>,
      tpu.vector_store %arg17[%swap3A_686], %broadcast_in_dim3A_4 {strides = array<i32>} : memref<6400xf32, #tpu.memory_space<vmem>>, vector<16xf32>,
      %swap3A_688 = arith.constant 5472 : index
      %swap3A_689 = tpu.vector_load %arg17[%swap3A_688] {strides = array<i32>} : memref<6400xf32, #tpu.memory_space<vmem>>, vector<16xf32>,
      tpu.vector_store %arg17[%swap3A_688], %broadcast_in_dim3A_4 {strides = array<i32>} : memref<6400xf32, #tpu.memory_space<vmem>>, vector<16xf32>,
      %swap3A_690 = arith.constant 5488 : index
      %swap3A_691 = tpu.vector_load %arg17[%swap3A_690] {strides = array<i32>} : memref<6400xf32, #tpu.memory_space<vmem>>, vector<16xf32>,
      tpu.vector_store %arg17[%swap3A_690], %broadcast_in_dim3A_4 {strides = array<i32>} : memref<6400xf32, #tpu.memory_space<vmem>>, vector<16xf32>,
      %swap3A_692 = arith.constant 5504 : index
      %swap3A_693 = tpu.vector_load %arg17[%swap3A_692] {strides = array<i32>} : memref<6400xf32, #tpu.memory_space<vmem>>, vector<16xf32>,
      tpu.vector_store %arg17[%swap3A_692], %broadcast_in_dim3A_4 {strides = array<i32>} : memref<6400xf32, #tpu.memory_space<vmem>>, vector<16xf32>,
      %swap3A_694 = arith.constant 5520 : index
      %swap3A_695 = tpu.vector_load %arg17[%swap3A_694] {strides = array<i32>} : memref<6400xf32, #tpu.memory_space<vmem>>, vector<16xf32>,
      tpu.vector_store %arg17[%swap3A_694], %broadcast_in_dim3A_4 {strides = array<i32>} : memref<6400xf32, #tpu.memory_space<vmem>>, vector<16xf32>,
      %swap3A_696 = arith.constant 5536 : index
      %swap3A_697 = tpu.vector_load %arg17[%swap3A_696] {strides = array<i32>} : memref<6400xf32, #tpu.memory_space<vmem>>, vector<16xf32>,
      tpu.vector_store %arg17[%swap3A_696], %broadcast_in_dim3A_4 {strides = array<i32>} : memref<6400xf32, #tpu.memory_space<vmem>>, vector<16xf32>,
      %swap3A_698 = arith.constant 5552 : index
      %swap3A_699 = tpu.vector_load %arg17[%swap3A_698] {strides = array<i32>} : memref<6400xf32, #tpu.memory_space<vmem>>, vector<16xf32>,
      tpu.vector_store %arg17[%swap3A_698], %broadcast_in_dim3A_4 {strides = array<i32>} : memref<6400xf32, #tpu.memory_space<vmem>>, vector<16xf32>,
      %swap3A_700 = arith.constant 5568 : index
      %swap3A_701 = tpu.vector_load %arg17[%swap3A_700] {strides = array<i32>} : memref<6400xf32, #tpu.memory_space<vmem>>, vector<16xf32>,
      tpu.vector_store %arg17[%swap3A_700], %broadcast_in_dim3A_4 {strides = array<i32>} : memref<6400xf32, #tpu.memory_space<vmem>>, vector<16xf32>,
      %swap3A_702 = arith.constant 5584 : index
      %swap3A_703 = tpu.vector_load %arg17[%swap3A_702] {strides = array<i32>} : memref<6400xf32, #tpu.memory_space<vmem>>, vector<16xf32>,
      tpu.vector_store %arg17[%swap3A_702], %broadcast_in_dim3A_4 {strides = array<i32>} : memref<6400xf32, #tpu.memory_space<vmem>>, vector<16xf32>,
      %swap3A_704 = arith.constant 5600 : index
      %swap3A_705 = tpu.vector_load %arg17[%swap3A_704] {strides = array<i32>} : memref<6400xf32, #tpu.memory_space<vmem>>, vector<16xf32>,
      tpu.vector_store %arg17[%swap3A_704], %broadcast_in_dim3A_4 {strides = array<i32>} : memref<6400xf32, #tpu.memory_space<vmem>>, vector<16xf32>,
      %swap3A_706 = arith.constant 5616 : index
      %swap3A_707 = tpu.vector_load %arg17[%swap3A_706] {strides = array<i32>} : memref<6400xf32, #tpu.memory_space<vmem>>, vector<16xf32>,
      tpu.vector_store %arg17[%swap3A_706], %broadcast_in_dim3A_4 {strides = array<i32>} : memref<6400xf32, #tpu.memory_space<vmem>>, vector<16xf32>,
      %swap3A_708 = arith.constant 5632 : index
      %swap3A_709 = tpu.vector_load %arg17[%swap3A_708] {strides = array<i32>} : memref<6400xf32, #tpu.memory_space<vmem>>, vector<16xf32>,
      tpu.vector_store %arg17[%swap3A_708], %broadcast_in_dim3A_4 {strides = array<i32>} : memref<6400xf32, #tpu.memory_space<vmem>>, vector<16xf32>,
      %swap3A_710 = arith.constant 5648 : index
      %swap3A_711 = tpu.vector_load %arg17[%swap3A_710] {strides = array<i32>} : memref<6400xf32, #tpu.memory_space<vmem>>, vector<16xf32>,
      tpu.vector_store %arg17[%swap3A_710], %broadcast_in_dim3A_4 {strides = array<i32>} : memref<6400xf32, #tpu.memory_space<vmem>>, vector<16xf32>,
      %swap3A_712 = arith.constant 5664 : index
      %swap3A_713 = tpu.vector_load %arg17[%swap3A_712] {strides = array<i32>} : memref<6400xf32, #tpu.memory_space<vmem>>, vector<16xf32>,
      tpu.vector_store %arg17[%swap3A_712], %broadcast_in_dim3A_4 {strides = array<i32>} : memref<6400xf32, #tpu.memory_space<vmem>>, vector<16xf32>,
      %swap3A_714 = arith.constant 5680 : index
      %swap3A_715 = tpu.vector_load %arg17[%swap3A_714] {strides = array<i32>} : memref<6400xf32, #tpu.memory_space<vmem>>, vector<16xf32>,
      tpu.vector_store %arg17[%swap3A_714], %broadcast_in_dim3A_4 {strides = array<i32>} : memref<6400xf32, #tpu.memory_space<vmem>>, vector<16xf32>,
      %swap3A_716 = arith.constant 5696 : index
      %swap3A_717 = tpu.vector_load %arg17[%swap3A_716] {strides = array<i32>} : memref<6400xf32, #tpu.memory_space<vmem>>, vector<16xf32>,
      tpu.vector_store %arg17[%swap3A_716], %broadcast_in_dim3A_4 {strides = array<i32>} : memref<6400xf32, #tpu.memory_space<vmem>>, vector<16xf32>,
      %swap3A_718 = arith.constant 5712 : index
      %swap3A_719 = tpu.vector_load %arg17[%swap3A_718] {strides = array<i32>} : memref<6400xf32, #tpu.memory_space<vmem>>, vector<16xf32>,
      tpu.vector_store %arg17[%swap3A_718], %broadcast_in_dim3A_4 {strides = array<i32>} : memref<6400xf32, #tpu.memory_space<vmem>>, vector<16xf32>,
      %swap3A_720 = arith.constant 5728 : index
      %swap3A_721 = tpu.vector_load %arg17[%swap3A_720] {strides = array<i32>} : memref<6400xf32, #tpu.memory_space<vmem>>, vector<16xf32>,
      tpu.vector_store %arg17[%swap3A_720], %broadcast_in_dim3A_4 {strides = array<i32>} : memref<6400xf32, #tpu.memory_space<vmem>>, vector<16xf32>,
      %swap3A_722 = arith.constant 5744 : index
      %swap3A_723 = tpu.vector_load %arg17[%swap3A_722] {strides = array<i32>} : memref<6400xf32, #tpu.memory_space<vmem>>, vector<16xf32>,
      tpu.vector_store %arg17[%swap3A_722], %broadcast_in_dim3A_4 {strides = array<i32>} : memref<6400xf32, #tpu.memory_space<vmem>>, vector<16xf32>,
      %swap3A_724 = arith.constant 5760 : index
      %swap3A_725 = tpu.vector_load %arg17[%swap3A_724] {strides = array<i32>} : memref<6400xf32, #tpu.memory_space<vmem>>, vector<16xf32>,
      tpu.vector_store %arg17[%swap3A_724], %broadcast_in_dim3A_4 {strides = array<i32>} : memref<6400xf32, #tpu.memory_space<vmem>>, vector<16xf32>,
      %swap3A_726 = arith.constant 5776 : index
      %swap3A_727 = tpu.vector_load %arg17[%swap3A_726] {strides = array<i32>} : memref<6400xf32, #tpu.memory_space<vmem>>, vector<16xf32>,
      tpu.vector_store %arg17[%swap3A_726], %broadcast_in_dim3A_4 {strides = array<i32>} : memref<6400xf32, #tpu.memory_space<vmem>>, vector<16xf32>,
      %swap3A_728 = arith.constant 5792 : index
      %swap3A_729 = tpu.vector_load %arg17[%swap3A_728] {strides = array<i32>} : memref<6400xf32, #tpu.memory_space<vmem>>, vector<16xf32>,
      tpu.vector_store %arg17[%swap3A_728], %broadcast_in_dim3A_4 {strides = array<i32>} : memref<6400xf32, #tpu.memory_space<vmem>>, vector<16xf32>,
      %swap3A_730 = arith.constant 5808 : index
      %swap3A_731 = tpu.vector_load %arg17[%swap3A_730] {strides = array<i32>} : memref<6400xf32, #tpu.memory_space<vmem>>, vector<16xf32>,
      tpu.vector_store %arg17[%swap3A_730], %broadcast_in_dim3A_4 {strides = array<i32>} : memref<6400xf32, #tpu.memory_space<vmem>>, vector<16xf32>,
      %swap3A_732 = arith.constant 5824 : index
      %swap3A_733 = tpu.vector_load %arg17[%swap3A_732] {strides = array<i32>} : memref<6400xf32, #tpu.memory_space<vmem>>, vector<16xf32>,
      tpu.vector_store %arg17[%swap3A_732], %broadcast_in_dim3A_4 {strides = array<i32>} : memref<6400xf32, #tpu.memory_space<vmem>>, vector<16xf32>,
      %swap3A_734 = arith.constant 5840 : index
      %swap3A_735 = tpu.vector_load %arg17[%swap3A_734] {strides = array<i32>} : memref<6400xf32, #tpu.memory_space<vmem>>, vector<16xf32>,
      tpu.vector_store %arg17[%swap3A_734], %broadcast_in_dim3A_4 {strides = array<i32>} : memref<6400xf32, #tpu.memory_space<vmem>>, vector<16xf32>,
      %swap3A_736 = arith.constant 5856 : index
      %swap3A_737 = tpu.vector_load %arg17[%swap3A_736] {strides = array<i32>} : memref<6400xf32, #tpu.memory_space<vmem>>, vector<16xf32>,
      tpu.vector_store %arg17[%swap3A_736], %broadcast_in_dim3A_4 {strides = array<i32>} : memref<6400xf32, #tpu.memory_space<vmem>>, vector<16xf32>,
      %swap3A_738 = arith.constant 5872 : index
      %swap3A_739 = tpu.vector_load %arg17[%swap3A_738] {strides = array<i32>} : memref<6400xf32, #tpu.memory_space<vmem>>, vector<16xf32>,
      tpu.vector_store %arg17[%swap3A_738], %broadcast_in_dim3A_4 {strides = array<i32>} : memref<6400xf32, #tpu.memory_space<vmem>>, vector<16xf32>,
      %swap3A_740 = arith.constant 5888 : index
      %swap3A_741 = tpu.vector_load %arg17[%swap3A_740] {strides = array<i32>} : memref<6400xf32, #tpu.memory_space<vmem>>, vector<16xf32>,
      tpu.vector_store %arg17[%swap3A_740], %broadcast_in_dim3A_4 {strides = array<i32>} : memref<6400xf32, #tpu.memory_space<vmem>>, vector<16xf32>,
      %swap3A_742 = arith.constant 5904 : index
      %swap3A_743 = tpu.vector_load %arg17[%swap3A_742] {strides = array<i32>} : memref<6400xf32, #tpu.memory_space<vmem>>, vector<16xf32>,
      tpu.vector_store %arg17[%swap3A_742], %broadcast_in_dim3A_4 {strides = array<i32>} : memref<6400xf32, #tpu.memory_space<vmem>>, vector<16xf32>,
      %swap3A_744 = arith.constant 5920 : index
      %swap3A_745 = tpu.vector_load %arg17[%swap3A_744] {strides = array<i32>} : memref<6400xf32, #tpu.memory_space<vmem>>, vector<16xf32>,
      tpu.vector_store %arg17[%swap3A_744], %broadcast_in_dim3A_4 {strides = array<i32>} : memref<6400xf32, #tpu.memory_space<vmem>>, vector<16xf32>,
      %swap3A_746 = arith.constant 5936 : index
      %swap3A_747 = tpu.vector_load %arg17[%swap3A_746] {strides = array<i32>} : memref<6400xf32, #tpu.memory_space<vmem>>, vector<16xf32>,
      tpu.vector_store %arg17[%swap3A_746], %broadcast_in_dim3A_4 {strides = array<i32>} : memref<6400xf32, #tpu.memory_space<vmem>>, vector<16xf32>,
      %swap3A_748 = arith.constant 5952 : index
      %swap3A_749 = tpu.vector_load %arg17[%swap3A_748] {strides = array<i32>} : memref<6400xf32, #tpu.memory_space<vmem>>, vector<16xf32>,
      tpu.vector_store %arg17[%swap3A_748], %broadcast_in_dim3A_4 {strides = array<i32>} : memref<6400xf32, #tpu.memory_space<vmem>>, vector<16xf32>,
      %swap3A_750 = arith.constant 5968 : index
      %swap3A_751 = tpu.vector_load %arg17[%swap3A_750] {strides = array<i32>} : memref<6400xf32, #tpu.memory_space<vmem>>, vector<16xf32>,
      tpu.vector_store %arg17[%swap3A_750], %broadcast_in_dim3A_4 {strides = array<i32>} : memref<6400xf32, #tpu.memory_space<vmem>>, vector<16xf32>,
      %swap3A_752 = arith.constant 5984 : index
      %swap3A_753 = tpu.vector_load %arg17[%swap3A_752] {strides = array<i32>} : memref<6400xf32, #tpu.memory_space<vmem>>, vector<16xf32>,
      tpu.vector_store %arg17[%swap3A_752], %broadcast_in_dim3A_4 {strides = array<i32>} : memref<6400xf32, #tpu.memory_space<vmem>>, vector<16xf32>,
      %swap3A_754 = arith.constant 6000 : index
      %swap3A_755 = tpu.vector_load %arg17[%swap3A_754] {strides = array<i32>} : memref<6400xf32, #tpu.memory_space<vmem>>, vector<16xf32>,
      tpu.vector_store %arg17[%swap3A_754], %broadcast_in_dim3A_4 {strides = array<i32>} : memref<6400xf32, #tpu.memory_space<vmem>>, vector<16xf32>,
      %swap3A_756 = arith.constant 6016 : index
      %swap3A_757 = tpu.vector_load %arg17[%swap3A_756] {strides = array<i32>} : memref<6400xf32, #tpu.memory_space<vmem>>, vector<16xf32>,
      tpu.vector_store %arg17[%swap3A_756], %broadcast_in_dim3A_4 {strides = array<i32>} : memref<6400xf32, #tpu.memory_space<vmem>>, vector<16xf32>,
      %swap3A_758 = arith.constant 6032 : index
      %swap3A_759 = tpu.vector_load %arg17[%swap3A_758] {strides = array<i32>} : memref<6400xf32, #tpu.memory_space<vmem>>, vector<16xf32>,
      tpu.vector_store %arg17[%swap3A_758], %broadcast_in_dim3A_4 {strides = array<i32>} : memref<6400xf32, #tpu.memory_space<vmem>>, vector<16xf32>,
      %swap3A_760 = arith.constant 6048 : index
      %swap3A_761 = tpu.vector_load %arg17[%swap3A_760] {strides = array<i32>} : memref<6400xf32, #tpu.memory_space<vmem>>, vector<16xf32>,
      tpu.vector_store %arg17[%swap3A_760], %broadcast_in_dim3A_4 {strides = array<i32>} : memref<6400xf32, #tpu.memory_space<vmem>>, vector<16xf32>,
      %swap3A_762 = arith.constant 6064 : index
      %swap3A_763 = tpu.vector_load %arg17[%swap3A_762] {strides = array<i32>} : memref<6400xf32, #tpu.memory_space<vmem>>, vector<16xf32>,
      tpu.vector_store %arg17[%swap3A_762], %broadcast_in_dim3A_4 {strides = array<i32>} : memref<6400xf32, #tpu.memory_space<vmem>>, vector<16xf32>,
      %swap3A_764 = arith.constant 6080 : index
      %swap3A_765 = tpu.vector_load %arg17[%swap3A_764] {strides = array<i32>} : memref<6400xf32, #tpu.memory_space<vmem>>, vector<16xf32>,
      tpu.vector_store %arg17[%swap3A_764], %broadcast_in_dim3A_4 {strides = array<i32>} : memref<6400xf32, #tpu.memory_space<vmem>>, vector<16xf32>,
      %swap3A_766 = arith.constant 6096 : index
      %swap3A_767 = tpu.vector_load %arg17[%swap3A_766] {strides = array<i32>} : memref<6400xf32, #tpu.memory_space<vmem>>, vector<16xf32>,
      tpu.vector_store %arg17[%swap3A_766], %broadcast_in_dim3A_4 {strides = array<i32>} : memref<6400xf32, #tpu.memory_space<vmem>>, vector<16xf32>,
      %swap3A_768 = arith.constant 6112 : index
      %swap3A_769 = tpu.vector_load %arg17[%swap3A_768] {strides = array<i32>} : memref<6400xf32, #tpu.memory_space<vmem>>, vector<16xf32>,
      tpu.vector_store %arg17[%swap3A_768], %broadcast_in_dim3A_4 {strides = array<i32>} : memref<6400xf32, #tpu.memory_space<vmem>>, vector<16xf32>,
      %swap3A_770 = arith.constant 6128 : index
      %swap3A_771 = tpu.vector_load %arg17[%swap3A_770] {strides = array<i32>} : memref<6400xf32, #tpu.memory_space<vmem>>, vector<16xf32>,
      tpu.vector_store %arg17[%swap3A_770], %broadcast_in_dim3A_4 {strides = array<i32>} : memref<6400xf32, #tpu.memory_space<vmem>>, vector<16xf32>,
      %swap3A_772 = arith.constant 6144 : index
      %swap3A_773 = tpu.vector_load %arg17[%swap3A_772] {strides = array<i32>} : memref<6400xf32, #tpu.memory_space<vmem>>, vector<16xf32>,
      tpu.vector_store %arg17[%swap3A_772], %broadcast_in_dim3A_4 {strides = array<i32>} : memref<6400xf32, #tpu.memory_space<vmem>>, vector<16xf32>,
      %swap3A_774 = arith.constant 6160 : index
      %swap3A_775 = tpu.vector_load %arg17[%swap3A_774] {strides = array<i32>} : memref<6400xf32, #tpu.memory_space<vmem>>, vector<16xf32>,
      tpu.vector_store %arg17[%swap3A_774], %broadcast_in_dim3A_4 {strides = array<i32>} : memref<6400xf32, #tpu.memory_space<vmem>>, vector<16xf32>,
      %swap3A_776 = arith.constant 6176 : index
      %swap3A_777 = tpu.vector_load %arg17[%swap3A_776] {strides = array<i32>} : memref<6400xf32, #tpu.memory_space<vmem>>, vector<16xf32>,
      tpu.vector_store %arg17[%swap3A_776], %broadcast_in_dim3A_4 {strides = array<i32>} : memref<6400xf32, #tpu.memory_space<vmem>>, vector<16xf32>,
      %swap3A_778 = arith.constant 6192 : index
      %swap3A_779 = tpu.vector_load %arg17[%swap3A_778] {strides = array<i32>} : memref<6400xf32, #tpu.memory_space<vmem>>, vector<16xf32>,
      tpu.vector_store %arg17[%swap3A_778], %broadcast_in_dim3A_4 {strides = array<i32>} : memref<6400xf32, #tpu.memory_space<vmem>>, vector<16xf32>,
      %swap3A_780 = arith.constant 6208 : index
      %swap3A_781 = tpu.vector_load %arg17[%swap3A_780] {strides = array<i32>} : memref<6400xf32, #tpu.memory_space<vmem>>, vector<16xf32>,
      tpu.vector_store %arg17[%swap3A_780], %broadcast_in_dim3A_4 {strides = array<i32>} : memref<6400xf32, #tpu.memory_space<vmem>>, vector<16xf32>,
      %swap3A_782 = arith.constant 6224 : index
      %swap3A_783 = tpu.vector_load %arg17[%swap3A_782] {strides = array<i32>} : memref<6400xf32, #tpu.memory_space<vmem>>, vector<16xf32>,
      tpu.vector_store %arg17[%swap3A_782], %broadcast_in_dim3A_4 {strides = array<i32>} : memref<6400xf32, #tpu.memory_space<vmem>>, vector<16xf32>,
      %swap3A_784 = arith.constant 6240 : index
      %swap3A_785 = tpu.vector_load %arg17[%swap3A_784] {strides = array<i32>} : memref<6400xf32, #tpu.memory_space<vmem>>, vector<16xf32>,
      tpu.vector_store %arg17[%swap3A_784], %broadcast_in_dim3A_4 {strides = array<i32>} : memref<6400xf32, #tpu.memory_space<vmem>>, vector<16xf32>,
      %swap3A_786 = arith.constant 6256 : index
      %swap3A_787 = tpu.vector_load %arg17[%swap3A_786] {strides = array<i32>} : memref<6400xf32, #tpu.memory_space<vmem>>, vector<16xf32>,
      tpu.vector_store %arg17[%swap3A_786], %broadcast_in_dim3A_4 {strides = array<i32>} : memref<6400xf32, #tpu.memory_space<vmem>>, vector<16xf32>,
      %swap3A_788 = arith.constant 6272 : index
      %swap3A_789 = tpu.vector_load %arg17[%swap3A_788] {strides = array<i32>} : memref<6400xf32, #tpu.memory_space<vmem>>, vector<16xf32>,
      tpu.vector_store %arg17[%swap3A_788], %broadcast_in_dim3A_4 {strides = array<i32>} : memref<6400xf32, #tpu.memory_space<vmem>>, vector<16xf32>,
      %swap3A_790 = arith.constant 6288 : index
      %swap3A_791 = tpu.vector_load %arg17[%swap3A_790] {strides = array<i32>} : memref<6400xf32, #tpu.memory_space<vmem>>, vector<16xf32>,
      tpu.vector_store %arg17[%swap3A_790], %broadcast_in_dim3A_4 {strides = array<i32>} : memref<6400xf32, #tpu.memory_space<vmem>>, vector<16xf32>,
      %swap3A_792 = arith.constant 6304 : index
      %swap3A_793 = tpu.vector_load %arg17[%swap3A_792] {strides = array<i32>} : memref<6400xf32, #tpu.memory_space<vmem>>, vector<16xf32>,
      tpu.vector_store %arg17[%swap3A_792], %broadcast_in_dim3A_4 {strides = array<i32>} : memref<6400xf32, #tpu.memory_space<vmem>>, vector<16xf32>,
      %swap3A_794 = arith.constant 6320 : index
      %swap3A_795 = tpu.vector_load %arg17[%swap3A_794] {strides = array<i32>} : memref<6400xf32, #tpu.memory_space<vmem>>, vector<16xf32>,
      tpu.vector_store %arg17[%swap3A_794], %broadcast_in_dim3A_4 {strides = array<i32>} : memref<6400xf32, #tpu.memory_space<vmem>>, vector<16xf32>,
      %swap3A_796 = arith.constant 6336 : index
      %swap3A_797 = tpu.vector_load %arg17[%swap3A_796] {strides = array<i32>} : memref<6400xf32, #tpu.memory_space<vmem>>, vector<16xf32>,
      tpu.vector_store %arg17[%swap3A_796], %broadcast_in_dim3A_4 {strides = array<i32>} : memref<6400xf32, #tpu.memory_space<vmem>>, vector<16xf32>,
      %swap3A_798 = arith.constant 6352 : index
      %swap3A_799 = tpu.vector_load %arg17[%swap3A_798] {strides = array<i32>} : memref<6400xf32, #tpu.memory_space<vmem>>, vector<16xf32>,
      tpu.vector_store %arg17[%swap3A_798], %broadcast_in_dim3A_4 {strides = array<i32>} : memref<6400xf32, #tpu.memory_space<vmem>>, vector<16xf32>,
      %swap3A_800 = arith.constant 6368 : index
      %swap3A_801 = tpu.vector_load %arg17[%swap3A_800] {strides = array<i32>} : memref<6400xf32, #tpu.memory_space<vmem>>, vector<16xf32>,
      tpu.vector_store %arg17[%swap3A_800], %broadcast_in_dim3A_4 {strides = array<i32>} : memref<6400xf32, #tpu.memory_space<vmem>>, vector<16xf32>,
      %swap3A_802 = arith.constant 6384 : index
      %swap3A_803 = tpu.vector_load %arg17[%swap3A_802] {strides = array<i32>} : memref<6400xf32, #tpu.memory_space<vmem>>, vector<16xf32>,
      tpu.vector_store %arg17[%swap3A_802], %broadcast_in_dim3A_4 {strides = array<i32>} : memref<6400xf32, #tpu.memory_space<vmem>>, vector<16xf32>,
      %broadcast_in_dim3A_804 = arith.constant 0 : i32
      %broadcast_in_dim3A_805 = vector.broadcast %broadcast_in_dim3A_804 : i32 to vector<16xi32>
      "tpu.region"() ({
        %run_scoped3A = tpu.sem_alloc : memref<!tpu.dma_semaphore, #tpu.memory_space<semaphore_mem>>
        %dma_start3A = arith.constant 0 : i32
        %dma_start3A_817 = tpu.memref_slice %arg2[%dma_start3A] : memref<20480xf32, #tpu.memory_space<hbm>> -> memref<10240xf32, #tpu.memory_space<hbm>>
        %dma_start3A_818 = arith.constant 0 : i32
        %dma_start3A_819 = tpu.memref_slice %arg2[%dma_start3A_818] : memref<20480xf32, #tpu.memory_space<hbm>> -> memref<10240xf32, #tpu.memory_space<hbm>>
        tpu.enqueue_dma source(%dma_start3A_819 : memref<10240xf32, #tpu.memory_space<hbm>>) target(%arg12 : memref<10240xf32, #tpu.memory_space<vmem>>) target_semaphore(%run_scoped3A : memref<!tpu.dma_semaphore, #tpu.memory_space<semaphore_mem>>)
        %dma_wait3A = arith.constant 0 : i32
        %dma_wait3A_820 = tpu.memref_slice %arg2[%dma_wait3A] : memref<20480xf32, #tpu.memory_space<hbm>> -> memref<10240xf32, #tpu.memory_space<hbm>>
        %dma_wait3A_821 = arith.constant 0 : i32
        %dma_wait3A_822 = tpu.memref_slice %arg2[%dma_wait3A_821] : memref<20480xf32, #tpu.memory_space<hbm>> -> memref<10240xf32, #tpu.memory_space<hbm>>
        tpu.wait_dma2 semaphore(%run_scoped3A : memref<!tpu.dma_semaphore, #tpu.memory_space<semaphore_mem>>) src(%dma_wait3A_822 : memref<10240xf32, #tpu.memory_space<hbm>>) dst(%arg12 : memref<10240xf32, #tpu.memory_space<vmem>>)
        tpu.yield
      }) : () -> ()
      "tpu.region"() ({
        %run_scoped3A = tpu.sem_alloc : memref<!tpu.dma_semaphore, #tpu.memory_space<semaphore_mem>>
        %dma_start3A = arith.constant 0 : i32
        %dma_start3A_817 = tpu.memref_slice %arg3[%dma_start3A] : memref<20480xf32, #tpu.memory_space<hbm>> -> memref<10240xf32, #tpu.memory_space<hbm>>
        %dma_start3A_818 = arith.constant 0 : i32
        %dma_start3A_819 = tpu.memref_slice %arg3[%dma_start3A_818] : memref<20480xf32, #tpu.memory_space<hbm>> -> memref<10240xf32, #tpu.memory_space<hbm>>
        tpu.enqueue_dma source(%dma_start3A_819 : memref<10240xf32, #tpu.memory_space<hbm>>) target(%arg13 : memref<10240xf32, #tpu.memory_space<vmem>>) target_semaphore(%run_scoped3A : memref<!tpu.dma_semaphore, #tpu.memory_space<semaphore_mem>>)
        %dma_wait3A = arith.constant 0 : i32
        %dma_wait3A_820 = tpu.memref_slice %arg3[%dma_wait3A] : memref<20480xf32, #tpu.memory_space<hbm>> -> memref<10240xf32, #tpu.memory_space<hbm>>
        %dma_wait3A_821 = arith.constant 0 : i32
        %dma_wait3A_822 = tpu.memref_slice %arg3[%dma_wait3A_821] : memref<20480xf32, #tpu.memory_space<hbm>> -> memref<10240xf32, #tpu.memory_space<hbm>>
        tpu.wait_dma2 semaphore(%run_scoped3A : memref<!tpu.dma_semaphore, #tpu.memory_space<semaphore_mem>>) src(%dma_wait3A_822 : memref<10240xf32, #tpu.memory_space<hbm>>) dst(%arg13 : memref<10240xf32, #tpu.memory_space<vmem>>)
        tpu.yield
      }) : () -> ()
      "tpu.region"() ({
        %run_scoped3A = tpu.sem_alloc : memref<!tpu.dma_semaphore, #tpu.memory_space<semaphore_mem>>
        %dma_start3A = arith.constant 0 : i32
        %dma_start3A_817 = tpu.memref_slice %arg4[%dma_start3A] : memref<20480xf32, #tpu.memory_space<hbm>> -> memref<10240xf32, #tpu.memory_space<hbm>>
        %dma_start3A_818 = arith.constant 0 : i32
        %dma_start3A_819 = tpu.memref_slice %arg4[%dma_start3A_818] : memref<20480xf32, #tpu.memory_space<hbm>> -> memref<10240xf32, #tpu.memory_space<hbm>>
        tpu.enqueue_dma source(%dma_start3A_819 : memref<10240xf32, #tpu.memory_space<hbm>>) target(%arg14 : memref<10240xf32, #tpu.memory_space<vmem>>) target_semaphore(%run_scoped3A : memref<!tpu.dma_semaphore, #tpu.memory_space<semaphore_mem>>)
        %dma_wait3A = arith.constant 0 : i32
        %dma_wait3A_820 = tpu.memref_slice %arg4[%dma_wait3A] : memref<20480xf32, #tpu.memory_space<hbm>> -> memref<10240xf32, #tpu.memory_space<hbm>>
        %dma_wait3A_821 = arith.constant 0 : i32
        %dma_wait3A_822 = tpu.memref_slice %arg4[%dma_wait3A_821] : memref<20480xf32, #tpu.memory_space<hbm>> -> memref<10240xf32, #tpu.memory_space<hbm>>
        tpu.wait_dma2 semaphore(%run_scoped3A : memref<!tpu.dma_semaphore, #tpu.memory_space<semaphore_mem>>) src(%dma_wait3A_822 : memref<10240xf32, #tpu.memory_space<hbm>>) dst(%arg14 : memref<10240xf32, #tpu.memory_space<vmem>>)
        tpu.yield
      }) : () -> ()
      "tpu.region"() ({
        %run_scoped3A = tpu.sem_alloc : memref<!tpu.dma_semaphore, #tpu.memory_space<semaphore_mem>>
        %dma_start3A = arith.constant 0 : i32
        %dma_start3A_817 = tpu.memref_slice %arg5[%dma_start3A] : memref<20480xf32, #tpu.memory_space<hbm>> -> memref<10240xf32, #tpu.memory_space<hbm>>
        %dma_start3A_818 = arith.constant 0 : i32
        %dma_start3A_819 = tpu.memref_slice %arg5[%dma_start3A_818] : memref<20480xf32, #tpu.memory_space<hbm>> -> memref<10240xf32, #tpu.memory_space<hbm>>
        tpu.enqueue_dma source(%dma_start3A_819 : memref<10240xf32, #tpu.memory_space<hbm>>) target(%arg15 : memref<10240xf32, #tpu.memory_space<vmem>>) target_semaphore(%run_scoped3A : memref<!tpu.dma_semaphore, #tpu.memory_space<semaphore_mem>>)
        %dma_wait3A = arith.constant 0 : i32
        %dma_wait3A_820 = tpu.memref_slice %arg5[%dma_wait3A] : memref<20480xf32, #tpu.memory_space<hbm>> -> memref<10240xf32, #tpu.memory_space<hbm>>
        %dma_wait3A_821 = arith.constant 0 : i32
        %dma_wait3A_822 = tpu.memref_slice %arg5[%dma_wait3A_821] : memref<20480xf32, #tpu.memory_space<hbm>> -> memref<10240xf32, #tpu.memory_space<hbm>>
        tpu.wait_dma2 semaphore(%run_scoped3A : memref<!tpu.dma_semaphore, #tpu.memory_space<semaphore_mem>>) src(%dma_wait3A_822 : memref<10240xf32, #tpu.memory_space<hbm>>) dst(%arg15 : memref<10240xf32, #tpu.memory_space<vmem>>)
        tpu.yield
      }) : () -> ()
      "tpu.region"() ({
        %run_scoped3A = tpu.sem_alloc : memref<!tpu.dma_semaphore, #tpu.memory_space<semaphore_mem>>
        %dma_start3A = arith.constant 0 : i32
        %dma_start3A_817 = tpu.memref_slice %arg6[%dma_start3A] : memref<20480xf32, #tpu.memory_space<hbm>> -> memref<10240xf32, #tpu.memory_space<hbm>>
        %dma_start3A_818 = arith.constant 0 : i32
        %dma_start3A_819 = tpu.memref_slice %arg6[%dma_start3A_818] : memref<20480xf32, #tpu.memory_space<hbm>> -> memref<10240xf32, #tpu.memory_space<hbm>>
        tpu.enqueue_dma source(%dma_start3A_819 : memref<10240xf32, #tpu.memory_space<hbm>>) target(%arg16 : memref<10240xf32, #tpu.memory_space<vmem>>) target_semaphore(%run_scoped3A : memref<!tpu.dma_semaphore, #tpu.memory_space<semaphore_mem>>)
        %dma_wait3A = arith.constant 0 : i32
        %dma_wait3A_820 = tpu.memref_slice %arg6[%dma_wait3A] : memref<20480xf32, #tpu.memory_space<hbm>> -> memref<10240xf32, #tpu.memory_space<hbm>>
        %dma_wait3A_821 = arith.constant 0 : i32
        %dma_wait3A_822 = tpu.memref_slice %arg6[%dma_wait3A_821] : memref<20480xf32, #tpu.memory_space<hbm>> -> memref<10240xf32, #tpu.memory_space<hbm>>
        tpu.wait_dma2 semaphore(%run_scoped3A : memref<!tpu.dma_semaphore, #tpu.memory_space<semaphore_mem>>) src(%dma_wait3A_822 : memref<10240xf32, #tpu.memory_space<hbm>>) dst(%arg16 : memref<10240xf32, #tpu.memory_space<vmem>>)
        tpu.yield
      }) : () -> ()
      %scan3A = arith.constant 0 : i32
      %scan3A_806 = arith.constant 640 : i32
      %scan3A_807 = arith.addi %scan3A, %scan3A_806 : i32
      %scan3A_808 = arith.constant 1 : i32
      %scan3A_809 = scf.for %scan3A_817 = %scan3A to %scan3A_807 step %scan3A_808 iter_args(%scan3A_818 = %broadcast_in_dim3A_805) -> (vector<16xi32>)  : i32 {
        %mul3A = arith.constant 16 : i32
        %mul3A_819 = arith.muli %scan3A_817, %mul3A : i32
        %get3A = arith.index_cast %mul3A_819 : i32 to index
        %get3A_820 = tpu.vector_load %arg12[%get3A] {strides = array<i32>} : memref<10240xf32, #tpu.memory_space<vmem>>, vector<16xf32>,
        %gt3A = arith.constant 0.000000e+00 : f32
        %gt3A_821 = vector.broadcast %gt3A : f32 to vector<16xf32>
        %gt3A_822 = arith.cmpf ogt, %get3A_820, %gt3A_821 : vector<16xf32>
        %jit3A = arith.constant 1.000000e+00 : f32
        %jit3A_823 = arith.constant 0.000000e+00 : f32
        %broadcast_in_dim3A_824 = vector.broadcast %jit3A : f32 to vector<16xf32>
        %broadcast_in_dim3A_825 = vector.broadcast %jit3A_823 : f32 to vector<16xf32>
        %select_n3A = arith.select %gt3A_822, %broadcast_in_dim3A_824, %broadcast_in_dim3A_825 : vector<16xi1>, vector<16xf32>
        %broadcast_in_dim3A_826 = arith.constant true
        %broadcast_in_dim3A_827 = vector.broadcast %broadcast_in_dim3A_826 : i1 to vector<16xi1>
        %masked_cumsum3A = tpu.scan <sum>, %select_n3A masked %broadcast_in_dim3A_827 : vector<16xf32>, vector<16xi1> -> vector<16xf32>
        %sub3A = arith.subf %masked_cumsum3A, %select_n3A : vector<16xf32>
        %convert_element_type3A_828 = arith.fptosi %sub3A : vector<16xf32> to vector<16xi32>
        %add3A = arith.addi %scan3A_818, %convert_element_type3A_828 : vector<16xi32>
        tpu.vector_store_idx %arg17[%add3A], %get3A_820 masked %gt3A_822 : memref<6400xf32, #tpu.memory_space<vmem>>[vector<16xi32>], vector<16xf32>, vector<16xi1>
        %mul3A_829 = arith.constant 16 : i32
        %mul3A_830 = arith.muli %scan3A_817, %mul3A_829 : i32
        %get3A_831 = arith.index_cast %mul3A_830 : i32 to index
        %get3A_832 = tpu.vector_load %arg13[%get3A_831] {strides = array<i32>} : memref<10240xf32, #tpu.memory_space<vmem>>, vector<16xf32>,
        tpu.vector_store_idx %arg18[%add3A], %get3A_832 masked %gt3A_822 : memref<6400xf32, #tpu.memory_space<vmem>>[vector<16xi32>], vector<16xf32>, vector<16xi1>
        %mul3A_833 = arith.constant 16 : i32
        %mul3A_834 = arith.muli %scan3A_817, %mul3A_833 : i32
        %get3A_835 = arith.index_cast %mul3A_834 : i32 to index
        %get3A_836 = tpu.vector_load %arg14[%get3A_835] {strides = array<i32>} : memref<10240xf32, #tpu.memory_space<vmem>>, vector<16xf32>,
        tpu.vector_store_idx %arg19[%add3A], %get3A_836 masked %gt3A_822 : memref<6400xf32, #tpu.memory_space<vmem>>[vector<16xi32>], vector<16xf32>, vector<16xi1>
        %mul3A_837 = arith.constant 16 : i32
        %mul3A_838 = arith.muli %scan3A_817, %mul3A_837 : i32
        %get3A_839 = arith.index_cast %mul3A_838 : i32 to index
        %get3A_840 = tpu.vector_load %arg15[%get3A_839] {strides = array<i32>} : memref<10240xf32, #tpu.memory_space<vmem>>, vector<16xf32>,
        tpu.vector_store_idx %arg20[%add3A], %get3A_840 masked %gt3A_822 : memref<6400xf32, #tpu.memory_space<vmem>>[vector<16xi32>], vector<16xf32>, vector<16xi1>
        %mul3A_841 = arith.constant 16 : i32
        %mul3A_842 = arith.muli %scan3A_817, %mul3A_841 : i32
        %get3A_843 = arith.index_cast %mul3A_842 : i32 to index
        %get3A_844 = tpu.vector_load %arg16[%get3A_843] {strides = array<i32>} : memref<10240xf32, #tpu.memory_space<vmem>>, vector<16xf32>,
        tpu.vector_store_idx %arg21[%add3A], %get3A_844 masked %gt3A_822 : memref<6400xf32, #tpu.memory_space<vmem>>[vector<16xi32>], vector<16xf32>, vector<16xi1>
        %all_reduce_population_count3A = tpu.all_reduce %gt3A_822 {dim = 0 : i64, kind = #tpu.reduction_kind<sum>} : vector<16xi1> -> vector<16xi32>
        %add3A_845 = arith.addi %scan3A_818, %all_reduce_population_count3A : vector<16xi32>
        scf.yield %add3A_845 : vector<16xi32>
      }
      %scan3A_810 = arith.constant 640 : i32
      "tpu.region"() ({
        %run_scoped3A = tpu.sem_alloc : memref<!tpu.dma_semaphore, #tpu.memory_space<semaphore_mem>>
        %dma_start3A = arith.constant 10240 : i32
        %dma_start3A_817 = tpu.memref_slice %arg2[%dma_start3A] : memref<20480xf32, #tpu.memory_space<hbm>> -> memref<10240xf32, #tpu.memory_space<hbm>>
        %dma_start3A_818 = arith.constant 10240 : i32
        %dma_start3A_819 = tpu.memref_slice %arg2[%dma_start3A_818] : memref<20480xf32, #tpu.memory_space<hbm>> -> memref<10240xf32, #tpu.memory_space<hbm>>
        tpu.enqueue_dma source(%dma_start3A_819 : memref<10240xf32, #tpu.memory_space<hbm>>) target(%arg12 : memref<10240xf32, #tpu.memory_space<vmem>>) target_semaphore(%run_scoped3A : memref<!tpu.dma_semaphore, #tpu.memory_space<semaphore_mem>>)
        %dma_wait3A = arith.constant 10240 : i32
        %dma_wait3A_820 = tpu.memref_slice %arg2[%dma_wait3A] : memref<20480xf32, #tpu.memory_space<hbm>> -> memref<10240xf32, #tpu.memory_space<hbm>>
        %dma_wait3A_821 = arith.constant 10240 : i32
        %dma_wait3A_822 = tpu.memref_slice %arg2[%dma_wait3A_821] : memref<20480xf32, #tpu.memory_space<hbm>> -> memref<10240xf32, #tpu.memory_space<hbm>>
        tpu.wait_dma2 semaphore(%run_scoped3A : memref<!tpu.dma_semaphore, #tpu.memory_space<semaphore_mem>>) src(%dma_wait3A_822 : memref<10240xf32, #tpu.memory_space<hbm>>) dst(%arg12 : memref<10240xf32, #tpu.memory_space<vmem>>)
        tpu.yield
      }) : () -> ()
      "tpu.region"() ({
        %run_scoped3A = tpu.sem_alloc : memref<!tpu.dma_semaphore, #tpu.memory_space<semaphore_mem>>
        %dma_start3A = arith.constant 10240 : i32
        %dma_start3A_817 = tpu.memref_slice %arg3[%dma_start3A] : memref<20480xf32, #tpu.memory_space<hbm>> -> memref<10240xf32, #tpu.memory_space<hbm>>
        %dma_start3A_818 = arith.constant 10240 : i32
        %dma_start3A_819 = tpu.memref_slice %arg3[%dma_start3A_818] : memref<20480xf32, #tpu.memory_space<hbm>> -> memref<10240xf32, #tpu.memory_space<hbm>>
        tpu.enqueue_dma source(%dma_start3A_819 : memref<10240xf32, #tpu.memory_space<hbm>>) target(%arg13 : memref<10240xf32, #tpu.memory_space<vmem>>) target_semaphore(%run_scoped3A : memref<!tpu.dma_semaphore, #tpu.memory_space<semaphore_mem>>)
        %dma_wait3A = arith.constant 10240 : i32
        %dma_wait3A_820 = tpu.memref_slice %arg3[%dma_wait3A] : memref<20480xf32, #tpu.memory_space<hbm>> -> memref<10240xf32, #tpu.memory_space<hbm>>
        %dma_wait3A_821 = arith.constant 10240 : i32
        %dma_wait3A_822 = tpu.memref_slice %arg3[%dma_wait3A_821] : memref<20480xf32, #tpu.memory_space<hbm>> -> memref<10240xf32, #tpu.memory_space<hbm>>
        tpu.wait_dma2 semaphore(%run_scoped3A : memref<!tpu.dma_semaphore, #tpu.memory_space<semaphore_mem>>) src(%dma_wait3A_822 : memref<10240xf32, #tpu.memory_space<hbm>>) dst(%arg13 : memref<10240xf32, #tpu.memory_space<vmem>>)
        tpu.yield
      }) : () -> ()
      "tpu.region"() ({
        %run_scoped3A = tpu.sem_alloc : memref<!tpu.dma_semaphore, #tpu.memory_space<semaphore_mem>>
        %dma_start3A = arith.constant 10240 : i32
        %dma_start3A_817 = tpu.memref_slice %arg4[%dma_start3A] : memref<20480xf32, #tpu.memory_space<hbm>> -> memref<10240xf32, #tpu.memory_space<hbm>>
        %dma_start3A_818 = arith.constant 10240 : i32
        %dma_start3A_819 = tpu.memref_slice %arg4[%dma_start3A_818] : memref<20480xf32, #tpu.memory_space<hbm>> -> memref<10240xf32, #tpu.memory_space<hbm>>
        tpu.enqueue_dma source(%dma_start3A_819 : memref<10240xf32, #tpu.memory_space<hbm>>) target(%arg14 : memref<10240xf32, #tpu.memory_space<vmem>>) target_semaphore(%run_scoped3A : memref<!tpu.dma_semaphore, #tpu.memory_space<semaphore_mem>>)
        %dma_wait3A = arith.constant 10240 : i32
        %dma_wait3A_820 = tpu.memref_slice %arg4[%dma_wait3A] : memref<20480xf32, #tpu.memory_space<hbm>> -> memref<10240xf32, #tpu.memory_space<hbm>>
        %dma_wait3A_821 = arith.constant 10240 : i32
        %dma_wait3A_822 = tpu.memref_slice %arg4[%dma_wait3A_821] : memref<20480xf32, #tpu.memory_space<hbm>> -> memref<10240xf32, #tpu.memory_space<hbm>>
        tpu.wait_dma2 semaphore(%run_scoped3A : memref<!tpu.dma_semaphore, #tpu.memory_space<semaphore_mem>>) src(%dma_wait3A_822 : memref<10240xf32, #tpu.memory_space<hbm>>) dst(%arg14 : memref<10240xf32, #tpu.memory_space<vmem>>)
        tpu.yield
      }) : () -> ()
      "tpu.region"() ({
        %run_scoped3A = tpu.sem_alloc : memref<!tpu.dma_semaphore, #tpu.memory_space<semaphore_mem>>
        %dma_start3A = arith.constant 10240 : i32
        %dma_start3A_817 = tpu.memref_slice %arg5[%dma_start3A] : memref<20480xf32, #tpu.memory_space<hbm>> -> memref<10240xf32, #tpu.memory_space<hbm>>
        %dma_start3A_818 = arith.constant 10240 : i32
        %dma_start3A_819 = tpu.memref_slice %arg5[%dma_start3A_818] : memref<20480xf32, #tpu.memory_space<hbm>> -> memref<10240xf32, #tpu.memory_space<hbm>>
        tpu.enqueue_dma source(%dma_start3A_819 : memref<10240xf32, #tpu.memory_space<hbm>>) target(%arg15 : memref<10240xf32, #tpu.memory_space<vmem>>) target_semaphore(%run_scoped3A : memref<!tpu.dma_semaphore, #tpu.memory_space<semaphore_mem>>)
        %dma_wait3A = arith.constant 10240 : i32
        %dma_wait3A_820 = tpu.memref_slice %arg5[%dma_wait3A] : memref<20480xf32, #tpu.memory_space<hbm>> -> memref<10240xf32, #tpu.memory_space<hbm>>
        %dma_wait3A_821 = arith.constant 10240 : i32
        %dma_wait3A_822 = tpu.memref_slice %arg5[%dma_wait3A_821] : memref<20480xf32, #tpu.memory_space<hbm>> -> memref<10240xf32, #tpu.memory_space<hbm>>
        tpu.wait_dma2 semaphore(%run_scoped3A : memref<!tpu.dma_semaphore, #tpu.memory_space<semaphore_mem>>) src(%dma_wait3A_822 : memref<10240xf32, #tpu.memory_space<hbm>>) dst(%arg15 : memref<10240xf32, #tpu.memory_space<vmem>>)
        tpu.yield
      }) : () -> ()
      "tpu.region"() ({
        %run_scoped3A = tpu.sem_alloc : memref<!tpu.dma_semaphore, #tpu.memory_space<semaphore_mem>>
        %dma_start3A = arith.constant 10240 : i32
        %dma_start3A_817 = tpu.memref_slice %arg6[%dma_start3A] : memref<20480xf32, #tpu.memory_space<hbm>> -> memref<10240xf32, #tpu.memory_space<hbm>>
        %dma_start3A_818 = arith.constant 10240 : i32
        %dma_start3A_819 = tpu.memref_slice %arg6[%dma_start3A_818] : memref<20480xf32, #tpu.memory_space<hbm>> -> memref<10240xf32, #tpu.memory_space<hbm>>
        tpu.enqueue_dma source(%dma_start3A_819 : memref<10240xf32, #tpu.memory_space<hbm>>) target(%arg16 : memref<10240xf32, #tpu.memory_space<vmem>>) target_semaphore(%run_scoped3A : memref<!tpu.dma_semaphore, #tpu.memory_space<semaphore_mem>>)
        %dma_wait3A = arith.constant 10240 : i32
        %dma_wait3A_820 = tpu.memref_slice %arg6[%dma_wait3A] : memref<20480xf32, #tpu.memory_space<hbm>> -> memref<10240xf32, #tpu.memory_space<hbm>>
        %dma_wait3A_821 = arith.constant 10240 : i32
        %dma_wait3A_822 = tpu.memref_slice %arg6[%dma_wait3A_821] : memref<20480xf32, #tpu.memory_space<hbm>> -> memref<10240xf32, #tpu.memory_space<hbm>>
        tpu.wait_dma2 semaphore(%run_scoped3A : memref<!tpu.dma_semaphore, #tpu.memory_space<semaphore_mem>>) src(%dma_wait3A_822 : memref<10240xf32, #tpu.memory_space<hbm>>) dst(%arg16 : memref<10240xf32, #tpu.memory_space<vmem>>)
        tpu.yield
      }) : () -> ()
      %scan3A_811 = arith.constant 0 : i32
      %scan3A_812 = arith.constant 640 : i32
      %scan3A_813 = arith.addi %scan3A_811, %scan3A_812 : i32
      %scan3A_814 = arith.constant 1 : i32
      %scan3A_815 = scf.for %scan3A_817 = %scan3A_811 to %scan3A_813 step %scan3A_814 iter_args(%scan3A_818 = %scan3A_809) -> (vector<16xi32>)  : i32 {
        %mul3A = arith.constant 16 : i32
        %mul3A_819 = arith.muli %scan3A_817, %mul3A : i32
        %get3A = arith.index_cast %mul3A_819 : i32 to index
        %get3A_820 = tpu.vector_load %arg12[%get3A] {strides = array<i32>} : memref<10240xf32, #tpu.memory_space<vmem>>, vector<16xf32>,
        %gt3A = arith.constant 0.000000e+00 : f32
        %gt3A_821 = vector.broadcast %gt3A : f32 to vector<16xf32>
        %gt3A_822 = arith.cmpf ogt, %get3A_820, %gt3A_821 : vector<16xf32>
        %jit3A = arith.constant 1.000000e+00 : f32
        %jit3A_823 = arith.constant 0.000000e+00 : f32
        %broadcast_in_dim3A_824 = vector.broadcast %jit3A : f32 to vector<16xf32>
        %broadcast_in_dim3A_825 = vector.broadcast %jit3A_823 : f32 to vector<16xf32>
        %select_n3A = arith.select %gt3A_822, %broadcast_in_dim3A_824, %broadcast_in_dim3A_825 : vector<16xi1>, vector<16xf32>
        %broadcast_in_dim3A_826 = arith.constant true
        %broadcast_in_dim3A_827 = vector.broadcast %broadcast_in_dim3A_826 : i1 to vector<16xi1>
        %masked_cumsum3A = tpu.scan <sum>, %select_n3A masked %broadcast_in_dim3A_827 : vector<16xf32>, vector<16xi1> -> vector<16xf32>
        %sub3A = arith.subf %masked_cumsum3A, %select_n3A : vector<16xf32>
        %convert_element_type3A_828 = arith.fptosi %sub3A : vector<16xf32> to vector<16xi32>
        %add3A = arith.addi %scan3A_818, %convert_element_type3A_828 : vector<16xi32>
        tpu.vector_store_idx %arg17[%add3A], %get3A_820 masked %gt3A_822 : memref<6400xf32, #tpu.memory_space<vmem>>[vector<16xi32>], vector<16xf32>, vector<16xi1>
        %mul3A_829 = arith.constant 16 : i32
        %mul3A_830 = arith.muli %scan3A_817, %mul3A_829 : i32
        %get3A_831 = arith.index_cast %mul3A_830 : i32 to index
        %get3A_832 = tpu.vector_load %arg13[%get3A_831] {strides = array<i32>} : memref<10240xf32, #tpu.memory_space<vmem>>, vector<16xf32>,
        tpu.vector_store_idx %arg18[%add3A], %get3A_832 masked %gt3A_822 : memref<6400xf32, #tpu.memory_space<vmem>>[vector<16xi32>], vector<16xf32>, vector<16xi1>
        %mul3A_833 = arith.constant 16 : i32
        %mul3A_834 = arith.muli %scan3A_817, %mul3A_833 : i32
        %get3A_835 = arith.index_cast %mul3A_834 : i32 to index
        %get3A_836 = tpu.vector_load %arg14[%get3A_835] {strides = array<i32>} : memref<10240xf32, #tpu.memory_space<vmem>>, vector<16xf32>,
        tpu.vector_store_idx %arg19[%add3A], %get3A_836 masked %gt3A_822 : memref<6400xf32, #tpu.memory_space<vmem>>[vector<16xi32>], vector<16xf32>, vector<16xi1>
        %mul3A_837 = arith.constant 16 : i32
        %mul3A_838 = arith.muli %scan3A_817, %mul3A_837 : i32
        %get3A_839 = arith.index_cast %mul3A_838 : i32 to index
        %get3A_840 = tpu.vector_load %arg15[%get3A_839] {strides = array<i32>} : memref<10240xf32, #tpu.memory_space<vmem>>, vector<16xf32>,
        tpu.vector_store_idx %arg20[%add3A], %get3A_840 masked %gt3A_822 : memref<6400xf32, #tpu.memory_space<vmem>>[vector<16xi32>], vector<16xf32>, vector<16xi1>
        %mul3A_841 = arith.constant 16 : i32
        %mul3A_842 = arith.muli %scan3A_817, %mul3A_841 : i32
        %get3A_843 = arith.index_cast %mul3A_842 : i32 to index
        %get3A_844 = tpu.vector_load %arg16[%get3A_843] {strides = array<i32>} : memref<10240xf32, #tpu.memory_space<vmem>>, vector<16xf32>,
        tpu.vector_store_idx %arg21[%add3A], %get3A_844 masked %gt3A_822 : memref<6400xf32, #tpu.memory_space<vmem>>[vector<16xi32>], vector<16xf32>, vector<16xi1>
        %all_reduce_population_count3A = tpu.all_reduce %gt3A_822 {dim = 0 : i64, kind = #tpu.reduction_kind<sum>} : vector<16xi1> -> vector<16xi32>
        %add3A_845 = arith.addi %scan3A_818, %all_reduce_population_count3A : vector<16xi32>
        scf.yield %add3A_845 : vector<16xi32>
      }
      %scan3A_816 = arith.constant 640 : i32
      "tpu.region"() ({
        %run_scoped3A = tpu.sem_alloc : memref<!tpu.dma_semaphore, #tpu.memory_space<semaphore_mem>>
        tpu.enqueue_dma source(%arg17 : memref<6400xf32, #tpu.memory_space<vmem>>) target(%arg7 : memref<6400xf32, #tpu.memory_space<hbm>>) target_semaphore(%run_scoped3A : memref<!tpu.dma_semaphore, #tpu.memory_space<semaphore_mem>>)
        tpu.wait_dma2 semaphore(%run_scoped3A : memref<!tpu.dma_semaphore, #tpu.memory_space<semaphore_mem>>) src(%arg17 : memref<6400xf32, #tpu.memory_space<vmem>>) dst(%arg7 : memref<6400xf32, #tpu.memory_space<hbm>>)
        tpu.yield
      }) : () -> ()
      "tpu.region"() ({
        %run_scoped3A = tpu.sem_alloc : memref<!tpu.dma_semaphore, #tpu.memory_space<semaphore_mem>>
        tpu.enqueue_dma source(%arg18 : memref<6400xf32, #tpu.memory_space<vmem>>) target(%arg8 : memref<6400xf32, #tpu.memory_space<hbm>>) target_semaphore(%run_scoped3A : memref<!tpu.dma_semaphore, #tpu.memory_space<semaphore_mem>>)
        tpu.wait_dma2 semaphore(%run_scoped3A : memref<!tpu.dma_semaphore, #tpu.memory_space<semaphore_mem>>) src(%arg18 : memref<6400xf32, #tpu.memory_space<vmem>>) dst(%arg8 : memref<6400xf32, #tpu.memory_space<hbm>>)
        tpu.yield
      }) : () -> ()
      "tpu.region"() ({
        %run_scoped3A = tpu.sem_alloc : memref<!tpu.dma_semaphore, #tpu.memory_space<semaphore_mem>>
        tpu.enqueue_dma source(%arg19 : memref<6400xf32, #tpu.memory_space<vmem>>) target(%arg9 : memref<6400xf32, #tpu.memory_space<hbm>>) target_semaphore(%run_scoped3A : memref<!tpu.dma_semaphore, #tpu.memory_space<semaphore_mem>>)
        tpu.wait_dma2 semaphore(%run_scoped3A : memref<!tpu.dma_semaphore, #tpu.memory_space<semaphore_mem>>) src(%arg19 : memref<6400xf32, #tpu.memory_space<vmem>>) dst(%arg9 : memref<6400xf32, #tpu.memory_space<hbm>>)
        tpu.yield
      }) : () -> ()
      "tpu.region"() ({
        %run_scoped3A = tpu.sem_alloc : memref<!tpu.dma_semaphore, #tpu.memory_space<semaphore_mem>>
        tpu.enqueue_dma source(%arg20 : memref<6400xf32, #tpu.memory_space<vmem>>) target(%arg10 : memref<6400xf32, #tpu.memory_space<hbm>>) target_semaphore(%run_scoped3A : memref<!tpu.dma_semaphore, #tpu.memory_space<semaphore_mem>>)
        tpu.wait_dma2 semaphore(%run_scoped3A : memref<!tpu.dma_semaphore, #tpu.memory_space<semaphore_mem>>) src(%arg20 : memref<6400xf32, #tpu.memory_space<vmem>>) dst(%arg10 : memref<6400xf32, #tpu.memory_space<hbm>>)
        tpu.yield
      }) : () -> ()
      "tpu.region"() ({
        %run_scoped3A = tpu.sem_alloc : memref<!tpu.dma_semaphore, #tpu.memory_space<semaphore_mem>>
        tpu.enqueue_dma source(%arg21 : memref<6400xf32, #tpu.memory_space<vmem>>) target(%arg11 : memref<6400xf32, #tpu.memory_space<hbm>>) target_semaphore(%run_scoped3A : memref<!tpu.dma_semaphore, #tpu.memory_space<semaphore_mem>>)
        tpu.wait_dma2 semaphore(%run_scoped3A : memref<!tpu.dma_semaphore, #tpu.memory_space<semaphore_mem>>) src(%arg21 : memref<6400xf32, #tpu.memory_space<vmem>>) dst(%arg11 : memref<6400xf32, #tpu.memory_space<hbm>>)
        tpu.yield
      }) : () -> ()
    } else {
    }
    return
  }
}

module attributes {stable_mosaic.version = 14 : i64} {
  func.func @_select_body(%arg0: memref<160x128xf32, #tpu.memory_space<vmem>>, %arg1: memref<160x128xf32, #tpu.memory_space<vmem>>) attributes {dimension_semantics = [], scalar_prefetch = 0 : i64, scratch_operands = 0 : i64, tpu.core_type = #tpu.core_type<tc>} {
    %get3A = arith.constant 0 : index
    %get3A_0 = arith.constant 0 : index
    %get3A_1 = vector.load %arg0[%get3A, %get3A_0] : memref<160x128xf32, #tpu.memory_space<vmem>>, vector<160x128xf32>
    %gt3A = arith.constant 0.000000e+00 : f32
    %gt3A_2 = vector.broadcast %gt3A : f32 to vector<160x128xf32>
    %gt3A_3 = arith.cmpf ogt, %get3A_1, %gt3A_2 : vector<160x128xf32>
    %jit3A = arith.constant 0xFF800000 : f32
    %broadcast_in_dim3A = vector.broadcast %jit3A : f32 to vector<160x128xf32>
    %select_n3A = arith.select %gt3A_3, %get3A_1, %broadcast_in_dim3A : vector<160x128xi1>, vector<160x128xf32>
    %bitcast_convert_type3A = tpu.bitcast %select_n3A : vector<160x128xf32> -> vector<160x128xi32>
    %iota3A = tpu.iota {dimensions = array<i32: 0>} : vector<160x128xi32>
    %iota3A_4 = tpu.iota {dimensions = array<i32: 1>} : vector<160x128xi32>
    %mul3A = arith.constant 128 : i32
    %mul3A_5 = vector.broadcast %mul3A : i32 to vector<160x128xi32>
    %mul3A_6 = arith.muli %iota3A, %mul3A_5 : vector<160x128xi32>
    %add3A = arith.addi %mul3A_6, %iota3A_4 : vector<160x128xi32>
    %scan3A = arith.constant 0 : i32
    %scan3A_7 = arith.constant 2139095040 : i32
    %scan3A_8 = arith.constant 0 : i32
    %scan3A_9 = arith.constant 31 : i32
    %scan3A_10 = arith.addi %scan3A_8, %scan3A_9 : i32
    %scan3A_11 = arith.constant 1 : i32
    %scan3A_12:2 = scf.for %scan3A_41 = %scan3A_8 to %scan3A_10 step %scan3A_11 iter_args(%scan3A_42 = %scan3A, %scan3A_43 = %scan3A_7) -> (i32, i32)  : i32 {
      %sub3A_44 = arith.subi %scan3A_43, %scan3A_42 : i32
      %jit3A_45 = arith.constant 2 : i32
      %div3A = arith.divsi %sub3A_44, %jit3A_45 : i32
      %sign3A = arith.constant 0 : i32
      %sign3A_46 = arith.cmpi sgt, %sub3A_44, %sign3A : i32
      %sign3A_47 = arith.extui %sign3A_46 : i1 to i32
      %sign3A_48 = arith.constant 0 : i32
      %sign3A_49 = arith.cmpi slt, %sub3A_44, %sign3A_48 : i32
      %sign3A_50 = arith.extui %sign3A_49 : i1 to i32
      %sign3A_51 = arith.subi %sign3A_47, %sign3A_50 : i32
      %sign3A_52 = arith.constant 0 : i32
      %sign3A_53 = arith.cmpi sgt, %jit3A_45, %sign3A_52 : i32
      %sign3A_54 = arith.extui %sign3A_53 : i1 to i32
      %sign3A_55 = arith.constant 0 : i32
      %sign3A_56 = arith.cmpi slt, %jit3A_45, %sign3A_55 : i32
      %sign3A_57 = arith.extui %sign3A_56 : i1 to i32
      %sign3A_58 = arith.subi %sign3A_54, %sign3A_57 : i32
      %ne3A = arith.cmpi ne, %sign3A_51, %sign3A_58 : i32
      %rem3A = arith.remsi %sub3A_44, %jit3A_45 : i32
      %ne3A_59 = arith.constant 0 : i32
      %ne3A_60 = arith.cmpi ne, %rem3A, %ne3A_59 : i32
      %and3A_61 = arith.andi %ne3A, %ne3A_60 : i1
      %sub3A_62 = arith.constant 1 : i32
      %sub3A_63 = arith.subi %div3A, %sub3A_62 : i32
      %select_n3A_64 = arith.select %and3A_61, %sub3A_63, %div3A : i32
      %add3A_65 = arith.addi %scan3A_42, %select_n3A_64 : i32
      %ge3A = vector.broadcast %add3A_65 : i32 to vector<160x128xi32>
      %ge3A_66 = arith.cmpi sge, %bitcast_convert_type3A, %ge3A : vector<160x128xi32>
      %jit3A_67 = arith.constant 1.000000e+00 : f32
      %jit3A_68 = arith.constant 0.000000e+00 : f32
      %broadcast_in_dim3A_69 = vector.broadcast %jit3A_67 : f32 to vector<160x128xf32>
      %broadcast_in_dim3A_70 = vector.broadcast %jit3A_68 : f32 to vector<160x128xf32>
      %select_n3A_71 = arith.select %ge3A_66, %broadcast_in_dim3A_69, %broadcast_in_dim3A_70 : vector<160x128xi1>, vector<160x128xf32>
      %reduce_sum3A_72 = vector.shape_cast %select_n3A_71 : vector<160x128xf32> to vector<1x160x128xf32>
      %reduce_sum3A_73 = arith.constant dense<0.000000e+00> : vector<1xf32>
      %reduce_sum3A_74 = vector.multi_reduction <add>, %reduce_sum3A_72, %reduce_sum3A_73 [1, 2] : vector<1x160x128xf32> to vector<1xf32>
      %reduce_sum3A_75 = vector.shape_cast %reduce_sum3A_74 : vector<1xf32> to vector<1x1x1xf32>
      %reduce_sum3A_76 = vector.extract %reduce_sum3A_75[0, 0, 0] : f32 from vector<1x1x1xf32>
      %ge3A_77 = arith.constant 6.000000e+03 : f32
      %ge3A_78 = arith.cmpf oge, %reduce_sum3A_76, %ge3A_77 : f32
      %select_n3A_79 = arith.select %ge3A_78, %add3A_65, %scan3A_42 : i32
      %select_n3A_80 = arith.select %ge3A_78, %scan3A_43, %add3A_65 : i32
      scf.yield %select_n3A_79, %select_n3A_80 : i32, i32
    }
    %gt3A_13 = vector.broadcast %scan3A_12#0 : i32 to vector<160x128xi32>
    %gt3A_14 = arith.cmpi sgt, %bitcast_convert_type3A, %gt3A_13 : vector<160x128xi32>
    %jit3A_15 = arith.constant 1.000000e+00 : f32
    %jit3A_16 = arith.constant 0.000000e+00 : f32
    %broadcast_in_dim3A_17 = vector.broadcast %jit3A_15 : f32 to vector<160x128xf32>
    %broadcast_in_dim3A_18 = vector.broadcast %jit3A_16 : f32 to vector<160x128xf32>
    %select_n3A_19 = arith.select %gt3A_14, %broadcast_in_dim3A_17, %broadcast_in_dim3A_18 : vector<160x128xi1>, vector<160x128xf32>
    %reduce_sum3A = vector.shape_cast %select_n3A_19 : vector<160x128xf32> to vector<1x160x128xf32>
    %reduce_sum3A_20 = arith.constant dense<0.000000e+00> : vector<1xf32>
    %reduce_sum3A_21 = vector.multi_reduction <add>, %reduce_sum3A, %reduce_sum3A_20 [1, 2] : vector<1x160x128xf32> to vector<1xf32>
    %reduce_sum3A_22 = vector.shape_cast %reduce_sum3A_21 : vector<1xf32> to vector<1x1x1xf32>
    %reduce_sum3A_23 = vector.extract %reduce_sum3A_22[0, 0, 0] : f32 from vector<1x1x1xf32>
    %sub3A = arith.constant 6.000000e+03 : f32
    %sub3A_24 = arith.subf %sub3A, %reduce_sum3A_23 : f32
    %eq3A = vector.broadcast %scan3A_12#0 : i32 to vector<160x128xi32>
    %eq3A_25 = arith.cmpi eq, %bitcast_convert_type3A, %eq3A : vector<160x128xi32>
    %scan3A_26 = arith.constant -1 : i32
    %scan3A_27 = arith.constant 20479 : i32
    %scan3A_28 = arith.constant 0 : i32
    %scan3A_29 = arith.constant 15 : i32
    %scan3A_30 = arith.addi %scan3A_28, %scan3A_29 : i32
    %scan3A_31 = arith.constant 1 : i32
    %scan3A_32:2 = scf.for %scan3A_41 = %scan3A_28 to %scan3A_30 step %scan3A_31 iter_args(%scan3A_42 = %scan3A_26, %scan3A_43 = %scan3A_27) -> (i32, i32)  : i32 {
      %sub3A_44 = arith.subi %scan3A_43, %scan3A_42 : i32
      %jit3A_45 = arith.constant 2 : i32
      %div3A = arith.divsi %sub3A_44, %jit3A_45 : i32
      %sign3A = arith.constant 0 : i32
      %sign3A_46 = arith.cmpi sgt, %sub3A_44, %sign3A : i32
      %sign3A_47 = arith.extui %sign3A_46 : i1 to i32
      %sign3A_48 = arith.constant 0 : i32
      %sign3A_49 = arith.cmpi slt, %sub3A_44, %sign3A_48 : i32
      %sign3A_50 = arith.extui %sign3A_49 : i1 to i32
      %sign3A_51 = arith.subi %sign3A_47, %sign3A_50 : i32
      %sign3A_52 = arith.constant 0 : i32
      %sign3A_53 = arith.cmpi sgt, %jit3A_45, %sign3A_52 : i32
      %sign3A_54 = arith.extui %sign3A_53 : i1 to i32
      %sign3A_55 = arith.constant 0 : i32
      %sign3A_56 = arith.cmpi slt, %jit3A_45, %sign3A_55 : i32
      %sign3A_57 = arith.extui %sign3A_56 : i1 to i32
      %sign3A_58 = arith.subi %sign3A_54, %sign3A_57 : i32
      %ne3A = arith.cmpi ne, %sign3A_51, %sign3A_58 : i32
      %rem3A = arith.remsi %sub3A_44, %jit3A_45 : i32
      %ne3A_59 = arith.constant 0 : i32
      %ne3A_60 = arith.cmpi ne, %rem3A, %ne3A_59 : i32
      %and3A_61 = arith.andi %ne3A, %ne3A_60 : i1
      %sub3A_62 = arith.constant 1 : i32
      %sub3A_63 = arith.subi %div3A, %sub3A_62 : i32
      %select_n3A_64 = arith.select %and3A_61, %sub3A_63, %div3A : i32
      %add3A_65 = arith.addi %scan3A_42, %select_n3A_64 : i32
      %le3A_66 = vector.broadcast %add3A_65 : i32 to vector<160x128xi32>
      %le3A_67 = arith.cmpi sle, %add3A, %le3A_66 : vector<160x128xi32>
      %and3A_68 = arith.andi %eq3A_25, %le3A_67 : vector<160x128xi1>
      %jit3A_69 = arith.constant 1.000000e+00 : f32
      %jit3A_70 = arith.constant 0.000000e+00 : f32
      %broadcast_in_dim3A_71 = vector.broadcast %jit3A_69 : f32 to vector<160x128xf32>
      %broadcast_in_dim3A_72 = vector.broadcast %jit3A_70 : f32 to vector<160x128xf32>
      %select_n3A_73 = arith.select %and3A_68, %broadcast_in_dim3A_71, %broadcast_in_dim3A_72 : vector<160x128xi1>, vector<160x128xf32>
      %reduce_sum3A_74 = vector.shape_cast %select_n3A_73 : vector<160x128xf32> to vector<1x160x128xf32>
      %reduce_sum3A_75 = arith.constant dense<0.000000e+00> : vector<1xf32>
      %reduce_sum3A_76 = vector.multi_reduction <add>, %reduce_sum3A_74, %reduce_sum3A_75 [1, 2] : vector<1x160x128xf32> to vector<1xf32>
      %reduce_sum3A_77 = vector.shape_cast %reduce_sum3A_76 : vector<1xf32> to vector<1x1x1xf32>
      %reduce_sum3A_78 = vector.extract %reduce_sum3A_77[0, 0, 0] : f32 from vector<1x1x1xf32>
      %ge3A = arith.cmpf oge, %reduce_sum3A_78, %sub3A_24 : f32
      %select_n3A_79 = arith.select %ge3A, %scan3A_42, %add3A_65 : i32
      %select_n3A_80 = arith.select %ge3A, %add3A_65, %scan3A_43 : i32
      scf.yield %select_n3A_79, %select_n3A_80 : i32, i32
    }
    %gt3A_33 = vector.broadcast %scan3A_12#0 : i32 to vector<160x128xi32>
    %gt3A_34 = arith.cmpi sgt, %bitcast_convert_type3A, %gt3A_33 : vector<160x128xi32>
    %le3A = vector.broadcast %scan3A_32#1 : i32 to vector<160x128xi32>
    %le3A_35 = arith.cmpi sle, %add3A, %le3A : vector<160x128xi32>
    %and3A = arith.andi %eq3A_25, %le3A_35 : vector<160x128xi1>
    %or3A = arith.ori %gt3A_34, %and3A : vector<160x128xi1>
    %jit3A_36 = arith.constant 0xFF800000 : f32
    %broadcast_in_dim3A_37 = vector.broadcast %jit3A_36 : f32 to vector<160x128xf32>
    %select_n3A_38 = arith.select %or3A, %select_n3A, %broadcast_in_dim3A_37 : vector<160x128xi1>, vector<160x128xf32>
    %swap3A = arith.constant 0 : index
    %swap3A_39 = arith.constant 0 : index
    %swap3A_40 = vector.load %arg1[%swap3A, %swap3A_39] : memref<160x128xf32, #tpu.memory_space<vmem>>, vector<160x128xf32>
    tpu.vector_store %arg1[%swap3A, %swap3A_39], %select_n3A_38 {strides = array<i32>} : memref<160x128xf32, #tpu.memory_space<vmem>>, vector<160x128xf32>,
    return
  }
}

module attributes {stable_mosaic.version = 14 : i64} {
  func.func @_nms_body(%arg0: memref<4x48x128xf32, #tpu.memory_space<vmem>>, %arg1: memref<48x128xf32, #tpu.memory_space<vmem>>, %arg2: memref<6144x128xf32, #tpu.memory_space<vmem>>, %arg3: memref<6144x128xf32, #tpu.memory_space<vmem>>, %arg4: memref<6144x128xf32, #tpu.memory_space<vmem>>, %arg5: memref<6144x128xf32, #tpu.memory_space<vmem>>, %arg6: memref<1024x8xf32, #tpu.memory_space<vmem>>, %arg7: memref<48x128xf32, #tpu.memory_space<vmem>>, %arg8: memref<48x128xf32, #tpu.memory_space<vmem>>, %arg9: memref<48x128xf32, #tpu.memory_space<vmem>>) attributes {dimension_semantics = [], scalar_prefetch = 0 : i64, scratch_operands = 3 : i64, tpu.core_type = #tpu.core_type<tc>} {
    %get3A = arith.constant 0 : index
    %get3A_0 = arith.constant 0 : index
    %get3A_1 = vector.load %arg1[%get3A, %get3A_0] : memref<48x128xf32, #tpu.memory_space<vmem>>, vector<48x128xf32>
    %swap3A = arith.constant 0 : index
    %swap3A_2 = arith.constant 0 : index
    %swap3A_3 = vector.load %arg7[%swap3A, %swap3A_2] : memref<48x128xf32, #tpu.memory_space<vmem>>, vector<48x128xf32>
    tpu.vector_store %arg7[%swap3A, %swap3A_2], %get3A_1 {strides = array<i32>} : memref<48x128xf32, #tpu.memory_space<vmem>>, vector<48x128xf32>,
    %iota3A = tpu.iota {dimensions = array<i32: 0>} : vector<48x128xi32>
    %iota3A_4 = tpu.iota {dimensions = array<i32: 1>} : vector<48x128xi32>
    %mul3A = arith.constant 128 : i32
    %mul3A_5 = vector.broadcast %mul3A : i32 to vector<48x128xi32>
    %mul3A_6 = arith.muli %iota3A, %mul3A_5 : vector<48x128xi32>
    %add3A = arith.addi %mul3A_6, %iota3A_4 : vector<48x128xi32>
    %convert_element_type3A = arith.sitofp %add3A : vector<48x128xi32> to vector<48x128xf32>
    %swap3A_7 = arith.constant 0 : index
    %swap3A_8 = arith.constant 0 : index
    %swap3A_9 = vector.load %arg9[%swap3A_7, %swap3A_8] : memref<48x128xf32, #tpu.memory_space<vmem>>, vector<48x128xf32>
    tpu.vector_store %arg9[%swap3A_7, %swap3A_8], %convert_element_type3A {strides = array<i32>} : memref<48x128xf32, #tpu.memory_space<vmem>>, vector<48x128xf32>,
    %get3A_10 = arith.constant 0 : index
    %get3A_11 = arith.constant 0 : index
    %get3A_12 = arith.constant 0 : index
    %get3A_13 = vector.load %arg0[%get3A_10, %get3A_11, %get3A_12] : memref<4x48x128xf32, #tpu.memory_space<vmem>>, vector<1x48x128xf32>
    %get3A_14 = vector.shape_cast %get3A_13 : vector<1x48x128xf32> to vector<48x128xf32>
    %get3A_15 = arith.constant 1 : index
    %get3A_16 = arith.constant 0 : index
    %get3A_17 = arith.constant 0 : index
    %get3A_18 = vector.load %arg0[%get3A_15, %get3A_16, %get3A_17] : memref<4x48x128xf32, #tpu.memory_space<vmem>>, vector<1x48x128xf32>
    %get3A_19 = vector.shape_cast %get3A_18 : vector<1x48x128xf32> to vector<48x128xf32>
    %get3A_20 = arith.constant 2 : index
    %get3A_21 = arith.constant 0 : index
    %get3A_22 = arith.constant 0 : index
    %get3A_23 = vector.load %arg0[%get3A_20, %get3A_21, %get3A_22] : memref<4x48x128xf32, #tpu.memory_space<vmem>>, vector<1x48x128xf32>
    %get3A_24 = vector.shape_cast %get3A_23 : vector<1x48x128xf32> to vector<48x128xf32>
    %get3A_25 = arith.constant 3 : index
    %get3A_26 = arith.constant 0 : index
    %get3A_27 = arith.constant 0 : index
    %get3A_28 = vector.load %arg0[%get3A_25, %get3A_26, %get3A_27] : memref<4x48x128xf32, #tpu.memory_space<vmem>>, vector<1x48x128xf32>
    %get3A_29 = vector.shape_cast %get3A_28 : vector<1x48x128xf32> to vector<48x128xf32>
    %sub3A = arith.subf %get3A_24, %get3A_14 : vector<48x128xf32>
    %sub3A_30 = arith.subf %get3A_29, %get3A_19 : vector<48x128xf32>
    %mul3A_31 = arith.mulf %sub3A, %sub3A_30 : vector<48x128xf32>
    %swap3A_32 = arith.constant 0 : index
    %swap3A_33 = arith.constant 0 : index
    %swap3A_34 = vector.load %arg8[%swap3A_32, %swap3A_33] : memref<48x128xf32, #tpu.memory_space<vmem>>, vector<48x128xf32>
    tpu.vector_store %arg8[%swap3A_32, %swap3A_33], %mul3A_31 {strides = array<i32>} : memref<48x128xf32, #tpu.memory_space<vmem>>, vector<48x128xf32>,
    %iota3A_35 = tpu.iota {dimensions = array<i32: 1>} : vector<1x8xi32>
    %scan3A = arith.constant 0 : i32
    %scan3A_36 = arith.constant 1000 : i32
    %scan3A_37 = arith.addi %scan3A, %scan3A_36 : i32
    %scan3A_38 = arith.constant 1 : i32
    scf.for %scan3A_40 = %scan3A to %scan3A_37 step %scan3A_38  : i32 {
      %get3A_41 = arith.constant 0 : index
      %get3A_42 = arith.constant 0 : index
      %get3A_43 = vector.load %arg7[%get3A_41, %get3A_42] : memref<48x128xf32, #tpu.memory_space<vmem>>, vector<48x128xf32>
      %get3A_44 = arith.constant 0 : index
      %get3A_45 = arith.constant 0 : index
      %get3A_46 = vector.load %arg9[%get3A_44, %get3A_45] : memref<48x128xf32, #tpu.memory_space<vmem>>, vector<48x128xf32>
      %slice3A = vector.extract_strided_slice %get3A_43 {offsets = [0, 0], sizes = [8, 128], strides = [1, 1]} : vector<48x128xf32> to vector<8x128xf32>
      %slice3A_47 = vector.extract_strided_slice %get3A_46 {offsets = [0, 0], sizes = [8, 128], strides = [1, 1]} : vector<48x128xf32> to vector<8x128xf32>
      %slice3A_48 = vector.extract_strided_slice %get3A_43 {offsets = [8, 0], sizes = [8, 128], strides = [1, 1]} : vector<48x128xf32> to vector<8x128xf32>
      %slice3A_49 = vector.extract_strided_slice %get3A_46 {offsets = [8, 0], sizes = [8, 128], strides = [1, 1]} : vector<48x128xf32> to vector<8x128xf32>
      %gt3A = arith.cmpf ogt, %slice3A, %slice3A_48 : vector<8x128xf32>
      %eq3A = arith.cmpf oeq, %slice3A, %slice3A_48 : vector<8x128xf32>
      %le3A = arith.cmpf ole, %slice3A_47, %slice3A_49 : vector<8x128xf32>
      %and3A = arith.andi %eq3A, %le3A : vector<8x128xi1>
      %or3A = arith.ori %gt3A, %and3A : vector<8x128xi1>
      %select_n3A = arith.select %or3A, %slice3A, %slice3A_48 : vector<8x128xi1>, vector<8x128xf32>
      %select_n3A_50 = arith.select %or3A, %slice3A_47, %slice3A_49 : vector<8x128xi1>, vector<8x128xf32>
      %slice3A_51 = vector.extract_strided_slice %get3A_43 {offsets = [16, 0], sizes = [8, 128], strides = [1, 1]} : vector<48x128xf32> to vector<8x128xf32>
      %slice3A_52 = vector.extract_strided_slice %get3A_46 {offsets = [16, 0], sizes = [8, 128], strides = [1, 1]} : vector<48x128xf32> to vector<8x128xf32>
      %slice3A_53 = vector.extract_strided_slice %get3A_43 {offsets = [24, 0], sizes = [8, 128], strides = [1, 1]} : vector<48x128xf32> to vector<8x128xf32>
      %slice3A_54 = vector.extract_strided_slice %get3A_46 {offsets = [24, 0], sizes = [8, 128], strides = [1, 1]} : vector<48x128xf32> to vector<8x128xf32>
      %gt3A_55 = arith.cmpf ogt, %slice3A_51, %slice3A_53 : vector<8x128xf32>
      %eq3A_56 = arith.cmpf oeq, %slice3A_51, %slice3A_53 : vector<8x128xf32>
      %le3A_57 = arith.cmpf ole, %slice3A_52, %slice3A_54 : vector<8x128xf32>
      %and3A_58 = arith.andi %eq3A_56, %le3A_57 : vector<8x128xi1>
      %or3A_59 = arith.ori %gt3A_55, %and3A_58 : vector<8x128xi1>
      %select_n3A_60 = arith.select %or3A_59, %slice3A_51, %slice3A_53 : vector<8x128xi1>, vector<8x128xf32>
      %select_n3A_61 = arith.select %or3A_59, %slice3A_52, %slice3A_54 : vector<8x128xi1>, vector<8x128xf32>
      %slice3A_62 = vector.extract_strided_slice %get3A_43 {offsets = [32, 0], sizes = [8, 128], strides = [1, 1]} : vector<48x128xf32> to vector<8x128xf32>
      %slice3A_63 = vector.extract_strided_slice %get3A_46 {offsets = [32, 0], sizes = [8, 128], strides = [1, 1]} : vector<48x128xf32> to vector<8x128xf32>
      %slice3A_64 = vector.extract_strided_slice %get3A_43 {offsets = [40, 0], sizes = [8, 128], strides = [1, 1]} : vector<48x128xf32> to vector<8x128xf32>
      %slice3A_65 = vector.extract_strided_slice %get3A_46 {offsets = [40, 0], sizes = [8, 128], strides = [1, 1]} : vector<48x128xf32> to vector<8x128xf32>
      %gt3A_66 = arith.cmpf ogt, %slice3A_62, %slice3A_64 : vector<8x128xf32>
      %eq3A_67 = arith.cmpf oeq, %slice3A_62, %slice3A_64 : vector<8x128xf32>
      %le3A_68 = arith.cmpf ole, %slice3A_63, %slice3A_65 : vector<8x128xf32>
      %and3A_69 = arith.andi %eq3A_67, %le3A_68 : vector<8x128xi1>
      %or3A_70 = arith.ori %gt3A_66, %and3A_69 : vector<8x128xi1>
      %select_n3A_71 = arith.select %or3A_70, %slice3A_62, %slice3A_64 : vector<8x128xi1>, vector<8x128xf32>
      %select_n3A_72 = arith.select %or3A_70, %slice3A_63, %slice3A_65 : vector<8x128xi1>, vector<8x128xf32>
      %gt3A_73 = arith.cmpf ogt, %select_n3A, %select_n3A_60 : vector<8x128xf32>
      %eq3A_74 = arith.cmpf oeq, %select_n3A, %select_n3A_60 : vector<8x128xf32>
      %le3A_75 = arith.cmpf ole, %select_n3A_50, %select_n3A_61 : vector<8x128xf32>
      %and3A_76 = arith.andi %eq3A_74, %le3A_75 : vector<8x128xi1>
      %or3A_77 = arith.ori %gt3A_73, %and3A_76 : vector<8x128xi1>
      %select_n3A_78 = arith.select %or3A_77, %select_n3A, %select_n3A_60 : vector<8x128xi1>, vector<8x128xf32>
      %select_n3A_79 = arith.select %or3A_77, %select_n3A_50, %select_n3A_61 : vector<8x128xi1>, vector<8x128xf32>
      %gt3A_80 = arith.cmpf ogt, %select_n3A_78, %select_n3A_71 : vector<8x128xf32>
      %eq3A_81 = arith.cmpf oeq, %select_n3A_78, %select_n3A_71 : vector<8x128xf32>
      %le3A_82 = arith.cmpf ole, %select_n3A_79, %select_n3A_72 : vector<8x128xf32>
      %and3A_83 = arith.andi %eq3A_81, %le3A_82 : vector<8x128xi1>
      %or3A_84 = arith.ori %gt3A_80, %and3A_83 : vector<8x128xi1>
      %select_n3A_85 = arith.select %or3A_84, %select_n3A_78, %select_n3A_71 : vector<8x128xi1>, vector<8x128xf32>
      %select_n3A_86 = arith.select %or3A_84, %select_n3A_79, %select_n3A_72 : vector<8x128xi1>, vector<8x128xf32>
      %roll3A = arith.constant 1 : i32
      %roll3A_87 = tpu.dynamic_rotate %select_n3A_85 by %roll3A dim 0 : vector<8x128xf32>, i32 -> vector<8x128xf32>
      %roll3A_88 = arith.constant 1 : i32
      %roll3A_89 = tpu.dynamic_rotate %select_n3A_86 by %roll3A_88 dim 0 : vector<8x128xf32>, i32 -> vector<8x128xf32>
      %roll3A_90 = arith.constant 2 : i32
      %roll3A_91 = tpu.dynamic_rotate %select_n3A_85 by %roll3A_90 dim 0 : vector<8x128xf32>, i32 -> vector<8x128xf32>
      %roll3A_92 = arith.constant 2 : i32
      %roll3A_93 = tpu.dynamic_rotate %select_n3A_86 by %roll3A_92 dim 0 : vector<8x128xf32>, i32 -> vector<8x128xf32>
      %roll3A_94 = arith.constant 3 : i32
      %roll3A_95 = tpu.dynamic_rotate %select_n3A_85 by %roll3A_94 dim 0 : vector<8x128xf32>, i32 -> vector<8x128xf32>
      %roll3A_96 = arith.constant 3 : i32
      %roll3A_97 = tpu.dynamic_rotate %select_n3A_86 by %roll3A_96 dim 0 : vector<8x128xf32>, i32 -> vector<8x128xf32>
      %roll3A_98 = arith.constant 4 : i32
      %roll3A_99 = tpu.dynamic_rotate %select_n3A_85 by %roll3A_98 dim 0 : vector<8x128xf32>, i32 -> vector<8x128xf32>
      %roll3A_100 = arith.constant 4 : i32
      %roll3A_101 = tpu.dynamic_rotate %select_n3A_86 by %roll3A_100 dim 0 : vector<8x128xf32>, i32 -> vector<8x128xf32>
      %roll3A_102 = arith.constant 5 : i32
      %roll3A_103 = tpu.dynamic_rotate %select_n3A_85 by %roll3A_102 dim 0 : vector<8x128xf32>, i32 -> vector<8x128xf32>
      %roll3A_104 = arith.constant 5 : i32
      %roll3A_105 = tpu.dynamic_rotate %select_n3A_86 by %roll3A_104 dim 0 : vector<8x128xf32>, i32 -> vector<8x128xf32>
      %roll3A_106 = arith.constant 6 : i32
      %roll3A_107 = tpu.dynamic_rotate %select_n3A_85 by %roll3A_106 dim 0 : vector<8x128xf32>, i32 -> vector<8x128xf32>
      %roll3A_108 = arith.constant 6 : i32
      %roll3A_109 = tpu.dynamic_rotate %select_n3A_86 by %roll3A_108 dim 0 : vector<8x128xf32>, i32 -> vector<8x128xf32>
      %roll3A_110 = arith.constant 7 : i32
      %roll3A_111 = tpu.dynamic_rotate %select_n3A_85 by %roll3A_110 dim 0 : vector<8x128xf32>, i32 -> vector<8x128xf32>
      %roll3A_112 = arith.constant 7 : i32
      %roll3A_113 = tpu.dynamic_rotate %select_n3A_86 by %roll3A_112 dim 0 : vector<8x128xf32>, i32 -> vector<8x128xf32>
      %gt3A_114 = arith.cmpf ogt, %select_n3A_85, %roll3A_87 : vector<8x128xf32>
      %eq3A_115 = arith.cmpf oeq, %select_n3A_85, %roll3A_87 : vector<8x128xf32>
      %le3A_116 = arith.cmpf ole, %select_n3A_86, %roll3A_89 : vector<8x128xf32>
      %and3A_117 = arith.andi %eq3A_115, %le3A_116 : vector<8x128xi1>
      %or3A_118 = arith.ori %gt3A_114, %and3A_117 : vector<8x128xi1>
      %select_n3A_119 = arith.select %or3A_118, %select_n3A_85, %roll3A_87 : vector<8x128xi1>, vector<8x128xf32>
      %select_n3A_120 = arith.select %or3A_118, %select_n3A_86, %roll3A_89 : vector<8x128xi1>, vector<8x128xf32>
      %gt3A_121 = arith.cmpf ogt, %roll3A_91, %roll3A_95 : vector<8x128xf32>
      %eq3A_122 = arith.cmpf oeq, %roll3A_91, %roll3A_95 : vector<8x128xf32>
      %le3A_123 = arith.cmpf ole, %roll3A_93, %roll3A_97 : vector<8x128xf32>
      %and3A_124 = arith.andi %eq3A_122, %le3A_123 : vector<8x128xi1>
      %or3A_125 = arith.ori %gt3A_121, %and3A_124 : vector<8x128xi1>
      %select_n3A_126 = arith.select %or3A_125, %roll3A_91, %roll3A_95 : vector<8x128xi1>, vector<8x128xf32>
      %select_n3A_127 = arith.select %or3A_125, %roll3A_93, %roll3A_97 : vector<8x128xi1>, vector<8x128xf32>
      %gt3A_128 = arith.cmpf ogt, %roll3A_99, %roll3A_103 : vector<8x128xf32>
      %eq3A_129 = arith.cmpf oeq, %roll3A_99, %roll3A_103 : vector<8x128xf32>
      %le3A_130 = arith.cmpf ole, %roll3A_101, %roll3A_105 : vector<8x128xf32>
      %and3A_131 = arith.andi %eq3A_129, %le3A_130 : vector<8x128xi1>
      %or3A_132 = arith.ori %gt3A_128, %and3A_131 : vector<8x128xi1>
      %select_n3A_133 = arith.select %or3A_132, %roll3A_99, %roll3A_103 : vector<8x128xi1>, vector<8x128xf32>
      %select_n3A_134 = arith.select %or3A_132, %roll3A_101, %roll3A_105 : vector<8x128xi1>, vector<8x128xf32>
      %gt3A_135 = arith.cmpf ogt, %roll3A_107, %roll3A_111 : vector<8x128xf32>
      %eq3A_136 = arith.cmpf oeq, %roll3A_107, %roll3A_111 : vector<8x128xf32>
      %le3A_137 = arith.cmpf ole, %roll3A_109, %roll3A_113 : vector<8x128xf32>
      %and3A_138 = arith.andi %eq3A_136, %le3A_137 : vector<8x128xi1>
      %or3A_139 = arith.ori %gt3A_135, %and3A_138 : vector<8x128xi1>
      %select_n3A_140 = arith.select %or3A_139, %roll3A_107, %roll3A_111 : vector<8x128xi1>, vector<8x128xf32>
      %select_n3A_141 = arith.select %or3A_139, %roll3A_109, %roll3A_113 : vector<8x128xi1>, vector<8x128xf32>
      %gt3A_142 = arith.cmpf ogt, %select_n3A_119, %select_n3A_126 : vector<8x128xf32>
      %eq3A_143 = arith.cmpf oeq, %select_n3A_119, %select_n3A_126 : vector<8x128xf32>
      %le3A_144 = arith.cmpf ole, %select_n3A_120, %select_n3A_127 : vector<8x128xf32>
      %and3A_145 = arith.andi %eq3A_143, %le3A_144 : vector<8x128xi1>
      %or3A_146 = arith.ori %gt3A_142, %and3A_145 : vector<8x128xi1>
      %select_n3A_147 = arith.select %or3A_146, %select_n3A_119, %select_n3A_126 : vector<8x128xi1>, vector<8x128xf32>
      %select_n3A_148 = arith.select %or3A_146, %select_n3A_120, %select_n3A_127 : vector<8x128xi1>, vector<8x128xf32>
      %gt3A_149 = arith.cmpf ogt, %select_n3A_133, %select_n3A_140 : vector<8x128xf32>
      %eq3A_150 = arith.cmpf oeq, %select_n3A_133, %select_n3A_140 : vector<8x128xf32>
      %le3A_151 = arith.cmpf ole, %select_n3A_134, %select_n3A_141 : vector<8x128xf32>
      %and3A_152 = arith.andi %eq3A_150, %le3A_151 : vector<8x128xi1>
      %or3A_153 = arith.ori %gt3A_149, %and3A_152 : vector<8x128xi1>
      %select_n3A_154 = arith.select %or3A_153, %select_n3A_133, %select_n3A_140 : vector<8x128xi1>, vector<8x128xf32>
      %select_n3A_155 = arith.select %or3A_153, %select_n3A_134, %select_n3A_141 : vector<8x128xi1>, vector<8x128xf32>
      %gt3A_156 = arith.cmpf ogt, %select_n3A_147, %select_n3A_154 : vector<8x128xf32>
      %eq3A_157 = arith.cmpf oeq, %select_n3A_147, %select_n3A_154 : vector<8x128xf32>
      %le3A_158 = arith.cmpf ole, %select_n3A_148, %select_n3A_155 : vector<8x128xf32>
      %and3A_159 = arith.andi %eq3A_157, %le3A_158 : vector<8x128xi1>
      %or3A_160 = arith.ori %gt3A_156, %and3A_159 : vector<8x128xi1>
      %select_n3A_161 = arith.select %or3A_160, %select_n3A_147, %select_n3A_154 : vector<8x128xi1>, vector<8x128xf32>
      %select_n3A_162 = arith.select %or3A_160, %select_n3A_148, %select_n3A_155 : vector<8x128xi1>, vector<8x128xf32>
      %roll3A_163 = arith.constant 1 : i32
      %roll3A_164 = tpu.dynamic_rotate %select_n3A_161 by %roll3A_163 dim 1 : vector<8x128xf32>, i32 -> vector<8x128xf32>
      %roll3A_165 = arith.constant 1 : i32
      %roll3A_166 = tpu.dynamic_rotate %select_n3A_162 by %roll3A_165 dim 1 : vector<8x128xf32>, i32 -> vector<8x128xf32>
      %roll3A_167 = arith.constant 2 : i32
      %roll3A_168 = tpu.dynamic_rotate %select_n3A_161 by %roll3A_167 dim 1 : vector<8x128xf32>, i32 -> vector<8x128xf32>
      %roll3A_169 = arith.constant 2 : i32
      %roll3A_170 = tpu.dynamic_rotate %select_n3A_162 by %roll3A_169 dim 1 : vector<8x128xf32>, i32 -> vector<8x128xf32>
      %roll3A_171 = arith.constant 3 : i32
      %roll3A_172 = tpu.dynamic_rotate %select_n3A_161 by %roll3A_171 dim 1 : vector<8x128xf32>, i32 -> vector<8x128xf32>
      %roll3A_173 = arith.constant 3 : i32
      %roll3A_174 = tpu.dynamic_rotate %select_n3A_162 by %roll3A_173 dim 1 : vector<8x128xf32>, i32 -> vector<8x128xf32>
      %roll3A_175 = arith.constant 4 : i32
      %roll3A_176 = tpu.dynamic_rotate %select_n3A_161 by %roll3A_175 dim 1 : vector<8x128xf32>, i32 -> vector<8x128xf32>
      %roll3A_177 = arith.constant 4 : i32
      %roll3A_178 = tpu.dynamic_rotate %select_n3A_162 by %roll3A_177 dim 1 : vector<8x128xf32>, i32 -> vector<8x128xf32>
      %roll3A_179 = arith.constant 5 : i32
      %roll3A_180 = tpu.dynamic_rotate %select_n3A_161 by %roll3A_179 dim 1 : vector<8x128xf32>, i32 -> vector<8x128xf32>
      %roll3A_181 = arith.constant 5 : i32
      %roll3A_182 = tpu.dynamic_rotate %select_n3A_162 by %roll3A_181 dim 1 : vector<8x128xf32>, i32 -> vector<8x128xf32>
      %roll3A_183 = arith.constant 6 : i32
      %roll3A_184 = tpu.dynamic_rotate %select_n3A_161 by %roll3A_183 dim 1 : vector<8x128xf32>, i32 -> vector<8x128xf32>
      %roll3A_185 = arith.constant 6 : i32
      %roll3A_186 = tpu.dynamic_rotate %select_n3A_162 by %roll3A_185 dim 1 : vector<8x128xf32>, i32 -> vector<8x128xf32>
      %roll3A_187 = arith.constant 7 : i32
      %roll3A_188 = tpu.dynamic_rotate %select_n3A_161 by %roll3A_187 dim 1 : vector<8x128xf32>, i32 -> vector<8x128xf32>
      %roll3A_189 = arith.constant 7 : i32
      %roll3A_190 = tpu.dynamic_rotate %select_n3A_162 by %roll3A_189 dim 1 : vector<8x128xf32>, i32 -> vector<8x128xf32>
      %roll3A_191 = arith.constant 8 : i32
      %roll3A_192 = tpu.dynamic_rotate %select_n3A_161 by %roll3A_191 dim 1 : vector<8x128xf32>, i32 -> vector<8x128xf32>
      %roll3A_193 = arith.constant 8 : i32
      %roll3A_194 = tpu.dynamic_rotate %select_n3A_162 by %roll3A_193 dim 1 : vector<8x128xf32>, i32 -> vector<8x128xf32>
      %roll3A_195 = arith.constant 9 : i32
      %roll3A_196 = tpu.dynamic_rotate %select_n3A_161 by %roll3A_195 dim 1 : vector<8x128xf32>, i32 -> vector<8x128xf32>
      %roll3A_197 = arith.constant 9 : i32
      %roll3A_198 = tpu.dynamic_rotate %select_n3A_162 by %roll3A_197 dim 1 : vector<8x128xf32>, i32 -> vector<8x128xf32>
      %roll3A_199 = arith.constant 10 : i32
      %roll3A_200 = tpu.dynamic_rotate %select_n3A_161 by %roll3A_199 dim 1 : vector<8x128xf32>, i32 -> vector<8x128xf32>
      %roll3A_201 = arith.constant 10 : i32
      %roll3A_202 = tpu.dynamic_rotate %select_n3A_162 by %roll3A_201 dim 1 : vector<8x128xf32>, i32 -> vector<8x128xf32>
      %roll3A_203 = arith.constant 11 : i32
      %roll3A_204 = tpu.dynamic_rotate %select_n3A_161 by %roll3A_203 dim 1 : vector<8x128xf32>, i32 -> vector<8x128xf32>
      %roll3A_205 = arith.constant 11 : i32
      %roll3A_206 = tpu.dynamic_rotate %select_n3A_162 by %roll3A_205 dim 1 : vector<8x128xf32>, i32 -> vector<8x128xf32>
      %roll3A_207 = arith.constant 12 : i32
      %roll3A_208 = tpu.dynamic_rotate %select_n3A_161 by %roll3A_207 dim 1 : vector<8x128xf32>, i32 -> vector<8x128xf32>
      %roll3A_209 = arith.constant 12 : i32
      %roll3A_210 = tpu.dynamic_rotate %select_n3A_162 by %roll3A_209 dim 1 : vector<8x128xf32>, i32 -> vector<8x128xf32>
      %roll3A_211 = arith.constant 13 : i32
      %roll3A_212 = tpu.dynamic_rotate %select_n3A_161 by %roll3A_211 dim 1 : vector<8x128xf32>, i32 -> vector<8x128xf32>
      %roll3A_213 = arith.constant 13 : i32
      %roll3A_214 = tpu.dynamic_rotate %select_n3A_162 by %roll3A_213 dim 1 : vector<8x128xf32>, i32 -> vector<8x128xf32>
      %roll3A_215 = arith.constant 14 : i32
      %roll3A_216 = tpu.dynamic_rotate %select_n3A_161 by %roll3A_215 dim 1 : vector<8x128xf32>, i32 -> vector<8x128xf32>
      %roll3A_217 = arith.constant 14 : i32
      %roll3A_218 = tpu.dynamic_rotate %select_n3A_162 by %roll3A_217 dim 1 : vector<8x128xf32>, i32 -> vector<8x128xf32>
      %roll3A_219 = arith.constant 15 : i32
      %roll3A_220 = tpu.dynamic_rotate %select_n3A_161 by %roll3A_219 dim 1 : vector<8x128xf32>, i32 -> vector<8x128xf32>
      %roll3A_221 = arith.constant 15 : i32
      %roll3A_222 = tpu.dynamic_rotate %select_n3A_162 by %roll3A_221 dim 1 : vector<8x128xf32>, i32 -> vector<8x128xf32>
      %gt3A_223 = arith.cmpf ogt, %select_n3A_161, %roll3A_164 : vector<8x128xf32>
      %eq3A_224 = arith.cmpf oeq, %select_n3A_161, %roll3A_164 : vector<8x128xf32>
      %le3A_225 = arith.cmpf ole, %select_n3A_162, %roll3A_166 : vector<8x128xf32>
      %and3A_226 = arith.andi %eq3A_224, %le3A_225 : vector<8x128xi1>
      %or3A_227 = arith.ori %gt3A_223, %and3A_226 : vector<8x128xi1>
      %select_n3A_228 = arith.select %or3A_227, %select_n3A_161, %roll3A_164 : vector<8x128xi1>, vector<8x128xf32>
      %select_n3A_229 = arith.select %or3A_227, %select_n3A_162, %roll3A_166 : vector<8x128xi1>, vector<8x128xf32>
      %gt3A_230 = arith.cmpf ogt, %roll3A_168, %roll3A_172 : vector<8x128xf32>
      %eq3A_231 = arith.cmpf oeq, %roll3A_168, %roll3A_172 : vector<8x128xf32>
      %le3A_232 = arith.cmpf ole, %roll3A_170, %roll3A_174 : vector<8x128xf32>
      %and3A_233 = arith.andi %eq3A_231, %le3A_232 : vector<8x128xi1>
      %or3A_234 = arith.ori %gt3A_230, %and3A_233 : vector<8x128xi1>
      %select_n3A_235 = arith.select %or3A_234, %roll3A_168, %roll3A_172 : vector<8x128xi1>, vector<8x128xf32>
      %select_n3A_236 = arith.select %or3A_234, %roll3A_170, %roll3A_174 : vector<8x128xi1>, vector<8x128xf32>
      %gt3A_237 = arith.cmpf ogt, %roll3A_176, %roll3A_180 : vector<8x128xf32>
      %eq3A_238 = arith.cmpf oeq, %roll3A_176, %roll3A_180 : vector<8x128xf32>
      %le3A_239 = arith.cmpf ole, %roll3A_178, %roll3A_182 : vector<8x128xf32>
      %and3A_240 = arith.andi %eq3A_238, %le3A_239 : vector<8x128xi1>
      %or3A_241 = arith.ori %gt3A_237, %and3A_240 : vector<8x128xi1>
      %select_n3A_242 = arith.select %or3A_241, %roll3A_176, %roll3A_180 : vector<8x128xi1>, vector<8x128xf32>
      %select_n3A_243 = arith.select %or3A_241, %roll3A_178, %roll3A_182 : vector<8x128xi1>, vector<8x128xf32>
      %gt3A_244 = arith.cmpf ogt, %roll3A_184, %roll3A_188 : vector<8x128xf32>
      %eq3A_245 = arith.cmpf oeq, %roll3A_184, %roll3A_188 : vector<8x128xf32>
      %le3A_246 = arith.cmpf ole, %roll3A_186, %roll3A_190 : vector<8x128xf32>
      %and3A_247 = arith.andi %eq3A_245, %le3A_246 : vector<8x128xi1>
      %or3A_248 = arith.ori %gt3A_244, %and3A_247 : vector<8x128xi1>
      %select_n3A_249 = arith.select %or3A_248, %roll3A_184, %roll3A_188 : vector<8x128xi1>, vector<8x128xf32>
      %select_n3A_250 = arith.select %or3A_248, %roll3A_186, %roll3A_190 : vector<8x128xi1>, vector<8x128xf32>
      %gt3A_251 = arith.cmpf ogt, %roll3A_192, %roll3A_196 : vector<8x128xf32>
      %eq3A_252 = arith.cmpf oeq, %roll3A_192, %roll3A_196 : vector<8x128xf32>
      %le3A_253 = arith.cmpf ole, %roll3A_194, %roll3A_198 : vector<8x128xf32>
      %and3A_254 = arith.andi %eq3A_252, %le3A_253 : vector<8x128xi1>
      %or3A_255 = arith.ori %gt3A_251, %and3A_254 : vector<8x128xi1>
      %select_n3A_256 = arith.select %or3A_255, %roll3A_192, %roll3A_196 : vector<8x128xi1>, vector<8x128xf32>
      %select_n3A_257 = arith.select %or3A_255, %roll3A_194, %roll3A_198 : vector<8x128xi1>, vector<8x128xf32>
      %gt3A_258 = arith.cmpf ogt, %roll3A_200, %roll3A_204 : vector<8x128xf32>
      %eq3A_259 = arith.cmpf oeq, %roll3A_200, %roll3A_204 : vector<8x128xf32>
      %le3A_260 = arith.cmpf ole, %roll3A_202, %roll3A_206 : vector<8x128xf32>
      %and3A_261 = arith.andi %eq3A_259, %le3A_260 : vector<8x128xi1>
      %or3A_262 = arith.ori %gt3A_258, %and3A_261 : vector<8x128xi1>
      %select_n3A_263 = arith.select %or3A_262, %roll3A_200, %roll3A_204 : vector<8x128xi1>, vector<8x128xf32>
      %select_n3A_264 = arith.select %or3A_262, %roll3A_202, %roll3A_206 : vector<8x128xi1>, vector<8x128xf32>
      %gt3A_265 = arith.cmpf ogt, %roll3A_208, %roll3A_212 : vector<8x128xf32>
      %eq3A_266 = arith.cmpf oeq, %roll3A_208, %roll3A_212 : vector<8x128xf32>
      %le3A_267 = arith.cmpf ole, %roll3A_210, %roll3A_214 : vector<8x128xf32>
      %and3A_268 = arith.andi %eq3A_266, %le3A_267 : vector<8x128xi1>
      %or3A_269 = arith.ori %gt3A_265, %and3A_268 : vector<8x128xi1>
      %select_n3A_270 = arith.select %or3A_269, %roll3A_208, %roll3A_212 : vector<8x128xi1>, vector<8x128xf32>
      %select_n3A_271 = arith.select %or3A_269, %roll3A_210, %roll3A_214 : vector<8x128xi1>, vector<8x128xf32>
      %gt3A_272 = arith.cmpf ogt, %roll3A_216, %roll3A_220 : vector<8x128xf32>
      %eq3A_273 = arith.cmpf oeq, %roll3A_216, %roll3A_220 : vector<8x128xf32>
      %le3A_274 = arith.cmpf ole, %roll3A_218, %roll3A_222 : vector<8x128xf32>
      %and3A_275 = arith.andi %eq3A_273, %le3A_274 : vector<8x128xi1>
      %or3A_276 = arith.ori %gt3A_272, %and3A_275 : vector<8x128xi1>
      %select_n3A_277 = arith.select %or3A_276, %roll3A_216, %roll3A_220 : vector<8x128xi1>, vector<8x128xf32>
      %select_n3A_278 = arith.select %or3A_276, %roll3A_218, %roll3A_222 : vector<8x128xi1>, vector<8x128xf32>
      %gt3A_279 = arith.cmpf ogt, %select_n3A_228, %select_n3A_235 : vector<8x128xf32>
      %eq3A_280 = arith.cmpf oeq, %select_n3A_228, %select_n3A_235 : vector<8x128xf32>
      %le3A_281 = arith.cmpf ole, %select_n3A_229, %select_n3A_236 : vector<8x128xf32>
      %and3A_282 = arith.andi %eq3A_280, %le3A_281 : vector<8x128xi1>
      %or3A_283 = arith.ori %gt3A_279, %and3A_282 : vector<8x128xi1>
      %select_n3A_284 = arith.select %or3A_283, %select_n3A_228, %select_n3A_235 : vector<8x128xi1>, vector<8x128xf32>
      %select_n3A_285 = arith.select %or3A_283, %select_n3A_229, %select_n3A_236 : vector<8x128xi1>, vector<8x128xf32>
      %gt3A_286 = arith.cmpf ogt, %select_n3A_242, %select_n3A_249 : vector<8x128xf32>
      %eq3A_287 = arith.cmpf oeq, %select_n3A_242, %select_n3A_249 : vector<8x128xf32>
      %le3A_288 = arith.cmpf ole, %select_n3A_243, %select_n3A_250 : vector<8x128xf32>
      %and3A_289 = arith.andi %eq3A_287, %le3A_288 : vector<8x128xi1>
      %or3A_290 = arith.ori %gt3A_286, %and3A_289 : vector<8x128xi1>
      %select_n3A_291 = arith.select %or3A_290, %select_n3A_242, %select_n3A_249 : vector<8x128xi1>, vector<8x128xf32>
      %select_n3A_292 = arith.select %or3A_290, %select_n3A_243, %select_n3A_250 : vector<8x128xi1>, vector<8x128xf32>
      %gt3A_293 = arith.cmpf ogt, %select_n3A_256, %select_n3A_263 : vector<8x128xf32>
      %eq3A_294 = arith.cmpf oeq, %select_n3A_256, %select_n3A_263 : vector<8x128xf32>
      %le3A_295 = arith.cmpf ole, %select_n3A_257, %select_n3A_264 : vector<8x128xf32>
      %and3A_296 = arith.andi %eq3A_294, %le3A_295 : vector<8x128xi1>
      %or3A_297 = arith.ori %gt3A_293, %and3A_296 : vector<8x128xi1>
      %select_n3A_298 = arith.select %or3A_297, %select_n3A_256, %select_n3A_263 : vector<8x128xi1>, vector<8x128xf32>
      %select_n3A_299 = arith.select %or3A_297, %select_n3A_257, %select_n3A_264 : vector<8x128xi1>, vector<8x128xf32>
      %gt3A_300 = arith.cmpf ogt, %select_n3A_270, %select_n3A_277 : vector<8x128xf32>
      %eq3A_301 = arith.cmpf oeq, %select_n3A_270, %select_n3A_277 : vector<8x128xf32>
      %le3A_302 = arith.cmpf ole, %select_n3A_271, %select_n3A_278 : vector<8x128xf32>
      %and3A_303 = arith.andi %eq3A_301, %le3A_302 : vector<8x128xi1>
      %or3A_304 = arith.ori %gt3A_300, %and3A_303 : vector<8x128xi1>
      %select_n3A_305 = arith.select %or3A_304, %select_n3A_270, %select_n3A_277 : vector<8x128xi1>, vector<8x128xf32>
      %select_n3A_306 = arith.select %or3A_304, %select_n3A_271, %select_n3A_278 : vector<8x128xi1>, vector<8x128xf32>
      %gt3A_307 = arith.cmpf ogt, %select_n3A_284, %select_n3A_291 : vector<8x128xf32>
      %eq3A_308 = arith.cmpf oeq, %select_n3A_284, %select_n3A_291 : vector<8x128xf32>
      %le3A_309 = arith.cmpf ole, %select_n3A_285, %select_n3A_292 : vector<8x128xf32>
      %and3A_310 = arith.andi %eq3A_308, %le3A_309 : vector<8x128xi1>
      %or3A_311 = arith.ori %gt3A_307, %and3A_310 : vector<8x128xi1>
      %select_n3A_312 = arith.select %or3A_311, %select_n3A_284, %select_n3A_291 : vector<8x128xi1>, vector<8x128xf32>
      %select_n3A_313 = arith.select %or3A_311, %select_n3A_285, %select_n3A_292 : vector<8x128xi1>, vector<8x128xf32>
      %gt3A_314 = arith.cmpf ogt, %select_n3A_298, %select_n3A_305 : vector<8x128xf32>
      %eq3A_315 = arith.cmpf oeq, %select_n3A_298, %select_n3A_305 : vector<8x128xf32>
      %le3A_316 = arith.cmpf ole, %select_n3A_299, %select_n3A_306 : vector<8x128xf32>
      %and3A_317 = arith.andi %eq3A_315, %le3A_316 : vector<8x128xi1>
      %or3A_318 = arith.ori %gt3A_314, %and3A_317 : vector<8x128xi1>
      %select_n3A_319 = arith.select %or3A_318, %select_n3A_298, %select_n3A_305 : vector<8x128xi1>, vector<8x128xf32>
      %select_n3A_320 = arith.select %or3A_318, %select_n3A_299, %select_n3A_306 : vector<8x128xi1>, vector<8x128xf32>
      %gt3A_321 = arith.cmpf ogt, %select_n3A_312, %select_n3A_319 : vector<8x128xf32>
      %eq3A_322 = arith.cmpf oeq, %select_n3A_312, %select_n3A_319 : vector<8x128xf32>
      %le3A_323 = arith.cmpf ole, %select_n3A_313, %select_n3A_320 : vector<8x128xf32>
      %and3A_324 = arith.andi %eq3A_322, %le3A_323 : vector<8x128xi1>
      %or3A_325 = arith.ori %gt3A_321, %and3A_324 : vector<8x128xi1>
      %select_n3A_326 = arith.select %or3A_325, %select_n3A_312, %select_n3A_319 : vector<8x128xi1>, vector<8x128xf32>
      %select_n3A_327 = arith.select %or3A_325, %select_n3A_313, %select_n3A_320 : vector<8x128xi1>, vector<8x128xf32>
      %roll3A_328 = arith.constant 16 : i32
      %roll3A_329 = tpu.dynamic_rotate %select_n3A_326 by %roll3A_328 dim 1 : vector<8x128xf32>, i32 -> vector<8x128xf32>
      %roll3A_330 = arith.constant 16 : i32
      %roll3A_331 = tpu.dynamic_rotate %select_n3A_327 by %roll3A_330 dim 1 : vector<8x128xf32>, i32 -> vector<8x128xf32>
      %roll3A_332 = arith.constant 32 : i32
      %roll3A_333 = tpu.dynamic_rotate %select_n3A_326 by %roll3A_332 dim 1 : vector<8x128xf32>, i32 -> vector<8x128xf32>
      %roll3A_334 = arith.constant 32 : i32
      %roll3A_335 = tpu.dynamic_rotate %select_n3A_327 by %roll3A_334 dim 1 : vector<8x128xf32>, i32 -> vector<8x128xf32>
      %roll3A_336 = arith.constant 48 : i32
      %roll3A_337 = tpu.dynamic_rotate %select_n3A_326 by %roll3A_336 dim 1 : vector<8x128xf32>, i32 -> vector<8x128xf32>
      %roll3A_338 = arith.constant 48 : i32
      %roll3A_339 = tpu.dynamic_rotate %select_n3A_327 by %roll3A_338 dim 1 : vector<8x128xf32>, i32 -> vector<8x128xf32>
      %roll3A_340 = arith.constant 64 : i32
      %roll3A_341 = tpu.dynamic_rotate %select_n3A_326 by %roll3A_340 dim 1 : vector<8x128xf32>, i32 -> vector<8x128xf32>
      %roll3A_342 = arith.constant 64 : i32
      %roll3A_343 = tpu.dynamic_rotate %select_n3A_327 by %roll3A_342 dim 1 : vector<8x128xf32>, i32 -> vector<8x128xf32>
      %roll3A_344 = arith.constant 80 : i32
      %roll3A_345 = tpu.dynamic_rotate %select_n3A_326 by %roll3A_344 dim 1 : vector<8x128xf32>, i32 -> vector<8x128xf32>
      %roll3A_346 = arith.constant 80 : i32
      %roll3A_347 = tpu.dynamic_rotate %select_n3A_327 by %roll3A_346 dim 1 : vector<8x128xf32>, i32 -> vector<8x128xf32>
      %roll3A_348 = arith.constant 96 : i32
      %roll3A_349 = tpu.dynamic_rotate %select_n3A_326 by %roll3A_348 dim 1 : vector<8x128xf32>, i32 -> vector<8x128xf32>
      %roll3A_350 = arith.constant 96 : i32
      %roll3A_351 = tpu.dynamic_rotate %select_n3A_327 by %roll3A_350 dim 1 : vector<8x128xf32>, i32 -> vector<8x128xf32>
      %roll3A_352 = arith.constant 112 : i32
      %roll3A_353 = tpu.dynamic_rotate %select_n3A_326 by %roll3A_352 dim 1 : vector<8x128xf32>, i32 -> vector<8x128xf32>
      %roll3A_354 = arith.constant 112 : i32
      %roll3A_355 = tpu.dynamic_rotate %select_n3A_327 by %roll3A_354 dim 1 : vector<8x128xf32>, i32 -> vector<8x128xf32>
      %gt3A_356 = arith.cmpf ogt, %select_n3A_326, %roll3A_329 : vector<8x128xf32>
      %eq3A_357 = arith.cmpf oeq, %select_n3A_326, %roll3A_329 : vector<8x128xf32>
      %le3A_358 = arith.cmpf ole, %select_n3A_327, %roll3A_331 : vector<8x128xf32>
      %and3A_359 = arith.andi %eq3A_357, %le3A_358 : vector<8x128xi1>
      %or3A_360 = arith.ori %gt3A_356, %and3A_359 : vector<8x128xi1>
      %select_n3A_361 = arith.select %or3A_360, %select_n3A_326, %roll3A_329 : vector<8x128xi1>, vector<8x128xf32>
      %select_n3A_362 = arith.select %or3A_360, %select_n3A_327, %roll3A_331 : vector<8x128xi1>, vector<8x128xf32>
      %gt3A_363 = arith.cmpf ogt, %roll3A_333, %roll3A_337 : vector<8x128xf32>
      %eq3A_364 = arith.cmpf oeq, %roll3A_333, %roll3A_337 : vector<8x128xf32>
      %le3A_365 = arith.cmpf ole, %roll3A_335, %roll3A_339 : vector<8x128xf32>
      %and3A_366 = arith.andi %eq3A_364, %le3A_365 : vector<8x128xi1>
      %or3A_367 = arith.ori %gt3A_363, %and3A_366 : vector<8x128xi1>
      %select_n3A_368 = arith.select %or3A_367, %roll3A_333, %roll3A_337 : vector<8x128xi1>, vector<8x128xf32>
      %select_n3A_369 = arith.select %or3A_367, %roll3A_335, %roll3A_339 : vector<8x128xi1>, vector<8x128xf32>
      %gt3A_370 = arith.cmpf ogt, %roll3A_341, %roll3A_345 : vector<8x128xf32>
      %eq3A_371 = arith.cmpf oeq, %roll3A_341, %roll3A_345 : vector<8x128xf32>
      %le3A_372 = arith.cmpf ole, %roll3A_343, %roll3A_347 : vector<8x128xf32>
      %and3A_373 = arith.andi %eq3A_371, %le3A_372 : vector<8x128xi1>
      %or3A_374 = arith.ori %gt3A_370, %and3A_373 : vector<8x128xi1>
      %select_n3A_375 = arith.select %or3A_374, %roll3A_341, %roll3A_345 : vector<8x128xi1>, vector<8x128xf32>
      %select_n3A_376 = arith.select %or3A_374, %roll3A_343, %roll3A_347 : vector<8x128xi1>, vector<8x128xf32>
      %gt3A_377 = arith.cmpf ogt, %roll3A_349, %roll3A_353 : vector<8x128xf32>
      %eq3A_378 = arith.cmpf oeq, %roll3A_349, %roll3A_353 : vector<8x128xf32>
      %le3A_379 = arith.cmpf ole, %roll3A_351, %roll3A_355 : vector<8x128xf32>
      %and3A_380 = arith.andi %eq3A_378, %le3A_379 : vector<8x128xi1>
      %or3A_381 = arith.ori %gt3A_377, %and3A_380 : vector<8x128xi1>
      %select_n3A_382 = arith.select %or3A_381, %roll3A_349, %roll3A_353 : vector<8x128xi1>, vector<8x128xf32>
      %select_n3A_383 = arith.select %or3A_381, %roll3A_351, %roll3A_355 : vector<8x128xi1>, vector<8x128xf32>
      %gt3A_384 = arith.cmpf ogt, %select_n3A_361, %select_n3A_368 : vector<8x128xf32>
      %eq3A_385 = arith.cmpf oeq, %select_n3A_361, %select_n3A_368 : vector<8x128xf32>
      %le3A_386 = arith.cmpf ole, %select_n3A_362, %select_n3A_369 : vector<8x128xf32>
      %and3A_387 = arith.andi %eq3A_385, %le3A_386 : vector<8x128xi1>
      %or3A_388 = arith.ori %gt3A_384, %and3A_387 : vector<8x128xi1>
      %select_n3A_389 = arith.select %or3A_388, %select_n3A_361, %select_n3A_368 : vector<8x128xi1>, vector<8x128xf32>
      %select_n3A_390 = arith.select %or3A_388, %select_n3A_362, %select_n3A_369 : vector<8x128xi1>, vector<8x128xf32>
      %gt3A_391 = arith.cmpf ogt, %select_n3A_375, %select_n3A_382 : vector<8x128xf32>
      %eq3A_392 = arith.cmpf oeq, %select_n3A_375, %select_n3A_382 : vector<8x128xf32>
      %le3A_393 = arith.cmpf ole, %select_n3A_376, %select_n3A_383 : vector<8x128xf32>
      %and3A_394 = arith.andi %eq3A_392, %le3A_393 : vector<8x128xi1>
      %or3A_395 = arith.ori %gt3A_391, %and3A_394 : vector<8x128xi1>
      %select_n3A_396 = arith.select %or3A_395, %select_n3A_375, %select_n3A_382 : vector<8x128xi1>, vector<8x128xf32>
      %select_n3A_397 = arith.select %or3A_395, %select_n3A_376, %select_n3A_383 : vector<8x128xi1>, vector<8x128xf32>
      %gt3A_398 = arith.cmpf ogt, %select_n3A_389, %select_n3A_396 : vector<8x128xf32>
      %eq3A_399 = arith.cmpf oeq, %select_n3A_389, %select_n3A_396 : vector<8x128xf32>
      %le3A_400 = arith.cmpf ole, %select_n3A_390, %select_n3A_397 : vector<8x128xf32>
      %and3A_401 = arith.andi %eq3A_399, %le3A_400 : vector<8x128xi1>
      %or3A_402 = arith.ori %gt3A_398, %and3A_401 : vector<8x128xi1>
      %select_n3A_403 = arith.select %or3A_402, %select_n3A_389, %select_n3A_396 : vector<8x128xi1>, vector<8x128xf32>
      %select_n3A_404 = arith.select %or3A_402, %select_n3A_390, %select_n3A_397 : vector<8x128xi1>, vector<8x128xf32>
      %slice3A_405 = vector.extract_strided_slice %select_n3A_403 {offsets = [0, 0], sizes = [1, 128], strides = [1, 1]} : vector<8x128xf32> to vector<1x128xf32>
      %slice3A_406 = vector.extract_strided_slice %select_n3A_404 {offsets = [0, 0], sizes = [1, 128], strides = [1, 1]} : vector<8x128xf32> to vector<1x128xf32>
      %slice3A_407 = vector.extract_strided_slice %slice3A_406 {offsets = [0, 0], sizes = [1, 1], strides = [1, 1]} : vector<1x128xf32> to vector<1x1xf32>
      %squeeze3A = vector.extract %slice3A_407[0, 0] : f32 from vector<1x1xf32>
      %convert_element_type3A_408 = arith.fptosi %squeeze3A : f32 to i32
      %get3A_409 = arith.index_cast %convert_element_type3A_408 : i32 to index
      %get3A_410 = arith.constant 0 : index
      %get3A_411 = vector.load %arg2[%get3A_409, %get3A_410] : memref<6144x128xf32, #tpu.memory_space<vmem>>, vector<1x128xf32>
      %get3A_412 = arith.index_cast %convert_element_type3A_408 : i32 to index
      %get3A_413 = arith.constant 0 : index
      %get3A_414 = vector.load %arg3[%get3A_412, %get3A_413] : memref<6144x128xf32, #tpu.memory_space<vmem>>, vector<1x128xf32>
      %get3A_415 = arith.index_cast %convert_element_type3A_408 : i32 to index
      %get3A_416 = arith.constant 0 : index
      %get3A_417 = vector.load %arg4[%get3A_415, %get3A_416] : memref<6144x128xf32, #tpu.memory_space<vmem>>, vector<1x128xf32>
      %get3A_418 = arith.index_cast %convert_element_type3A_408 : i32 to index
      %get3A_419 = arith.constant 0 : index
      %get3A_420 = vector.load %arg5[%get3A_418, %get3A_419] : memref<6144x128xf32, #tpu.memory_space<vmem>>, vector<1x128xf32>
      %gt3A_421 = arith.constant 0.000000e+00 : f32
      %gt3A_422 = vector.broadcast %gt3A_421 : f32 to vector<1x128xf32>
      %gt3A_423 = arith.cmpf ogt, %slice3A_405, %gt3A_422 : vector<1x128xf32>
      %sub3A_424 = arith.subf %get3A_417, %get3A_411 : vector<1x128xf32>
      %sub3A_425 = arith.subf %get3A_420, %get3A_414 : vector<1x128xf32>
      %mul3A_426 = arith.mulf %sub3A_424, %sub3A_425 : vector<1x128xf32>
      %get3A_427 = arith.constant 0 : index
      %get3A_428 = arith.constant 0 : index
      %get3A_429 = arith.constant 0 : index
      %get3A_430 = vector.load %arg0[%get3A_427, %get3A_428, %get3A_429] : memref<4x48x128xf32, #tpu.memory_space<vmem>>, vector<1x48x128xf32>
      %get3A_431 = vector.shape_cast %get3A_430 : vector<1x48x128xf32> to vector<48x128xf32>
      %max3A = vector.broadcast %get3A_411 : vector<1x128xf32> to vector<48x128xf32>
      %max3A_432 = arith.maximumf %max3A, %get3A_431 : vector<48x128xf32>
      %get3A_433 = arith.constant 1 : index
      %get3A_434 = arith.constant 0 : index
      %get3A_435 = arith.constant 0 : index
      %get3A_436 = vector.load %arg0[%get3A_433, %get3A_434, %get3A_435] : memref<4x48x128xf32, #tpu.memory_space<vmem>>, vector<1x48x128xf32>
      %get3A_437 = vector.shape_cast %get3A_436 : vector<1x48x128xf32> to vector<48x128xf32>
      %max3A_438 = vector.broadcast %get3A_414 : vector<1x128xf32> to vector<48x128xf32>
      %max3A_439 = arith.maximumf %max3A_438, %get3A_437 : vector<48x128xf32>
      %get3A_440 = arith.constant 2 : index
      %get3A_441 = arith.constant 0 : index
      %get3A_442 = arith.constant 0 : index
      %get3A_443 = vector.load %arg0[%get3A_440, %get3A_441, %get3A_442] : memref<4x48x128xf32, #tpu.memory_space<vmem>>, vector<1x48x128xf32>
      %get3A_444 = vector.shape_cast %get3A_443 : vector<1x48x128xf32> to vector<48x128xf32>
      %min3A = vector.broadcast %get3A_417 : vector<1x128xf32> to vector<48x128xf32>
      %min3A_445 = arith.minimumf %min3A, %get3A_444 : vector<48x128xf32>
      %get3A_446 = arith.constant 3 : index
      %get3A_447 = arith.constant 0 : index
      %get3A_448 = arith.constant 0 : index
      %get3A_449 = vector.load %arg0[%get3A_446, %get3A_447, %get3A_448] : memref<4x48x128xf32, #tpu.memory_space<vmem>>, vector<1x48x128xf32>
      %get3A_450 = vector.shape_cast %get3A_449 : vector<1x48x128xf32> to vector<48x128xf32>
      %min3A_451 = vector.broadcast %get3A_420 : vector<1x128xf32> to vector<48x128xf32>
      %min3A_452 = arith.minimumf %min3A_451, %get3A_450 : vector<48x128xf32>
      %sub3A_453 = arith.subf %min3A_445, %max3A_432 : vector<48x128xf32>
      %max3A_454 = arith.constant 0.000000e+00 : f32
      %max3A_455 = vector.broadcast %max3A_454 : f32 to vector<48x128xf32>
      %max3A_456 = arith.maximumf %sub3A_453, %max3A_455 : vector<48x128xf32>
      %sub3A_457 = arith.subf %min3A_452, %max3A_439 : vector<48x128xf32>
      %max3A_458 = arith.constant 0.000000e+00 : f32
      %max3A_459 = vector.broadcast %max3A_458 : f32 to vector<48x128xf32>
      %max3A_460 = arith.maximumf %sub3A_457, %max3A_459 : vector<48x128xf32>
      %mul3A_461 = arith.mulf %max3A_456, %max3A_460 : vector<48x128xf32>
      %get3A_462 = arith.constant 0 : index
      %get3A_463 = arith.constant 0 : index
      %get3A_464 = vector.load %arg8[%get3A_462, %get3A_463] : memref<48x128xf32, #tpu.memory_space<vmem>>, vector<48x128xf32>
      %add3A_465 = vector.broadcast %mul3A_426 : vector<1x128xf32> to vector<48x128xf32>
      %add3A_466 = arith.addf %add3A_465, %get3A_464 : vector<48x128xf32>
      %sub3A_467 = arith.subf %add3A_466, %mul3A_461 : vector<48x128xf32>
      %add3A_468 = arith.constant 9.99999971E-10 : f32
      %add3A_469 = vector.broadcast %add3A_468 : f32 to vector<48x128xf32>
      %add3A_470 = arith.addf %sub3A_467, %add3A_469 : vector<48x128xf32>
      %div3A = arith.divf %mul3A_461, %add3A_470 : vector<48x128xf32>
      %gt3A_471 = arith.constant 0.699999988 : f32
      %gt3A_472 = vector.broadcast %gt3A_471 : f32 to vector<48x128xf32>
      %gt3A_473 = arith.cmpf ogt, %div3A, %gt3A_472 : vector<48x128xf32>
      %jit3A = arith.constant -3.000000e+38 : f32
      %broadcast_in_dim3A = vector.broadcast %jit3A : f32 to vector<48x128xf32>
      %select_n3A_474 = arith.select %gt3A_473, %broadcast_in_dim3A, %get3A_43 : vector<48x128xi1>, vector<48x128xf32>
      %swap3A_475 = arith.constant 0 : index
      %swap3A_476 = arith.constant 0 : index
      %swap3A_477 = vector.load %arg7[%swap3A_475, %swap3A_476] : memref<48x128xf32, #tpu.memory_space<vmem>>, vector<48x128xf32>
      tpu.vector_store %arg7[%swap3A_475, %swap3A_476], %select_n3A_474 {strides = array<i32>} : memref<48x128xf32, #tpu.memory_space<vmem>>, vector<48x128xf32>,
      %slice3A_478 = vector.extract_strided_slice %gt3A_423 {offsets = [0, 0], sizes = [1, 8], strides = [1, 1]} : vector<1x128xi1> to vector<1x8xi1>
      %eq3A_479 = arith.constant 0 : i32
      %eq3A_480 = vector.broadcast %eq3A_479 : i32 to vector<1x8xi32>
      %eq3A_481 = arith.cmpi eq, %iota3A_35, %eq3A_480 : vector<1x8xi32>
      %and3A_482 = arith.andi %eq3A_481, %slice3A_478 : vector<1x8xi1>
      %slice3A_483 = vector.extract_strided_slice %get3A_411 {offsets = [0, 0], sizes = [1, 8], strides = [1, 1]} : vector<1x128xf32> to vector<1x8xf32>
      %jit3A_484 = arith.constant 0.000000e+00 : f32
      %broadcast_in_dim3A_485 = vector.broadcast %jit3A_484 : f32 to vector<1x8xf32>
      %select_n3A_486 = arith.select %and3A_482, %slice3A_483, %broadcast_in_dim3A_485 : vector<1x8xi1>, vector<1x8xf32>
      %eq3A_487 = arith.constant 1 : i32
      %eq3A_488 = vector.broadcast %eq3A_487 : i32 to vector<1x8xi32>
      %eq3A_489 = arith.cmpi eq, %iota3A_35, %eq3A_488 : vector<1x8xi32>
      %and3A_490 = arith.andi %eq3A_489, %slice3A_478 : vector<1x8xi1>
      %slice3A_491 = vector.extract_strided_slice %get3A_414 {offsets = [0, 0], sizes = [1, 8], strides = [1, 1]} : vector<1x128xf32> to vector<1x8xf32>
      %jit3A_492 = arith.constant 0.000000e+00 : f32
      %broadcast_in_dim3A_493 = vector.broadcast %jit3A_492 : f32 to vector<1x8xf32>
      %select_n3A_494 = arith.select %and3A_490, %slice3A_491, %broadcast_in_dim3A_493 : vector<1x8xi1>, vector<1x8xf32>
      %add3A_495 = arith.addf %select_n3A_486, %select_n3A_494 : vector<1x8xf32>
      %eq3A_496 = arith.constant 2 : i32
      %eq3A_497 = vector.broadcast %eq3A_496 : i32 to vector<1x8xi32>
      %eq3A_498 = arith.cmpi eq, %iota3A_35, %eq3A_497 : vector<1x8xi32>
      %and3A_499 = arith.andi %eq3A_498, %slice3A_478 : vector<1x8xi1>
      %slice3A_500 = vector.extract_strided_slice %get3A_417 {offsets = [0, 0], sizes = [1, 8], strides = [1, 1]} : vector<1x128xf32> to vector<1x8xf32>
      %jit3A_501 = arith.constant 0.000000e+00 : f32
      %broadcast_in_dim3A_502 = vector.broadcast %jit3A_501 : f32 to vector<1x8xf32>
      %select_n3A_503 = arith.select %and3A_499, %slice3A_500, %broadcast_in_dim3A_502 : vector<1x8xi1>, vector<1x8xf32>
      %add3A_504 = arith.addf %add3A_495, %select_n3A_503 : vector<1x8xf32>
      %eq3A_505 = arith.constant 3 : i32
      %eq3A_506 = vector.broadcast %eq3A_505 : i32 to vector<1x8xi32>
      %eq3A_507 = arith.cmpi eq, %iota3A_35, %eq3A_506 : vector<1x8xi32>
      %and3A_508 = arith.andi %eq3A_507, %slice3A_478 : vector<1x8xi1>
      %slice3A_509 = vector.extract_strided_slice %get3A_420 {offsets = [0, 0], sizes = [1, 8], strides = [1, 1]} : vector<1x128xf32> to vector<1x8xf32>
      %jit3A_510 = arith.constant 0.000000e+00 : f32
      %broadcast_in_dim3A_511 = vector.broadcast %jit3A_510 : f32 to vector<1x8xf32>
      %select_n3A_512 = arith.select %and3A_508, %slice3A_509, %broadcast_in_dim3A_511 : vector<1x8xi1>, vector<1x8xf32>
      %add3A_513 = arith.addf %add3A_504, %select_n3A_512 : vector<1x8xf32>
      %eq3A_514 = arith.constant 4 : i32
      %eq3A_515 = vector.broadcast %eq3A_514 : i32 to vector<1x8xi32>
      %eq3A_516 = arith.cmpi eq, %iota3A_35, %eq3A_515 : vector<1x8xi32>
      %and3A_517 = arith.andi %eq3A_516, %slice3A_478 : vector<1x8xi1>
      %slice3A_518 = vector.extract_strided_slice %slice3A_405 {offsets = [0, 0], sizes = [1, 8], strides = [1, 1]} : vector<1x128xf32> to vector<1x8xf32>
      %jit3A_519 = arith.constant 0.000000e+00 : f32
      %broadcast_in_dim3A_520 = vector.broadcast %jit3A_519 : f32 to vector<1x8xf32>
      %select_n3A_521 = arith.select %and3A_517, %slice3A_518, %broadcast_in_dim3A_520 : vector<1x8xi1>, vector<1x8xf32>
      %add3A_522 = arith.addf %add3A_513, %select_n3A_521 : vector<1x8xf32>
      %swap3A_523 = arith.index_cast %scan3A_40 : i32 to index
      %swap3A_524 = arith.constant 0 : index
      %swap3A_525 = vector.load %arg6[%swap3A_523, %swap3A_524] : memref<1024x8xf32, #tpu.memory_space<vmem>>, vector<1x8xf32>
      tpu.vector_store %arg6[%swap3A_523, %swap3A_524], %add3A_522 {strides = array<i32>} : memref<1024x8xf32, #tpu.memory_space<vmem>>, vector<1x8xf32>,
    }
    %scan3A_39 = arith.constant 1000 : i32
    return
  }
}

</mosaic_0001>

<sc_bundles>
// kernel: kernel.5.cloned.1.call-start
scs
__scs_entry_jumppad:
0x0: {  	(pc) =	sbr.rel $0x88, $3  }
0x1: {  	(tag) =	ssettag $0x0;
	lr =	simm.s32 $0x1  }
0x2: {  	[smem:$0x3F9F] =	sst lr;
	_ =	strace $0xD0000000  }
0x3: {  	_ = 	snop  }
0x4: {  	_ = 	snop  }
0x5: {  	_ = 	snop  }
0x6: {  	_ = 	snop  }
0x7: {  	_ = 	snop  }
__scs_overlays_trampoline_lowered:
0x8: {  	[smem:$0x3FAE] =	sst s0  }
0x9: {  	[smem:$0x3FAF] =	sst s1  }
0xa: {  	[smem:$0x3FB0] =	sst s2  }
0xb: {  	[smem:$0x3FB1] =	sst s3  }
0xc: {  	[smem:$0x3FB2] =	sst s4  }
0xd: {  	[smem:$0x3FB3] =	sst s5  }
0xe: {  	[smem:$0x3FB4] =	sst s6  }
0xf: {  	[smem:$0x3FB5] =	sst s7  }
0x10: {  	[smem:$0x3FB6] =	sst s8  }
0x11: {  	[smem:$0x3FB7] =	sst s9;
	s0 =	simm.s32 @!p0 $0x0  }
0x12: {  	s1 =	sld [smem:$0x3F9D];
	s0 =	simm.s32 @p0 $0x1  }
0x13: {  	[smem:$0x3FB8] =	sst s0;
	s0 =	simm.s32 @!p1 $0x0  }
0x14: {  	s2 =	sld [smem:$0x3F9C];
	s0 =	simm.s32 @p1 $0x1  }
0x15: {  	[smem:$0x3FB9] =	sst s0;
	s0 =	simm.s32 @!p2 $0x0  }
0x16: {  	s3 =	sld [smem:$0x3FDB];
	s0 =	simm.s32 @p2 $0x1  }
0x17: {  	s4 =	simm.s32 $0x1BF5;
	[smem:$0x3FBB] =	sst s0  }
0x18: {  	s0 =	sld [smem:$0x3F9E];
	_ =	swait.ge [sflag:s4], $0x0  }
0x19: {  	s7 =	sld [smem:$0x3F9F]  }
0x1a: {  	s8 =	sadd.s32 $0xFFFFE003, lr  }
0x1b: {  	s9 =	sadd.s32 $0xFFFFFEF7, lr;
	s5 =	simm.s32 $0xFFFFFFFF;
	p2 =	slt.u32 s8, $0xFFFFF086  }
0x1c: {  	p1 =	slt.u32 s9, $0xF7A;
	s5 =	simm.s32 @!p2 $0x0  }
0x1d: {  	s5 =	simm.s32 @p1 $0x1;
	p0 =	seq.s32 s7, s2  }
0x1e: {  	s7 =	smul.u32 @!p0 $0xF7A, s2;
	p2 =	seq.s32 @!p0 s5, $0x0  }
0x1f: {  	s9 =	smul.u32 $0xF7A, s1;
	s8 =	simm.s32 @!p0 $0x1BF5;
	p2 =	por !p2, p0  }
0x20: {  	[sflag:s8] =	ssyncset.s32 @!p0 $0xFFFFF086;
	s6 =	sadd.s32 @!p0 s3, s7;
	s7 =	simm.s32 @!p0 $0x108  }
0x21: {  	s3 =	sadd.s32 s3, s9;
	s6 =	sadd.s32 @!p0 $0x88, s6;
	s7 =	simm.s32 @p2 $0x1082  }
0x22: {  	[simem:s7], [sflag:s8] =	dma.local @!p0 [hbm:s6], $0xF7A  }
0x23: {  	s9 =	sor.u32 $0xD0000000, s2;
	s6 =	simm.s32 $0x108;
	_ =	swait.ge @!p0 [sflag:s8], $0x0  }
0x24: {  	s3 =	sadd.s32 $0x88, s3;
	s6 =	simm.s32 @!p1 $0x1082;
	[sflag:s4] =	ssyncset.s32 $0xFFFFF086  }
0x25: {  	[simem:s6], [sflag:s4] =	dma.local [hbm:s3], $0xF7A  }
0x26: {  	[smem:$0x3F9F] =	sst s1;
	(tag) =	ssettag s2;
	_ =	strace s9  }
0x27: {  	s1 =	sld [smem:$0x3FAF]  }
0x28: {  	s2 =	sld [smem:$0x3FB0]  }
0x29: {  	s4 =	sld [smem:$0x3FB2]  }
0x2a: {  	p0 =	seq.s32 s5, $0x0;
	s5 =	sld [smem:$0x3FB3]  }
0x2b: {  	s6 =	sld [smem:$0x3FB4]  }
0x2c: {  	s7 =	sld [smem:$0x3FB5]  }
0x2d: {  	s3 =	simm.s32 $0x108;
	s8 =	sld [smem:$0x3FB6]  }
0x2e: {  	s3 =	simm.s32 @!p0 $0x1082;
	s9 =	sld [smem:$0x3FB7]  }
0x2f: {  	lr =	sadd.s32 s0, s3;
	s0 =	sld [smem:$0x3FAE]  }
0x30: {  	s3 =	sld [smem:$0x3FB1]  }
0x31: {  	[smem:$0x3FBA] =	sst s10  }
0x32: {  	s10 =	sld [smem:$0x3FB8];
	_ =	sdelay $0x3  }
0x33: {  	p0 =	seq.s32 s10, $0x1;
	s10 =	sld [smem:$0x3FBA];
	_ =	sdelay $0x3  }
0x34: {  	[smem:$0x3FBA] =	sst s10  }
0x35: {  	s10 =	sld [smem:$0x3FB9];
	_ =	sdelay $0x3  }
0x36: {  	p1 =	seq.s32 s10, $0x1;
	s10 =	sld [smem:$0x3FBA];
	_ =	sdelay $0x3  }
0x37: {  	[smem:$0x3FBA] =	sst s10  }
0x38: {  	s10 =	sld [smem:$0x3FBB]  }
0x39: {  	_ = 	snop;
	(pc) =	sbr.ind lr, $3  }
0x3a: {  	_ = 	snop  }
0x3b: {  	_ = 	snop  }
0x3c: {  	p2 =	seq.s32 s10, $0x1;
	s10 =	sld [smem:$0x3FBA]  }
0x3d: {  	_ =	shalt  }
0x3e: {  	_ =	shalt  }
0x3f: {  	_ =	shalt  }
0x40: {  	_ =	shalt  }
0x41: {  	_ =	shalt  }
0x42: {  	_ =	shalt  }
0x43: {  	_ =	shalt  }
0x44: {  	_ =	shalt  }
0x45: {  	_ =	shalt  }
0x46: {  	_ =	shalt  }
0x47: {  	_ =	shalt  }
0x48: {  	_ =	shalt  }
0x49: {  	_ =	shalt  }
0x4a: {  	_ =	shalt  }
0x4b: {  	_ =	shalt  }
0x4c: {  	_ =	shalt  }
0x4d: {  	_ =	shalt  }
0x4e: {  	_ =	shalt  }
0x4f: {  	_ =	shalt  }
0x50: {  	_ =	shalt  }
0x51: {  	_ =	shalt  }
0x52: {  	_ =	shalt  }
0x53: {  	_ =	shalt  }
0x54: {  	_ =	shalt  }
0x55: {  	_ =	shalt  }
0x56: {  	_ =	shalt  }
0x57: {  	_ =	shalt  }
0x58: {  	_ =	shalt  }
0x59: {  	_ =	shalt  }
0x5a: {  	_ =	shalt  }
0x5b: {  	_ =	shalt  }
0x5c: {  	_ =	shalt  }
0x5d: {  	_ =	shalt  }
0x5e: {  	_ =	shalt  }
0x5f: {  	_ =	shalt  }
0x60: {  	_ =	shalt  }
0x61: {  	_ =	shalt  }
0x62: {  	_ =	shalt  }
0x63: {  	_ =	shalt  }
0x64: {  	_ =	shalt  }
0x65: {  	_ =	shalt  }
0x66: {  	_ =	shalt  }
0x67: {  	_ =	shalt  }
0x68: {  	_ =	shalt  }
0x69: {  	_ =	shalt  }
0x6a: {  	_ =	shalt  }
0x6b: {  	_ =	shalt  }
0x6c: {  	_ =	shalt  }
0x6d: {  	_ =	shalt  }
0x6e: {  	_ =	shalt  }
0x6f: {  	_ =	shalt  }
0x70: {  	_ =	shalt  }
0x71: {  	_ =	shalt  }
0x72: {  	_ =	shalt  }
0x73: {  	_ =	shalt  }
0x74: {  	_ =	shalt  }
0x75: {  	_ =	shalt  }
0x76: {  	_ =	shalt  }
0x77: {  	_ =	shalt  }
0x78: {  	_ =	shalt  }
0x79: {  	_ =	shalt  }
0x7a: {  	_ =	shalt  }
0x7b: {  	_ =	shalt  }
0x7c: {  	_ =	shalt  }
0x7d: {  	_ =	shalt  }
0x7e: {  	_ =	shalt  }
0x7f: {  	_ =	shalt  }
0x80: {  	_ =	shalt  }
0x81: {  	_ =	shalt  }
0x82: {  	_ =	shalt  }
0x83: {  	_ =	shalt  }
0x84: {  	_ =	shalt  }
0x85: {  	_ =	shalt  }
0x86: {  	_ =	shalt  }
0x87: {  	_ =	shalt  }
.Lfunc_end0:
.L_simem_size_0:
called_computation_lowered:
.L_overlay_start_0:
0x88: {  	s2 =	sld [smem:$0x3FD9]  }
0x89: {  	s3 =	sld [smem:$0x3FFE];
	_ =	sdelay $0x1  }
0x8a: {  	s1 =	srdreg.scid  }
0x8b: {  	s0 =	sand.u32 $0x1, s1  }
0x8c: {  	s17 =	sshll.u32 s0, $0xA;
	s2 =	sadd.s32 s3, s2  }
0x8d: {  	s2 =	sadd.s32 s2, s17  }
0x8e: {  	[smem:$0x3FC6] =	sst s2  }
0x8f: {  	_ = 	snop  }
0x90: {  	s2 =	sld [smem:$0x3FD0];
	(tm) =	ssettm $0x1  }
0x91: {  	s18 =	sld [smem:$0x3FFB];
	_ =	sdelay $0x3  }
0x92: {  	_ =	strace s18  }
0x93: {  	s3 =	sld [smem:$0x3FFC];
	_ =	sdelay $0x3  }
0x94: {  	_ =	strace s3  }
0x95: {  	s3 =	sld [smem:$0x3FFD];
	_ =	sdelay $0x3  }
0x96: {  	_ =	strace s3  }
0x97: {  	_ =	strace $0x8FFFFFFF  }
0x98: {  	s19 =	sld [smem:$0x3FDB];
	_ =	sdelay $0x1  }
0x99: {  	s4 =	simm.s32 $_scs_section_size  }
0x9a: {  	s5 =	simm.s32 $_size__tile_overlayer_lowered;
	s6 =	simm.s32 $_tile_overlayer_lowered  }
0x9b: {  	s22 =	simm.s32 $0x1BFF;
	s21 =	sshll.u32 s6, $0x1;
	s3 =	sadd.s32 s4, s19  }
0x9c: {  	s7 =	simm.s32 $0x0;
	s20 =	sshll.u32 s5, $0x1;
	s5 =	sadd.s32 s21, s3  }
0x9d: {  	[timem:s7], [sflag:s22] =	dma.local [hbm:s5], s20  }
0x9e: {  	_ =	swait.ge [sflag:s22], s20  }
0x9f: {  	s4 =	ssub.s32 $0x0, s20;
	[sflag:s22] =	ssyncset.done $0x0  }
0xa0: {  	[sflag:s22] =	ssyncadd.s32 s4;
	_ =	sdelay $0x1  }
0xa1: {  	s23 =	simm.s32 $0x1B8B  }
0xa2: {  	_ =	swait.ge [sflag:s23], $0x1  }
0xa3: {  	[sflag:s23] =	ssyncset.done $0x0  }
0xa4: {  	s25 =	simm.s32 $0x1B8E;
	s24 =	sld [smem:$0x3FFE];
	[sflag:s23] =	ssyncadd.s32 $0xFFFFFFFF  }
0xa5: {  	s26 =	simm.s32 $execute0_lowered;
	[smem:$0x3FD2] =	sst s25  }
0xa6: {  	s5 =	sshll.u32 s26, $0x1;
	_ =	strace $0x80000046;
	[dreg:$0x1] =	wrdreg $0xFFFFFFFF  }
0xa7: {  	s28 =	simm.s32 $_size_execute0_lowered;
	s3 =	sadd.s32 s3, s5;
	[dreg:$0x0] =	wrdreg $0x0  }
0xa8: {  	s5 =	sshll.u32 s28, $0x1;
	[dreg:$0x2] =	wrdreg s3  }
0xa9: {  	[dreg:$0x3] =	wrdreg s5  }
0xaa: {  	[dreg:$0x4] =	wrdreg $0xC0  }
0xab: {  	_ =	task [dreg:s7], $0x5FFFF  }
0xac: {  	[dreg:$0x1] =	wrdreg $0xFFFFFFFF  }
0xad: {  	[dreg:$0x0] =	wrdreg $0x60  }
0xae: {  	[dreg:$0x2] =	wrdreg s24  }
0xaf: {  	[dreg:$0x3] =	wrdreg s2  }
0xb0: {  	[dreg:$0x4] =	wrdreg $0x9  }
0xb1: {  	_ =	task.clear_ibuf [dreg:s7], $0x5FFFF;
	_ =	strace $0x90000046  }
0xb2: {  	s29 =	simm.s32 $0x9;
	_ =	strace $0x80000048  }
0xb3: {  	_ =	swait.ge [sflag:s29], $0x1  }
0xb4: {  	[sflag:s29] =	ssyncadd.s32 $0xFFFFFFFF  }
0xb5: {  	_ =	strace $0x90000048  }
0xb6: {  	_ =	sfence  }
0xb7: {  	s30 =	sld [smem:$0x0];
	_ =	sdelay $0x2  }
0xb8: {  	s31 =	sshll.u32 s1, $0xD;
	s1 =	sshrl.u32 s1, $0x2  }
0xb9: {  	s3 =	sand.u32 $0x4000, s31;
	s1 =	sadd.s32 s1, s30  }
0xba: {  	s0 =	sor.u32 s3, s0;
	s1 =	sshll.u32 s1, $0x11  }
0xbb: {  	s0 =	sor.u32 s1, s0  }
0xbc: {  	s0 =	sadd.s32 $0x8F2B, s0  }
0xbd: {  	[sflag:s0] =	ssyncadd.remote.s32 $0x1  }
0xbe: {  	_ =	sfence.sel $0xFFFF  }
0xbf: {  	[dreg:$0x0] =	wrdreg $0xFFFFFFFF;
	(pc) =	sbr.abs _section_cstart, $3  }
0xc0: {  	[dreg:$0x1] =	wrdreg $0xFFFFFFFF  }
0xc1: {  	_ =	task.clear_ibuf [dreg:s7], $0x2FFFF;
	_ =	strace $0x9FFFFFFF  }
0xc2: {  	(tm) =	ssettm $0x7FFFFFFF  }
0xc3: {  	_ =	shalt  }
tec
execute0_lowered:
.L_overlay_start_1:
0x0: {  	(tag) =	ssettag $0x1  }
0x1: {  	s1 =	srdreg.scid  }
0x2: {  	s10 =	sand.u32 $0x1, s1;
	s1 =	stileid.u32  }
0x3: {  	s4 =	sor.u32 s1, s10  }
0x4: {  	p0 =	sne.s32 s4, $0x0  }
.Ltmp0:
0x5: {  	_ = 	snop;
	(pc) =	sbr.rel @p0 .LBB2_7-.Ltmp0, $4  }
0x6: {  	_ = 	snop  }
0x7: {  	s0 =	rddreg [dreg:$0x0];
	s3 =	simm.s32 $0x0  }
0x8: {  	[smem:$0x7FF] =	sst s3  }
0x9: {  	s2 =	rddreg [dreg:$0x1];
	_ =	strace $0x80000047  }
0xa: {  	s4 =	sadd.s32 $0x1200, s0  }
0xb: {  	s5 =	sadd.s32 $0x3A00, s0;
	s6 =	sadd.s32 $0x3000, s0;
	s7 =	sadd.s32 $0x2600, s0  }
0xc: {  	s8 =	sadd.s32 $0x1C00, s0;
	s9 =	sadd.s32 $0x4400, s0;
	s13 =	ssub.s32 $0x2, s10  }
0xd: {  	s10 =	sadd.s32 $0x4800, s0;
	s11 =	sadd.s32 $0x4C00, s0;
	s12 =	sadd.s32 $0x5000, s0  }
0xe: {  	s15 =	sadd.s32 $0x3F00, s0;
	s16 =	sadd.s32 $0x3500, s0;
	s17 =	sadd.s32 $0x2B00, s0  }
0xf: {  	s18 =	sadd.s32 $0x2100, s0;
	s19 =	simm.s32 $0x1;
	s20 =	simm.s32 $0x2800  }
0x10: {  	s21 =	simm.s32 $0x5000;
	s22 =	simm.s32 $0x7800;
	s23 =	simm.s32 $0xA000  }
0x11: {  	s24 =	simm.s32 $0xC800;
	s25 =	simm.s32 $0xE100;
	s26 =	simm.s32 $0xFA00  }
0x12: {  	s28 =	simm.s32 $0x11300;
	s29 =	simm.s32 $0x12C00;
	s14 =	sshrl.u32 s13, $0x1  }
0x13: {  	v0 =	vimm.f32 $-3.000000010e+38;
	v1 =	vimm.f32 $0.0e+00;
	s30 =	simm.s32 $0x0;
	s13 =	ssub.s32 s13, s14;
	s14 =	sadd.s32 $0x1700, s0  }
.LBB2_2:
0x14: {  	[tilespmem:$0xC800] =	vst v0  }
0x15: {  	[tilespmem:$0xC810] =	vst v0  }
0x16: {  	[tilespmem:$0xC820] =	vst v0  }
0x17: {  	[tilespmem:$0xC830] =	vst v0  }
0x18: {  	[tilespmem:$0xC840] =	vst v0  }
0x19: {  	[tilespmem:$0xC850] =	vst v0  }
0x1a: {  	[tilespmem:$0xC860] =	vst v0  }
0x1b: {  	[tilespmem:$0xC870] =	vst v0  }
0x1c: {  	[tilespmem:$0xC880] =	vst v0  }
0x1d: {  	[tilespmem:$0xC890] =	vst v0  }
0x1e: {  	[tilespmem:$0xC8A0] =	vst v0  }
0x1f: {  	[tilespmem:$0xC8B0] =	vst v0  }
0x20: {  	[tilespmem:$0xC8C0] =	vst v0  }
0x21: {  	[tilespmem:$0xC8D0] =	vst v0  }
0x22: {  	[tilespmem:$0xC8E0] =	vst v0  }
0x23: {  	[tilespmem:$0xC8F0] =	vst v0  }
0x24: {  	[tilespmem:$0xC900] =	vst v0  }
0x25: {  	[tilespmem:$0xC910] =	vst v0  }
0x26: {  	[tilespmem:$0xC920] =	vst v0  }
0x27: {  	[tilespmem:$0xC930] =	vst v0  }
0x28: {  	[tilespmem:$0xC940] =	vst v0  }
0x29: {  	[tilespmem:$0xC950] =	vst v0  }
0x2a: {  	[tilespmem:$0xC960] =	vst v0  }
0x2b: {  	[tilespmem:$0xC970] =	vst v0  }
0x2c: {  	[tilespmem:$0xC980] =	vst v0  }
0x2d: {  	[tilespmem:$0xC990] =	vst v0  }
0x2e: {  	[tilespmem:$0xC9A0] =	vst v0  }
0x2f: {  	[tilespmem:$0xC9B0] =	vst v0  }
0x30: {  	[tilespmem:$0xC9C0] =	vst v0  }
0x31: {  	[tilespmem:$0xC9D0] =	vst v0  }
0x32: {  	[tilespmem:$0xC9E0] =	vst v0  }
0x33: {  	[tilespmem:$0xC9F0] =	vst v0  }
0x34: {  	[tilespmem:$0xCA00] =	vst v0  }
0x35: {  	[tilespmem:$0xCA10] =	vst v0  }
0x36: {  	[tilespmem:$0xCA20] =	vst v0  }
0x37: {  	[tilespmem:$0xCA30] =	vst v0  }
0x38: {  	[tilespmem:$0xCA40] =	vst v0  }
0x39: {  	[tilespmem:$0xCA50] =	vst v0  }
0x3a: {  	[tilespmem:$0xCA60] =	vst v0  }
0x3b: {  	[tilespmem:$0xCA70] =	vst v0  }
0x3c: {  	[tilespmem:$0xCA80] =	vst v0  }
0x3d: {  	[tilespmem:$0xCA90] =	vst v0  }
0x3e: {  	[tilespmem:$0xCAA0] =	vst v0  }
0x3f: {  	[tilespmem:$0xCAB0] =	vst v0  }
0x40: {  	[tilespmem:$0xCAC0] =	vst v0  }
0x41: {  	[tilespmem:$0xCAD0] =	vst v0  }
0x42: {  	[tilespmem:$0xCAE0] =	vst v0  }
0x43: {  	[tilespmem:$0xCAF0] =	vst v0  }
0x44: {  	[tilespmem:$0xCB00] =	vst v0  }
0x45: {  	[tilespmem:$0xCB10] =	vst v0  }
0x46: {  	[tilespmem:$0xCB20] =	vst v0  }
0x47: {  	[tilespmem:$0xCB30] =	vst v0  }
0x48: {  	[tilespmem:$0xCB40] =	vst v0  }
0x49: {  	[tilespmem:$0xCB50] =	vst v0  }
0x4a: {  	[tilespmem:$0xCB60] =	vst v0  }
0x4b: {  	[tilespmem:$0xCB70] =	vst v0  }
0x4c: {  	[tilespmem:$0xCB80] =	vst v0  }
0x4d: {  	[tilespmem:$0xCB90] =	vst v0  }
0x4e: {  	[tilespmem:$0xCBA0] =	vst v0  }
0x4f: {  	[tilespmem:$0xCBB0] =	vst v0  }
0x50: {  	[tilespmem:$0xCBC0] =	vst v0  }
0x51: {  	[tilespmem:$0xCBD0] =	vst v0  }
0x52: {  	[tilespmem:$0xCBE0] =	vst v0  }
0x53: {  	[tilespmem:$0xCBF0] =	vst v0  }
0x54: {  	[tilespmem:$0xCC00] =	vst v0  }
0x55: {  	[tilespmem:$0xCC10] =	vst v0  }
0x56: {  	[tilespmem:$0xCC20] =	vst v0  }
0x57: {  	[tilespmem:$0xCC30] =	vst v0  }
0x58: {  	[tilespmem:$0xCC40] =	vst v0  }
0x59: {  	[tilespmem:$0xCC50] =	vst v0  }
0x5a: {  	[tilespmem:$0xCC60] =	vst v0  }
0x5b: {  	[tilespmem:$0xCC70] =	vst v0  }
0x5c: {  	[tilespmem:$0xCC80] =	vst v0  }
0x5d: {  	[tilespmem:$0xCC90] =	vst v0  }
0x5e: {  	[tilespmem:$0xCCA0] =	vst v0  }
0x5f: {  	[tilespmem:$0xCCB0] =	vst v0  }
0x60: {  	[tilespmem:$0xCCC0] =	vst v0  }
0x61: {  	[tilespmem:$0xCCD0] =	vst v0  }
0x62: {  	[tilespmem:$0xCCE0] =	vst v0  }
0x63: {  	[tilespmem:$0xCCF0] =	vst v0  }
0x64: {  	[tilespmem:$0xCD00] =	vst v0  }
0x65: {  	[tilespmem:$0xCD10] =	vst v0  }
0x66: {  	[tilespmem:$0xCD20] =	vst v0  }
0x67: {  	[tilespmem:$0xCD30] =	vst v0  }
0x68: {  	[tilespmem:$0xCD40] =	vst v0  }
0x69: {  	[tilespmem:$0xCD50] =	vst v0  }
0x6a: {  	[tilespmem:$0xCD60] =	vst v0  }
0x6b: {  	[tilespmem:$0xCD70] =	vst v0  }
0x6c: {  	[tilespmem:$0xCD80] =	vst v0  }
0x6d: {  	[tilespmem:$0xCD90] =	vst v0  }
0x6e: {  	[tilespmem:$0xCDA0] =	vst v0  }
0x6f: {  	[tilespmem:$0xCDB0] =	vst v0  }
0x70: {  	[tilespmem:$0xCDC0] =	vst v0  }
0x71: {  	[tilespmem:$0xCDD0] =	vst v0  }
0x72: {  	[tilespmem:$0xCDE0] =	vst v0  }
0x73: {  	[tilespmem:$0xCDF0] =	vst v0  }
0x74: {  	[tilespmem:$0xCE00] =	vst v0  }
0x75: {  	[tilespmem:$0xCE10] =	vst v0  }
0x76: {  	[tilespmem:$0xCE20] =	vst v0  }
0x77: {  	[tilespmem:$0xCE30] =	vst v0  }
0x78: {  	[tilespmem:$0xCE40] =	vst v0  }
0x79: {  	[tilespmem:$0xCE50] =	vst v0  }
0x7a: {  	[tilespmem:$0xCE60] =	vst v0  }
0x7b: {  	[tilespmem:$0xCE70] =	vst v0  }
0x7c: {  	[tilespmem:$0xCE80] =	vst v0  }
0x7d: {  	[tilespmem:$0xCE90] =	vst v0  }
0x7e: {  	[tilespmem:$0xCEA0] =	vst v0  }
0x7f: {  	[tilespmem:$0xCEB0] =	vst v0  }
0x80: {  	[tilespmem:$0xCEC0] =	vst v0  }
0x81: {  	[tilespmem:$0xCED0] =	vst v0  }
0x82: {  	[tilespmem:$0xCEE0] =	vst v0  }
0x83: {  	[tilespmem:$0xCEF0] =	vst v0  }
0x84: {  	[tilespmem:$0xCF00] =	vst v0  }
0x85: {  	[tilespmem:$0xCF10] =	vst v0  }
0x86: {  	[tilespmem:$0xCF20] =	vst v0  }
0x87: {  	[tilespmem:$0xCF30] =	vst v0  }
0x88: {  	[tilespmem:$0xCF40] =	vst v0  }
0x89: {  	[tilespmem:$0xCF50] =	vst v0  }
0x8a: {  	[tilespmem:$0xCF60] =	vst v0  }
0x8b: {  	[tilespmem:$0xCF70] =	vst v0  }
0x8c: {  	[tilespmem:$0xCF80] =	vst v0  }
0x8d: {  	[tilespmem:$0xCF90] =	vst v0  }
0x8e: {  	[tilespmem:$0xCFA0] =	vst v0  }
0x8f: {  	[tilespmem:$0xCFB0] =	vst v0  }
0x90: {  	[tilespmem:$0xCFC0] =	vst v0  }
0x91: {  	[tilespmem:$0xCFD0] =	vst v0  }
0x92: {  	[tilespmem:$0xCFE0] =	vst v0  }
0x93: {  	[tilespmem:$0xCFF0] =	vst v0  }
0x94: {  	[tilespmem:$0xD000] =	vst v0  }
0x95: {  	[tilespmem:$0xD010] =	vst v0  }
0x96: {  	[tilespmem:$0xD020] =	vst v0  }
0x97: {  	[tilespmem:$0xD030] =	vst v0  }
0x98: {  	[tilespmem:$0xD040] =	vst v0  }
0x99: {  	[tilespmem:$0xD050] =	vst v0  }
0x9a: {  	[tilespmem:$0xD060] =	vst v0  }
0x9b: {  	[tilespmem:$0xD070] =	vst v0  }
0x9c: {  	[tilespmem:$0xD080] =	vst v0  }
0x9d: {  	[tilespmem:$0xD090] =	vst v0  }
0x9e: {  	[tilespmem:$0xD0A0] =	vst v0  }
0x9f: {  	[tilespmem:$0xD0B0] =	vst v0  }
0xa0: {  	[tilespmem:$0xD0C0] =	vst v0  }
0xa1: {  	[tilespmem:$0xD0D0] =	vst v0  }
0xa2: {  	[tilespmem:$0xD0E0] =	vst v0  }
0xa3: {  	[tilespmem:$0xD0F0] =	vst v0  }
0xa4: {  	[tilespmem:$0xD100] =	vst v0  }
0xa5: {  	[tilespmem:$0xD110] =	vst v0  }
0xa6: {  	[tilespmem:$0xD120] =	vst v0  }
0xa7: {  	[tilespmem:$0xD130] =	vst v0  }
0xa8: {  	[tilespmem:$0xD140] =	vst v0  }
0xa9: {  	[tilespmem:$0xD150] =	vst v0  }
0xaa: {  	[tilespmem:$0xD160] =	vst v0  }
0xab: {  	[tilespmem:$0xD170] =	vst v0  }
0xac: {  	[tilespmem:$0xD180] =	vst v0  }
0xad: {  	[tilespmem:$0xD190] =	vst v0  }
0xae: {  	[tilespmem:$0xD1A0] =	vst v0  }
0xaf: {  	[tilespmem:$0xD1B0] =	vst v0  }
0xb0: {  	[tilespmem:$0xD1C0] =	vst v0  }
0xb1: {  	[tilespmem:$0xD1D0] =	vst v0  }
0xb2: {  	[tilespmem:$0xD1E0] =	vst v0  }
0xb3: {  	[tilespmem:$0xD1F0] =	vst v0  }
0xb4: {  	[tilespmem:$0xD200] =	vst v0  }
0xb5: {  	[tilespmem:$0xD210] =	vst v0  }
0xb6: {  	[tilespmem:$0xD220] =	vst v0  }
0xb7: {  	[tilespmem:$0xD230] =	vst v0  }
0xb8: {  	[tilespmem:$0xD240] =	vst v0  }
0xb9: {  	[tilespmem:$0xD250] =	vst v0  }
0xba: {  	[tilespmem:$0xD260] =	vst v0  }
0xbb: {  	[tilespmem:$0xD270] =	vst v0  }
0xbc: {  	[tilespmem:$0xD280] =	vst v0  }
0xbd: {  	[tilespmem:$0xD290] =	vst v0  }
0xbe: {  	[tilespmem:$0xD2A0] =	vst v0  }
0xbf: {  	[tilespmem:$0xD2B0] =	vst v0  }
0xc0: {  	[tilespmem:$0xD2C0] =	vst v0  }
0xc1: {  	[tilespmem:$0xD2D0] =	vst v0  }
0xc2: {  	[tilespmem:$0xD2E0] =	vst v0  }
0xc3: {  	[tilespmem:$0xD2F0] =	vst v0  }
0xc4: {  	[tilespmem:$0xD300] =	vst v0  }
0xc5: {  	[tilespmem:$0xD310] =	vst v0  }
0xc6: {  	[tilespmem:$0xD320] =	vst v0  }
0xc7: {  	[tilespmem:$0xD330] =	vst v0  }
0xc8: {  	[tilespmem:$0xD340] =	vst v0  }
0xc9: {  	[tilespmem:$0xD350] =	vst v0  }
0xca: {  	[tilespmem:$0xD360] =	vst v0  }
0xcb: {  	[tilespmem:$0xD370] =	vst v0  }
0xcc: {  	[tilespmem:$0xD380] =	vst v0  }
0xcd: {  	[tilespmem:$0xD390] =	vst v0  }
0xce: {  	[tilespmem:$0xD3A0] =	vst v0  }
0xcf: {  	[tilespmem:$0xD3B0] =	vst v0  }
0xd0: {  	[tilespmem:$0xD3C0] =	vst v0  }
0xd1: {  	[tilespmem:$0xD3D0] =	vst v0  }
0xd2: {  	[tilespmem:$0xD3E0] =	vst v0  }
0xd3: {  	[tilespmem:$0xD3F0] =	vst v0  }
0xd4: {  	[tilespmem:$0xD400] =	vst v0  }
0xd5: {  	[tilespmem:$0xD410] =	vst v0  }
0xd6: {  	[tilespmem:$0xD420] =	vst v0  }
0xd7: {  	[tilespmem:$0xD430] =	vst v0  }
0xd8: {  	[tilespmem:$0xD440] =	vst v0  }
0xd9: {  	[tilespmem:$0xD450] =	vst v0  }
0xda: {  	[tilespmem:$0xD460] =	vst v0  }
0xdb: {  	[tilespmem:$0xD470] =	vst v0  }
0xdc: {  	[tilespmem:$0xD480] =	vst v0  }
0xdd: {  	[tilespmem:$0xD490] =	vst v0  }
0xde: {  	[tilespmem:$0xD4A0] =	vst v0  }
0xdf: {  	[tilespmem:$0xD4B0] =	vst v0  }
0xe0: {  	[tilespmem:$0xD4C0] =	vst v0  }
0xe1: {  	[tilespmem:$0xD4D0] =	vst v0  }
0xe2: {  	[tilespmem:$0xD4E0] =	vst v0  }
0xe3: {  	[tilespmem:$0xD4F0] =	vst v0  }
0xe4: {  	[tilespmem:$0xD500] =	vst v0  }
0xe5: {  	[tilespmem:$0xD510] =	vst v0  }
0xe6: {  	[tilespmem:$0xD520] =	vst v0  }
0xe7: {  	[tilespmem:$0xD530] =	vst v0  }
0xe8: {  	[tilespmem:$0xD540] =	vst v0  }
0xe9: {  	[tilespmem:$0xD550] =	vst v0  }
0xea: {  	[tilespmem:$0xD560] =	vst v0  }
0xeb: {  	[tilespmem:$0xD570] =	vst v0  }
0xec: {  	[tilespmem:$0xD580] =	vst v0  }
0xed: {  	[tilespmem:$0xD590] =	vst v0  }
0xee: {  	[tilespmem:$0xD5A0] =	vst v0  }
0xef: {  	[tilespmem:$0xD5B0] =	vst v0  }
0xf0: {  	[tilespmem:$0xD5C0] =	vst v0  }
0xf1: {  	[tilespmem:$0xD5D0] =	vst v0  }
0xf2: {  	[tilespmem:$0xD5E0] =	vst v0  }
0xf3: {  	[tilespmem:$0xD5F0] =	vst v0  }
0xf4: {  	[tilespmem:$0xD600] =	vst v0  }
0xf5: {  	[tilespmem:$0xD610] =	vst v0  }
0xf6: {  	[tilespmem:$0xD620] =	vst v0  }
0xf7: {  	[tilespmem:$0xD630] =	vst v0  }
0xf8: {  	[tilespmem:$0xD640] =	vst v0  }
0xf9: {  	[tilespmem:$0xD650] =	vst v0  }
0xfa: {  	[tilespmem:$0xD660] =	vst v0  }
0xfb: {  	[tilespmem:$0xD670] =	vst v0  }
0xfc: {  	[tilespmem:$0xD680] =	vst v0  }
0xfd: {  	[tilespmem:$0xD690] =	vst v0  }
0xfe: {  	[tilespmem:$0xD6A0] =	vst v0  }
0xff: {  	[tilespmem:$0xD6B0] =	vst v0  }
0x100: {  	[tilespmem:$0xD6C0] =	vst v0  }
0x101: {  	[tilespmem:$0xD6D0] =	vst v0  }
0x102: {  	[tilespmem:$0xD6E0] =	vst v0  }
0x103: {  	[tilespmem:$0xD6F0] =	vst v0  }
0x104: {  	[tilespmem:$0xD700] =	vst v0  }
0x105: {  	[tilespmem:$0xD710] =	vst v0  }
0x106: {  	[tilespmem:$0xD720] =	vst v0  }
0x107: {  	[tilespmem:$0xD730] =	vst v0  }
0x108: {  	[tilespmem:$0xD740] =	vst v0  }
0x109: {  	[tilespmem:$0xD750] =	vst v0  }
0x10a: {  	[tilespmem:$0xD760] =	vst v0  }
0x10b: {  	[tilespmem:$0xD770] =	vst v0  }
0x10c: {  	[tilespmem:$0xD780] =	vst v0  }
0x10d: {  	[tilespmem:$0xD790] =	vst v0  }
0x10e: {  	[tilespmem:$0xD7A0] =	vst v0  }
0x10f: {  	[tilespmem:$0xD7B0] =	vst v0  }
0x110: {  	[tilespmem:$0xD7C0] =	vst v0  }
0x111: {  	[tilespmem:$0xD7D0] =	vst v0  }
0x112: {  	[tilespmem:$0xD7E0] =	vst v0  }
0x113: {  	[tilespmem:$0xD7F0] =	vst v0  }
0x114: {  	[tilespmem:$0xD800] =	vst v0  }
0x115: {  	[tilespmem:$0xD810] =	vst v0  }
0x116: {  	[tilespmem:$0xD820] =	vst v0  }
0x117: {  	[tilespmem:$0xD830] =	vst v0  }
0x118: {  	[tilespmem:$0xD840] =	vst v0  }
0x119: {  	[tilespmem:$0xD850] =	vst v0  }
0x11a: {  	[tilespmem:$0xD860] =	vst v0  }
0x11b: {  	[tilespmem:$0xD870] =	vst v0  }
0x11c: {  	[tilespmem:$0xD880] =	vst v0  }
0x11d: {  	[tilespmem:$0xD890] =	vst v0  }
0x11e: {  	[tilespmem:$0xD8A0] =	vst v0  }
0x11f: {  	[tilespmem:$0xD8B0] =	vst v0  }
0x120: {  	[tilespmem:$0xD8C0] =	vst v0  }
0x121: {  	[tilespmem:$0xD8D0] =	vst v0  }
0x122: {  	[tilespmem:$0xD8E0] =	vst v0  }
0x123: {  	[tilespmem:$0xD8F0] =	vst v0  }
0x124: {  	[tilespmem:$0xD900] =	vst v0  }
0x125: {  	[tilespmem:$0xD910] =	vst v0  }
0x126: {  	[tilespmem:$0xD920] =	vst v0  }
0x127: {  	[tilespmem:$0xD930] =	vst v0  }
0x128: {  	[tilespmem:$0xD940] =	vst v0  }
0x129: {  	[tilespmem:$0xD950] =	vst v0  }
0x12a: {  	[tilespmem:$0xD960] =	vst v0  }
0x12b: {  	[tilespmem:$0xD970] =	vst v0  }
0x12c: {  	[tilespmem:$0xD980] =	vst v0  }
0x12d: {  	[tilespmem:$0xD990] =	vst v0  }
0x12e: {  	[tilespmem:$0xD9A0] =	vst v0  }
0x12f: {  	[tilespmem:$0xD9B0] =	vst v0  }
0x130: {  	[tilespmem:$0xD9C0] =	vst v0  }
0x131: {  	[tilespmem:$0xD9D0] =	vst v0  }
0x132: {  	[tilespmem:$0xD9E0] =	vst v0  }
0x133: {  	[tilespmem:$0xD9F0] =	vst v0  }
0x134: {  	[tilespmem:$0xDA00] =	vst v0  }
0x135: {  	[tilespmem:$0xDA10] =	vst v0  }
0x136: {  	[tilespmem:$0xDA20] =	vst v0  }
0x137: {  	[tilespmem:$0xDA30] =	vst v0  }
0x138: {  	[tilespmem:$0xDA40] =	vst v0  }
0x139: {  	[tilespmem:$0xDA50] =	vst v0  }
0x13a: {  	[tilespmem:$0xDA60] =	vst v0  }
0x13b: {  	[tilespmem:$0xDA70] =	vst v0  }
0x13c: {  	[tilespmem:$0xDA80] =	vst v0  }
0x13d: {  	[tilespmem:$0xDA90] =	vst v0  }
0x13e: {  	[tilespmem:$0xDAA0] =	vst v0  }
0x13f: {  	[tilespmem:$0xDAB0] =	vst v0  }
0x140: {  	[tilespmem:$0xDAC0] =	vst v0  }
0x141: {  	[tilespmem:$0xDAD0] =	vst v0  }
0x142: {  	[tilespmem:$0xDAE0] =	vst v0  }
0x143: {  	[tilespmem:$0xDAF0] =	vst v0  }
0x144: {  	[tilespmem:$0xDB00] =	vst v0  }
0x145: {  	[tilespmem:$0xDB10] =	vst v0  }
0x146: {  	[tilespmem:$0xDB20] =	vst v0  }
0x147: {  	[tilespmem:$0xDB30] =	vst v0  }
0x148: {  	[tilespmem:$0xDB40] =	vst v0  }
0x149: {  	[tilespmem:$0xDB50] =	vst v0  }
0x14a: {  	[tilespmem:$0xDB60] =	vst v0  }
0x14b: {  	[tilespmem:$0xDB70] =	vst v0  }
0x14c: {  	[tilespmem:$0xDB80] =	vst v0  }
0x14d: {  	[tilespmem:$0xDB90] =	vst v0  }
0x14e: {  	[tilespmem:$0xDBA0] =	vst v0  }
0x14f: {  	[tilespmem:$0xDBB0] =	vst v0  }
0x150: {  	[tilespmem:$0xDBC0] =	vst v0  }
0x151: {  	[tilespmem:$0xDBD0] =	vst v0  }
0x152: {  	[tilespmem:$0xDBE0] =	vst v0  }
0x153: {  	[tilespmem:$0xDBF0] =	vst v0  }
0x154: {  	[tilespmem:$0xDC00] =	vst v0  }
0x155: {  	[tilespmem:$0xDC10] =	vst v0  }
0x156: {  	[tilespmem:$0xDC20] =	vst v0  }
0x157: {  	[tilespmem:$0xDC30] =	vst v0  }
0x158: {  	[tilespmem:$0xDC40] =	vst v0  }
0x159: {  	[tilespmem:$0xDC50] =	vst v0  }
0x15a: {  	[tilespmem:$0xDC60] =	vst v0  }
0x15b: {  	[tilespmem:$0xDC70] =	vst v0  }
0x15c: {  	[tilespmem:$0xDC80] =	vst v0  }
0x15d: {  	[tilespmem:$0xDC90] =	vst v0  }
0x15e: {  	[tilespmem:$0xDCA0] =	vst v0  }
0x15f: {  	[tilespmem:$0xDCB0] =	vst v0  }
0x160: {  	[tilespmem:$0xDCC0] =	vst v0  }
0x161: {  	[tilespmem:$0xDCD0] =	vst v0  }
0x162: {  	[tilespmem:$0xDCE0] =	vst v0  }
0x163: {  	[tilespmem:$0xDCF0] =	vst v0  }
0x164: {  	[tilespmem:$0xDD00] =	vst v0  }
0x165: {  	[tilespmem:$0xDD10] =	vst v0  }
0x166: {  	[tilespmem:$0xDD20] =	vst v0  }
0x167: {  	[tilespmem:$0xDD30] =	vst v0  }
0x168: {  	[tilespmem:$0xDD40] =	vst v0  }
0x169: {  	[tilespmem:$0xDD50] =	vst v0  }
0x16a: {  	[tilespmem:$0xDD60] =	vst v0  }
0x16b: {  	[tilespmem:$0xDD70] =	vst v0  }
0x16c: {  	[tilespmem:$0xDD80] =	vst v0  }
0x16d: {  	[tilespmem:$0xDD90] =	vst v0  }
0x16e: {  	[tilespmem:$0xDDA0] =	vst v0  }
0x16f: {  	[tilespmem:$0xDDB0] =	vst v0  }
0x170: {  	[tilespmem:$0xDDC0] =	vst v0  }
0x171: {  	[tilespmem:$0xDDD0] =	vst v0  }
0x172: {  	[tilespmem:$0xDDE0] =	vst v0  }
0x173: {  	[tilespmem:$0xDDF0] =	vst v0  }
0x174: {  	[tilespmem:$0xDE00] =	vst v0  }
0x175: {  	[tilespmem:$0xDE10] =	vst v0  }
0x176: {  	[tilespmem:$0xDE20] =	vst v0  }
0x177: {  	[tilespmem:$0xDE30] =	vst v0  }
0x178: {  	[tilespmem:$0xDE40] =	vst v0  }
0x179: {  	[tilespmem:$0xDE50] =	vst v0  }
0x17a: {  	[tilespmem:$0xDE60] =	vst v0  }
0x17b: {  	[tilespmem:$0xDE70] =	vst v0  }
0x17c: {  	[tilespmem:$0xDE80] =	vst v0  }
0x17d: {  	[tilespmem:$0xDE90] =	vst v0  }
0x17e: {  	[tilespmem:$0xDEA0] =	vst v0  }
0x17f: {  	[tilespmem:$0xDEB0] =	vst v0  }
0x180: {  	[tilespmem:$0xDEC0] =	vst v0  }
0x181: {  	[tilespmem:$0xDED0] =	vst v0  }
0x182: {  	[tilespmem:$0xDEE0] =	vst v0  }
0x183: {  	[tilespmem:$0xDEF0] =	vst v0  }
0x184: {  	[tilespmem:$0xDF00] =	vst v0  }
0x185: {  	[tilespmem:$0xDF10] =	vst v0  }
0x186: {  	[tilespmem:$0xDF20] =	vst v0  }
0x187: {  	[tilespmem:$0xDF30] =	vst v0  }
0x188: {  	[tilespmem:$0xDF40] =	vst v0  }
0x189: {  	[tilespmem:$0xDF50] =	vst v0  }
0x18a: {  	[tilespmem:$0xDF60] =	vst v0  }
0x18b: {  	[tilespmem:$0xDF70] =	vst v0  }
0x18c: {  	[tilespmem:$0xDF80] =	vst v0  }
0x18d: {  	[tilespmem:$0xDF90] =	vst v0  }
0x18e: {  	[tilespmem:$0xDFA0] =	vst v0  }
0x18f: {  	[tilespmem:$0xDFB0] =	vst v0  }
0x190: {  	[tilespmem:$0xDFC0] =	vst v0  }
0x191: {  	[tilespmem:$0xDFD0] =	vst v0  }
0x192: {  	[tilespmem:$0xDFE0] =	vst v0  }
0x193: {  	[tilespmem:$0xDFF0] =	vst v0  }
0x194: {  	[tilespmem:$0xE000] =	vst v0  }
0x195: {  	[tilespmem:$0xE010] =	vst v0  }
0x196: {  	[tilespmem:$0xE020] =	vst v0  }
0x197: {  	[tilespmem:$0xE030] =	vst v0  }
0x198: {  	[tilespmem:$0xE040] =	vst v0  }
0x199: {  	[tilespmem:$0xE050] =	vst v0  }
0x19a: {  	[tilespmem:$0xE060] =	vst v0  }
0x19b: {  	[tilespmem:$0xE070] =	vst v0  }
0x19c: {  	[tilespmem:$0xE080] =	vst v0  }
0x19d: {  	[tilespmem:$0xE090] =	vst v0  }
0x19e: {  	[tilespmem:$0xE0A0] =	vst v0  }
0x19f: {  	[tilespmem:$0xE0B0] =	vst v0  }
0x1a0: {  	[tilespmem:$0xE0C0] =	vst v0  }
0x1a1: {  	[tilespmem:$0xE0D0] =	vst v0  }
0x1a2: {  	[tilespmem:$0xE0E0] =	vst v0  }
0x1a3: {  	[tilespmem:$0xE0F0] =	vst v0;
	s0 =	simm.s32 $0x0  }
0x1a4: {  	[tilespmem:s0], [sflag:$0x1] =	stream.linear.gather [hbm4b:s4+s0], $0x2800, $0x38;
	[tilespmem:$0x14500] =	vst v63  }
0x1a5: {  	_ =	swait.ge [sflag:s19], $0x2800  }
0x1a6: {  	[sflag:s19] =	ssyncset.done $0x0  }
0x1a7: {  	[sflag:s19] =	ssyncadd.s32 $0xFFFFD800  }
0x1a8: {  	[tilespmem:s20], [sflag:$0x1] =	stream.linear.gather [hbm4b:s5+s0], $0x2800, $0x38;
	[tilespmem:$0x14500] =	vst v63  }
0x1a9: {  	_ =	swait.ge [sflag:s19], $0x2800  }
0x1aa: {  	[sflag:s19] =	ssyncset.done $0x0  }
0x1ab: {  	[sflag:s19] =	ssyncadd.s32 $0xFFFFD800  }
0x1ac: {  	[tilespmem:s21], [sflag:$0x1] =	stream.linear.gather [hbm4b:s6+s0], $0x2800, $0x38;
	[tilespmem:$0x14500] =	vst v63  }
0x1ad: {  	_ =	swait.ge [sflag:s19], $0x2800  }
0x1ae: {  	[sflag:s19] =	ssyncset.done $0x0  }
0x1af: {  	[sflag:s19] =	ssyncadd.s32 $0xFFFFD800  }
0x1b0: {  	[tilespmem:s22], [sflag:$0x1] =	stream.linear.gather [hbm4b:s7+s0], $0x2800, $0x38;
	[tilespmem:$0x14500] =	vst v63  }
0x1b1: {  	_ =	swait.ge [sflag:s19], $0x2800  }
0x1b2: {  	[sflag:s19] =	ssyncset.done $0x0  }
0x1b3: {  	[sflag:s19] =	ssyncadd.s32 $0xFFFFD800  }
0x1b4: {  	[tilespmem:s23], [sflag:$0x1] =	stream.linear.gather [hbm4b:s8+s0], $0x2800, $0x38;
	[tilespmem:$0x14500] =	vst v63  }
0x1b5: {  	_ =	swait.ge [sflag:s19], $0x2800  }
0x1b6: {  	[sflag:s19] =	ssyncset.done $0x0  }
0x1b7: {  	v2 =	vimm.s32 $0x0;
	s31 =	simm.s32 $0x0;
	v3 =	vimm.s32 $0x0;
	s0 =	simm.s32 $0x40;
	[sflag:s19] =	ssyncadd.s32 $0xFFFFD800  }
.LBB2_3:
0x1b8: {  	p0 =	sne.s32 s0, $0x9FC0;
	v4 =	vld [tilespmem:s31+$0x0];
	_ =	sdelay $0x4  }
0x1b9: {  	vm0 =	vgt.f32 v4, $0.0e+00  }
0x1ba: {  	v5 =	vsel vm0, $0x3F800000, v1;
	v6 =	vmpcnt.ones.xlane vm0  }
0x1bb: {  	(xrf2) =	vadd.scan.msk.f32 $0xffff, v5  }
0x1bc: {  	v2 =	vadd.s32 v2, v6;
	_ =	sdelay $0x8  }
0x1bd: {  	v6, _, _ =	vpop (xrf2)  }
0x1be: {  	v5 =	vsub.f32 v6, v5;
	_ =	sdelay $0x1  }
0x1bf: {  	v5 =	vtrunc.f32 v5  }
0x1c0: {  	v5 =	vcvt.f32.s32 v5;
	_ =	sdelay $0x1  }
0x1c1: {  	v5 =	vadd.s32 v5, v3;
	v3 =	vmov v2;
	_ =	sdelay $0x4  }
0x1c2: {  	[tilespmem:v5+s24+$0x0] =	vst.idx.msk vm0, v4  }
0x1c3: {  	v4 =	vld [tilespmem:s31+$0x2800];
	_ =	sdelay $0x4  }
0x1c4: {  	[tilespmem:v5+s25+$0x0] =	vst.idx.msk vm0, v4  }
0x1c5: {  	v4 =	vld [tilespmem:s31+$0x5000];
	_ =	sdelay $0x4  }
0x1c6: {  	[tilespmem:v5+s26+$0x0] =	vst.idx.msk vm0, v4  }
0x1c7: {  	v4 =	vld [tilespmem:s31+$0x7800];
	_ =	sdelay $0x4  }
0x1c8: {  	[tilespmem:v5+s28+$0x0] =	vst.idx.msk vm0, v4  }
0x1c9: {  	v4 =	vld [tilespmem:s31+$0xA000]  }
.Ltmp1:
0x1ca: {  	(pc) =	sbr.rel @p0 .LBB2_3-.Ltmp1, $2  }
0x1cb: {  	_ =	sdelay $0x2  }
0x1cc: {  	s31 =	sshra.s32 s0, $0x2;
	s0 =	sadd.s32 $0x40, s0;
	[tilespmem:v5+s29+$0x0] =	vst.idx.msk vm0, v4  }
0x1cd: {  	v4 =	vld [tilespmem:s31+$0x0];
	_ =	sdelay $0x4  }
0x1ce: {  	vm0 =	vgt.f32 v4, $0.0e+00  }
0x1cf: {  	v5 =	vsel vm0, $0x3F800000, v1  }
0x1d0: {  	(xrf2) =	vadd.scan.msk.f32 $0xffff, v5;
	_ =	sdelay $0x9  }
0x1d1: {  	v6, _, _ =	vpop (xrf2)  }
0x1d2: {  	v5 =	vsub.f32 v6, v5;
	_ =	sdelay $0x1  }
0x1d3: {  	v5 =	vtrunc.f32 v5  }
0x1d4: {  	v5 =	vcvt.f32.s32 v5;
	_ =	sdelay $0x1  }
0x1d5: {  	v3 =	vadd.s32 v5, v3;
	_ =	sdelay $0x4  }
0x1d6: {  	[tilespmem:v3+s24+$0x0] =	vst.idx.msk vm0, v4  }
0x1d7: {  	v4 =	vld [tilespmem:s31+$0x2800];
	_ =	sdelay $0x4  }
0x1d8: {  	[tilespmem:v3+s25+$0x0] =	vst.idx.msk vm0, v4  }
0x1d9: {  	v4 =	vld [tilespmem:s31+$0x5000];
	_ =	sdelay $0x4  }
0x1da: {  	[tilespmem:v3+s26+$0x0] =	vst.idx.msk vm0, v4  }
0x1db: {  	v4 =	vld [tilespmem:s31+$0x7800];
	_ =	sdelay $0x4  }
0x1dc: {  	[tilespmem:v3+s28+$0x0] =	vst.idx.msk vm0, v4  }
0x1dd: {  	v4 =	vld [tilespmem:s31+$0xA000];
	_ =	sdelay $0x4  }
0x1de: {  	s0 =	simm.s32 $0x0;
	[tilespmem:v3+s29+$0x0] =	vst.idx.msk vm0, v4  }
0x1df: {  	[tilespmem:s0], [sflag:$0x1] =	stream.linear.gather [hbm4b:s14+s0], $0x2800, $0x38;
	[tilespmem:$0x14500] =	vst v63  }
0x1e0: {  	_ =	swait.ge [sflag:s19], $0x2800  }
0x1e1: {  	[sflag:s19] =	ssyncset.done $0x0  }
0x1e2: {  	[sflag:s19] =	ssyncadd.s32 $0xFFFFD800  }
0x1e3: {  	[tilespmem:s20], [sflag:$0x1] =	stream.linear.gather [hbm4b:s15+s0], $0x2800, $0x38;
	[tilespmem:$0x14500] =	vst v63  }
0x1e4: {  	_ =	swait.ge [sflag:s19], $0x2800  }
0x1e5: {  	[sflag:s19] =	ssyncset.done $0x0  }
0x1e6: {  	[sflag:s19] =	ssyncadd.s32 $0xFFFFD800  }
0x1e7: {  	[tilespmem:s21], [sflag:$0x1] =	stream.linear.gather [hbm4b:s16+s0], $0x2800, $0x38;
	[tilespmem:$0x14500] =	vst v63  }
0x1e8: {  	_ =	swait.ge [sflag:s19], $0x2800  }
0x1e9: {  	[sflag:s19] =	ssyncset.done $0x0  }
0x1ea: {  	[sflag:s19] =	ssyncadd.s32 $0xFFFFD800  }
0x1eb: {  	[tilespmem:s22], [sflag:$0x1] =	stream.linear.gather [hbm4b:s17+s0], $0x2800, $0x38;
	[tilespmem:$0x14500] =	vst v63  }
0x1ec: {  	_ =	swait.ge [sflag:s19], $0x2800  }
0x1ed: {  	[sflag:s19] =	ssyncset.done $0x0  }
0x1ee: {  	[sflag:s19] =	ssyncadd.s32 $0xFFFFD800  }
0x1ef: {  	v3 =	vmpcnt.ones.xlane vm0;
	[tilespmem:s23], [sflag:$0x1] =	stream.linear.gather [hbm4b:s18+s0], $0x2800, $0x38;
	[tilespmem:$0x14500] =	vst v63  }
0x1f0: {  	_ =	swait.ge [sflag:s19], $0x2800  }
0x1f1: {  	v3 =	vadd.s32 v2, v3;
	[sflag:s19] =	ssyncset.done $0x0  }
0x1f2: {  	s31 =	simm.s32 $0x0;
	v2 =	vmov v3;
	s0 =	simm.s32 $0x40;
	[sflag:s19] =	ssyncadd.s32 $0xFFFFD800  }
.LBB2_5:
0x1f3: {  	p0 =	sne.s32 s0, $0x9FC0;
	v4 =	vld [tilespmem:s31+$0x0];
	_ =	sdelay $0x4  }
0x1f4: {  	vm0 =	vgt.f32 v4, $0.0e+00  }
0x1f5: {  	v5 =	vsel vm0, $0x3F800000, v1;
	v6 =	vmpcnt.ones.xlane vm0  }
0x1f6: {  	(xrf2) =	vadd.scan.msk.f32 $0xffff, v5  }
0x1f7: {  	v3 =	vadd.s32 v3, v6;
	_ =	sdelay $0x8  }
0x1f8: {  	v6, _, _ =	vpop (xrf2)  }
0x1f9: {  	v5 =	vsub.f32 v6, v5;
	_ =	sdelay $0x1  }
0x1fa: {  	v5 =	vtrunc.f32 v5  }
0x1fb: {  	v5 =	vcvt.f32.s32 v5;
	_ =	sdelay $0x1  }
0x1fc: {  	v5 =	vadd.s32 v5, v2;
	v2 =	vmov v3;
	_ =	sdelay $0x4  }
0x1fd: {  	[tilespmem:v5+s24+$0x0] =	vst.idx.msk vm0, v4  }
0x1fe: {  	v4 =	vld [tilespmem:s31+$0x2800];
	_ =	sdelay $0x4  }
0x1ff: {  	[tilespmem:v5+s25+$0x0] =	vst.idx.msk vm0, v4  }
0x200: {  	v4 =	vld [tilespmem:s31+$0x5000];
	_ =	sdelay $0x4  }
0x201: {  	[tilespmem:v5+s26+$0x0] =	vst.idx.msk vm0, v4  }
0x202: {  	v4 =	vld [tilespmem:s31+$0x7800];
	_ =	sdelay $0x4  }
0x203: {  	[tilespmem:v5+s28+$0x0] =	vst.idx.msk vm0, v4  }
0x204: {  	v4 =	vld [tilespmem:s31+$0xA000]  }
.Ltmp2:
0x205: {  	(pc) =	sbr.rel @p0 .LBB2_5-.Ltmp2, $2  }
0x206: {  	_ =	sdelay $0x2  }
0x207: {  	s31 =	sshra.s32 s0, $0x2;
	s0 =	sadd.s32 $0x40, s0;
	[tilespmem:v5+s29+$0x0] =	vst.idx.msk vm0, v4  }
0x208: {  	v3 =	vld [tilespmem:s31+$0x0];
	_ =	sdelay $0x4  }
0x209: {  	vm0 =	vgt.f32 v3, $0.0e+00  }
0x20a: {  	v4 =	vsel vm0, $0x3F800000, v1  }
0x20b: {  	(xrf2) =	vadd.scan.msk.f32 $0xffff, v4;
	_ =	sdelay $0x9  }
0x20c: {  	v5, _, _ =	vpop (xrf2)  }
0x20d: {  	v4 =	vsub.f32 v5, v4;
	_ =	sdelay $0x1  }
0x20e: {  	v4 =	vtrunc.f32 v4  }
0x20f: {  	v4 =	vcvt.f32.s32 v4;
	_ =	sdelay $0x1  }
0x210: {  	v2 =	vadd.s32 v4, v2;
	_ =	sdelay $0x4  }
0x211: {  	[tilespmem:v2+s24+$0x0] =	vst.idx.msk vm0, v3  }
0x212: {  	v3 =	vld [tilespmem:s31+$0x2800];
	_ =	sdelay $0x4  }
0x213: {  	[tilespmem:v2+s25+$0x0] =	vst.idx.msk vm0, v3  }
0x214: {  	v3 =	vld [tilespmem:s31+$0x5000];
	_ =	sdelay $0x4  }
0x215: {  	[tilespmem:v2+s26+$0x0] =	vst.idx.msk vm0, v3  }
0x216: {  	v3 =	vld [tilespmem:s31+$0x7800];
	_ =	sdelay $0x4  }
0x217: {  	[tilespmem:v2+s28+$0x0] =	vst.idx.msk vm0, v3  }
0x218: {  	v3 =	vld [tilespmem:s31+$0xA000];
	_ =	sdelay $0x4  }
0x219: {  	[tilespmem:v2+s29+$0x0] =	vst.idx.msk vm0, v3  }
0x21a: {  	[hbm4b:s2+s3] =	stream.linear.scatter [tilespmem:s24], [sflag:$0x1], $0x1900, $0x38;
	[tilespmem:$0x14500] =	vst v63  }
0x21b: {  	_ =	swait.ge [sflag:s19], $0x1900  }
0x21c: {  	[sflag:s19] =	ssyncset.done $0x0  }
0x21d: {  	[sflag:s19] =	ssyncadd.s32 $0xFFFFE700  }
0x21e: {  	[hbm4b:s9+s3] =	stream.linear.scatter [tilespmem:s25], [sflag:$0x1], $0x1900, $0x38;
	[tilespmem:$0x14500] =	vst v63  }
0x21f: {  	_ =	swait.ge [sflag:s19], $0x1900  }
0x220: {  	[sflag:s19] =	ssyncset.done $0x0  }
0x221: {  	[sflag:s19] =	ssyncadd.s32 $0xFFFFE700  }
0x222: {  	[hbm4b:s10+s3] =	stream.linear.scatter [tilespmem:s26], [sflag:$0x1], $0x1900, $0x38;
	[tilespmem:$0x14500] =	vst v63  }
0x223: {  	_ =	swait.ge [sflag:s19], $0x1900  }
0x224: {  	[sflag:s19] =	ssyncset.done $0x0  }
0x225: {  	[sflag:s19] =	ssyncadd.s32 $0xFFFFE700  }
0x226: {  	[hbm4b:s11+s3] =	stream.linear.scatter [tilespmem:s28], [sflag:$0x1], $0x1900, $0x38;
	[tilespmem:$0x14500] =	vst v63  }
0x227: {  	s30 =	sadd.s32 $0x1, s30;
	_ =	swait.ge [sflag:s19], $0x1900  }
0x228: {  	p0 =	sne.s32 s30, s13;
	[sflag:s19] =	ssyncset.done $0x0  }
.Ltmp3:
0x229: {  	[sflag:s19] =	ssyncadd.s32 $0xFFFFE700;
	(pc) =	sbr.rel @p0 .LBB2_2-.Ltmp3, $4  }
0x22a: {  	[hbm4b:s12+s3] =	stream.linear.scatter [tilespmem:s29], [sflag:$0x1], $0x1900, $0x38;
	[tilespmem:$0x14500] =	vst v63  }
0x22b: {  	_ =	swait.ge [sflag:s19], $0x1900  }
0x22c: {  	[sflag:s19] =	ssyncset.done $0x0  }
0x22d: {  	[sflag:s19] =	ssyncadd.s32 $0xFFFFE700  }
.LBB2_7:
0x22e: {  	_ =	sfence.sel $0x180000  }
0x22f: {  	[bflag:$0x0] =	sbarrier.arrive $0xFFFF  }
0x230: {  	_ =	strace $0x90000047  }
0x231: {  	[bflag:$0x2] =	sbarrier.arrive $0xFFFF  }
0x232: {  	p0 =	sne.s32 s1, $0x0;
	s0 =	rddreg [dreg:$0x2]  }
0x233: {  	s0 =	sadd.s32 @!p0 $0x100000, s0  }
0x234: {  	[sflag:s0] =	ssyncadd.tile.s32 @!p0 $0x1;
	_ =	shalt  }
.Lfunc_end2:
_tile_overlayer_lowered:
.L_overlay_start_2:
0x235: {  	(tag) =	ssettag $0x2  }
0x236: {  	s0 =	rddreg [dreg:$0x0];
	s2 =	stileid.u32  }
0x237: {  	s1 =	rddreg [dreg:$0x1];
	p0 =	sne.s32 s2, $0x0  }
0x238: {  	s3 =	rddreg [dreg:$0x2];
	[bflag:$0x3] =	sbarrier.arrive $0xFFFF;
	s2 =	simm.s32 @!p0 $0x1C01  }
0x239: {  	[timem:s3], [sflag:s2] =	dma.local @!p0 [hbm:s0], s1  }
0x23a: {  	s0 =	simm.s32 @!p0 $0x1  }
0x23b: {  	_ =	swait.ge @!p0 [sflag:s0], s1  }
0x23c: {  	s1 =	ssub.s32 @!p0 $0x0, s1;
	[sflag:s0] =	ssyncset.done @!p0 $0x0  }
0x23d: {  	[sflag:s0] =	ssyncadd.s32 @!p0 s1  }
0x23e: {  	[bflag:$0x3] =	sbarrier.arrive $0xFFFF  }
0x23f: {  	_ =	shalt  }

</sc_bundles>
